<compile_context>
chip_gen: v7x
topology: tpu7x:2x2x1
jax: 0.10.2.dev20260603
libtpu: 0.0.44.dev20260713+nightly
codegen_flags: <defaults>
</compile_context>

<pallas_src>
import functools

import numpy as np
import jax
import jax.numpy as jnp
from jax import lax
from jax.experimental import pallas as pl
from jax.experimental.pallas import tpu as pltpu
from jax.experimental.pallas import tpu_sc as plsc

B = 1024
D_IN = 2048
D_H = 512
HALF = B // 2
THR = np.float32(0.2)
L = 16
RB = 1024
NRB = B // RB

_PERM = np.random.RandomState(0).permutation(B).astype(np.int32)

_BOOT = []
_mem = {0: [], 1: []}
for _p in range(B):
    if len(_mem[0]) >= 2 and len(_mem[1]) >= 2:
        break
    _idx = int(_PERM[_p])
    _c = 0 if _idx < HALF else 1
    if len(_mem[_c]) >= 2:
        raise AssertionError("bootstrap interrupted; generic prologue needed")
    _mem[_c].append(_idx)
    _BOOT.append((_idx, _c, [list(_mem[0]), list(_mem[1])]))
_Q = len(_BOOT)
_A_ROWS = _mem[0]
_N_ROWS = _mem[1]
_SEED_ROWS = _A_ROWS + _N_ROWS


def _boot_products(sim_rows_of):
    binit_a = jnp.maximum(sim_rows_of(_A_ROWS[0]), sim_rows_of(_A_ROWS[1]))
    binit_n = jnp.maximum(sim_rows_of(_N_ROWS[0]), sim_rows_of(_N_ROWS[1]))
    pos = lax.broadcasted_iota(jnp.int32, (1, B), 1)
    oinit = jnp.zeros((1, B), jnp.float32)
    for _idx, _c, (_ma, _mn) in _BOOT:
        a_s = (jnp.float32(0.5) if not _ma
               else functools.reduce(jnp.maximum,
                                     [sim_rows_of(k)[0, _idx] for k in _ma]))
        n_s = (jnp.float32(0.5) if not _mn
               else functools.reduce(jnp.maximum,
                                     [sim_rows_of(k)[0, _idx] for k in _mn]))
        oinit = jnp.where(pos == _idx, a_s - n_s, oinit)
    return binit_a, binit_n, oinit


_KS = sorted(set(_SEED_ROWS))


def _h_body(x_ref, w_ref, b_ref, binit_ref, oinit_ref, hfull, n2full, hks):
    i = pl.program_id(0)
    h = lax.dot_general(x_ref[...], w_ref[...], (((1,), (1,)), ((), ())),
                        preferred_element_type=jnp.float32)
    h = jnp.maximum(h + b_ref[...], 0.0)
    hfull[pl.ds(i * RB, RB), :] = h
    n2full[pl.ds(i * RB, RB), :] = jnp.sum(h * h, axis=1, keepdims=True)
    for r, k in enumerate(_KS):
        @pl.when(i == k // RB)
        def _stash(r=r, o=k % RB):
            hks[r:r + 1, :] = h[o:o + 1, :]

    @pl.when(i == NRB - 1)
    def _tail():
        hf = hfull[...]
        norms = jnp.sqrt(n2full[...])
        nums = lax.dot_general(hks[...], hf, (((1,), (1,)), ((), ())),
                               preferred_element_type=jnp.float32)
        nks = jnp.concatenate([norms[k:k + 1, :] for k in _KS], axis=0)
        sims = nums / jnp.maximum(nks * norms.T, 1e-8)
        rows = {k: sims[r:r + 1, :] for r, k in enumerate(_KS)}
        binit_a, binit_n, oinit = _boot_products(lambda k: rows[k])
        binit_ref[0:1, :] = binit_a
        binit_ref[1:2, :] = binit_n
        oinit_ref[...] = oinit


def _h_and_boot(x, W0, b0):
    return pl.pallas_call(
        _h_body,
        grid=(NRB,),
        in_specs=[
            pl.BlockSpec((RB, D_IN), lambda i: (i, 0)),
            pl.BlockSpec((D_H, D_IN), lambda i: (0, 0)),
            pl.BlockSpec((1, D_H), lambda i: (0, 0)),
        ],
        out_specs=[
            pl.BlockSpec((2, B), lambda i: (0, 0)),
            pl.BlockSpec((1, B), lambda i: (0, 0)),
        ],
        out_shape=(
            jax.ShapeDtypeStruct((2, B), jnp.float32),
            jax.ShapeDtypeStruct((1, B), jnp.float32),
        ),
        scratch_shapes=[pltpu.VMEM((B, D_H), jnp.float32),
                        pltpu.VMEM((B, 1), jnp.float32),
                        pltpu.VMEM((len(_KS), D_H), jnp.float32)],
    )(x, W0, b0.reshape(1, D_H))


def _s_body(x_ref, w_ref, b_ref, s_ref):
    hf = lax.dot_general(x_ref[...], w_ref[...], (((1,), (1,)), ((), ())),
                         preferred_element_type=jnp.float32)
    hf = jnp.maximum(hf + b_ref[...], 0.0)
    g = lax.dot_general(hf, hf, (((1,), (1,)), ((), ())),
                        preferred_element_type=jnp.float32)
    norms = jnp.sqrt(jnp.sum(hf * hf, axis=1, keepdims=True))
    den = jnp.maximum(norms * norms.T, 1e-8)
    s_ref[...] = g / den


def _full_sim(x, W0, b0):
    return pl.pallas_call(
        _s_body,
        out_shape=jax.ShapeDtypeStruct((B, B), jnp.float32),
    )(x, W0, b0.reshape(1, D_H))


def _sweep_body(perm_hbm, binit_hbm, oinit_hbm, out_hbm, j_hbm,
                perm_v, best_a, best_n, outs_v, j_v, sem):
    wid = lax.axis_index("s") * 2 + lax.axis_index("c")

    @pl.when(wid == 0)
    def _run():
        c1 = pltpu.async_copy(perm_hbm, perm_v, sem)
        c2 = pltpu.async_copy(binit_hbm.at[0], best_a, sem)
        c3 = pltpu.async_copy(binit_hbm.at[1], best_n, sem)
        c4 = pltpu.async_copy(oinit_hbm.at[0], outs_v, sem)
        c1.wait()
        c2.wait()
        c3.wait()
        c4.wait()

        lane = lax.iota(jnp.int32, L)

        @plsc.parallel_loop(0, B // L, 1, unroll=4,
                            carry=jnp.full((L,), B, jnp.int32))
        def acc(k, acc_v):
            pos = k * L + lane
            idxs = perm_v[pl.ds(k * L, L)]
            isa = idxs < HALF
            ba = plsc.load_gather(best_a, [idxs])
            bn = plsc.load_gather(best_n, [idxs])
            cs = jnp.where(isa, ba, bn)
            live = pos >= _Q
            flag = (cs < THR) & live
            plsc.store_scatter(outs_v, [idxs], ba - bn, mask=live)
            return jnp.minimum(acc_v, jnp.where(flag, pos, B))

        j_v[...] = acc
        pltpu.sync_copy(outs_v, out_hbm)
        pltpu.sync_copy(j_v, j_hbm)


def _fast_sweep(binit, oinit):
    mesh = plsc.VectorSubcoreMesh(core_axis_name="c", subcore_axis_name="s", num_cores=1)
    perm = jnp.asarray(_PERM)
    run = pl.kernel(
        _sweep_body,
        out_type=(jax.ShapeDtypeStruct((B,), jnp.float32),
                  jax.ShapeDtypeStruct((L,), jnp.int32)),
        mesh=mesh,
        scratch_types=[
            pltpu.VMEM((B,), jnp.int32),
            pltpu.VMEM((B,), jnp.float32),
            pltpu.VMEM((B,), jnp.float32),
            pltpu.VMEM((B,), jnp.float32),
            pltpu.VMEM((L,), jnp.int32),
            pltpu.SemaphoreType.DMA,
        ],
        compiler_params=pltpu.CompilerParams(needs_layout_passes=False),
    )
    return run(perm, binit, oinit)


def _loop_body(s_hbm, perm_hbm, binit_hbm, oinit_hbm, out_hbm,
               perm_v, best_a, best_n, outs_v, row_v, sem):
    wid = lax.axis_index("s") * 2 + lax.axis_index("c")

    @pl.when(wid == 0)
    def _run():
        c1 = pltpu.async_copy(perm_hbm, perm_v, sem)
        c2 = pltpu.async_copy(binit_hbm.at[0], best_a, sem)
        c3 = pltpu.async_copy(binit_hbm.at[1], best_n, sem)
        c4 = pltpu.async_copy(oinit_hbm.at[0], outs_v, sem)
        c1.wait()
        c2.wait()
        c3.wait()
        c4.wait()

        lane = lax.iota(jnp.int32, L)
        lane0 = lane == 0

        def pass_body(carry):
            s, count_a, count_n = carry

            def chunk(k, acc):
                pos = k * L + lane
                idxs = perm_v[pl.ds(k * L, L)]
                isa = idxs < HALF
                ba = plsc.load_gather(best_a, [idxs])
                bn = plsc.load_gather(best_n, [idxs])
                cs = jnp.where(isa, ba, bn)
                cnt = jnp.where(isa, count_a, count_n)
                live = pos >= s
                flag = ((cnt <= 1) | (cs < THR)) & live
                plsc.store_scatter(outs_v, [idxs], ba - bn, mask=live)
                return jnp.minimum(acc, jnp.where(flag, pos, B))

            acc = lax.fori_loop(0, B // L, chunk,
                                jnp.full((L,), B, jnp.int32))
            j = jnp.min(acc)
            found = j < B

            def do_append(c):
                count_a, count_n = c
                j16 = jnp.full((L,), 0, jnp.int32) + j
                idx16 = plsc.load_gather(perm_v, [j16])
                idx_s = jnp.max(idx16)
                is_a = idx_s < HALF

                pltpu.sync_copy(s_hbm.at[idx_s], row_v)

                @pl.when(is_a)
                def _ua():
                    for k in range(B // L):
                        sl = pl.ds(k * L, L)
                        best_a[sl] = jnp.maximum(best_a[sl], row_v[sl])

                @pl.when(jnp.logical_not(is_a))
                def _un():
                    for k in range(B // L):
                        sl = pl.ds(k * L, L)
                        best_n[sl] = jnp.maximum(best_n[sl], row_v[sl])

                count_a = count_a + jnp.where(is_a, 1, 0)
                count_n = count_n + jnp.where(is_a, 0, 1)
                a16 = plsc.load_gather(best_a, [idx16])
                n16 = plsc.load_gather(best_n, [idx16])
                plsc.store_scatter(outs_v, [idx16], a16 - n16, mask=lane0)
                return count_a, count_n

            count_a, count_n = lax.cond(
                found, do_append, lambda c: c, (count_a, count_n))
            return jnp.where(found, j + 1, B), count_a, count_n

        lax.while_loop(lambda c: c[0] < B, pass_body,
                       (jnp.int32(_Q), jnp.int32(len(_A_ROWS)),
                        jnp.int32(len(_N_ROWS))))
        pltpu.sync_copy(outs_v, out_hbm)


def _memory_loop(s, binit, oinit):
    mesh = plsc.VectorSubcoreMesh(core_axis_name="c", subcore_axis_name="s", num_cores=1)
    perm = jnp.asarray(_PERM)
    run = pl.kernel(
        _loop_body,
        out_type=jax.ShapeDtypeStruct((B,), jnp.float32),
        mesh=mesh,
        scratch_types=[
            pltpu.VMEM((B,), jnp.int32),
            pltpu.VMEM((B,), jnp.float32),
            pltpu.VMEM((B,), jnp.float32),
            pltpu.VMEM((B,), jnp.float32),
            pltpu.VMEM((B,), jnp.float32),
            pltpu.SemaphoreType.DMA,
        ],
        compiler_params=pltpu.CompilerParams(needs_layout_passes=False),
    )
    return run(s, perm, binit, oinit)


@jax.jit
def kernel(x, W0, b0):
    binit, oinit = _h_and_boot(x, W0, b0)
    outs_fast, jacc = _fast_sweep(binit, oinit)
    no_appends = jnp.min(jacc) >= B

    def fast(_):
        return outs_fast

    def slow(_):
        return _memory_loop(_full_sim(x, W0, b0), binit, oinit)

    return lax.cond(no_appends, fast, slow, operand=None)

# --- scband reference (transcript-rebuilt; emitter-appended) ---
"""Pipeline reference for scband-learner-55164559950318 (READ-ONLY COPY).

The authoritative reference and input builder live on the scoring server;
editing this copy changes nothing except your own understanding.
"""

import jax, jax.numpy as jnp
import numpy as np


def setup_inputs(seed: int = 0) -> dict:
    key = jax.random.key(seed)
    k1, k2, k3 = jax.random.split(key, 3)
    B, D_in, D_h = 1024, 2048, 512
    x = jax.random.normal(k1, (B, D_in), dtype=jnp.float32)
    # xavier_normal_ for first Linear weight (fan_in=2048, fan_out=512)
    std = (2.0 / (D_in + D_h)) ** 0.5
    W0 = jax.random.normal(k2, (D_h, D_in), dtype=jnp.float32) * std
    bound = 1.0 / (D_in ** 0.5)
    b0 = jax.random.uniform(k3, (D_h,), dtype=jnp.float32, minval=-bound, maxval=bound)
    return {"x": x, "W0": W0, "b0": b0}


def _feature_score(h, norms, mask, q):
    # torch: max over memory of cosine_similarity(mem_i, feature); 0.5 if memory empty
    f = h[q]
    num = h @ f
    den = jnp.maximum(norms * jnp.linalg.norm(f), 1e-8)
    sims = num / den
    mx = jnp.max(jnp.where(mask, sims, -jnp.inf))
    return jnp.where(jnp.sum(mask) == 0, jnp.float32(0.5), mx)


def reference(x, W0, b0):
    B = x.shape[0]
    thr = jnp.float32(0.2)
    # x = relu(linear(x, vars[0], vars[1])); dropout(p=0.0) is identity
    h = jnp.maximum(x @ W0.T + b0, 0.0)
    norms = jnp.linalg.norm(h, axis=1)
    # np.random.shuffle in the torch code is unseeded; fixed seed here for determinism
    perm = jnp.asarray(np.random.RandomState(0).permutation(B), dtype=jnp.int32)

    def body(i, carry):
        a_mask, n_mask, outs = carry
        index = perm[i]
        is_a = index < (B // 2)
        mem = jnp.where(is_a, a_mask, n_mask)
        count = jnp.sum(mem)
        # training-mode memory update (nn.Module defaults to training=True)
        cs = _feature_score(h, norms, mem, index)
        append = jnp.logical_or(count <= 1, thr > cs)
        mem = mem.at[index].set(jnp.logical_or(mem[index], append))
        a_mask = jnp.where(is_a, mem, a_mask)
        n_mask = jnp.where(is_a, n_mask, mem)
        a_s = _feature_score(h, norms, a_mask, index)
        n_s = _feature_score(h, norms, n_mask, index)
        outs = outs.at[index].set(a_s - n_s)
        return a_mask, n_mask, outs

    a_mask0 = jnp.zeros((B,), dtype=bool)
    n_mask0 = jnp.zeros((B,), dtype=bool)
    outs0 = jnp.zeros((B,), dtype=jnp.float32)
    _, _, outs = jax.lax.fori_loop(0, B, body, (a_mask0, n_mask0, outs0))
    return outs

if __name__ == "__main__":
    import jax
    _d = setup_inputs()
    print(jax.jit(kernel)(*tuple(_d.values())))

</pallas_src>

<mosaic_0001>
#map = affine_map<(d0, d1) -> (0)>
#map1 = affine_map<(d0, d1) -> (0, 0)>
module attributes {stable_mosaic.version = 14 : i64} {
  func.func @_sweep_body(%arg0: i32, %arg1: i32, %arg2: memref<1024xi32, #tpu.memory_space<hbm>>, %arg3: memref<2x1024xf32, #tpu.memory_space<hbm>>, %arg4: memref<1x1024xf32, #tpu.memory_space<hbm>>, %arg5: memref<1024xf32, #tpu.memory_space<hbm>>, %arg6: memref<16xi32, #tpu.memory_space<hbm>>, %arg7: memref<1024xi32, #tpu.memory_space<vmem>>, %arg8: memref<1024xf32, #tpu.memory_space<vmem>>, %arg9: memref<1024xf32, #tpu.memory_space<vmem>>, %arg10: memref<1024xf32, #tpu.memory_space<vmem>>, %arg11: memref<16xi32, #tpu.memory_space<vmem>>, %arg12: memref<!tpu.dma_semaphore, #tpu.memory_space<semaphore_mem>>) attributes {dimension_semantics = [#tpu.dimension_semantics<core_parallel>, #tpu.dimension_semantics<subcore_parallel>], iteration_bounds = array<i64: 1, 16>, scalar_prefetch = 0 : i64, scratch_operands = 6 : i64, tpu.core_type = #tpu.core_type<sc_vector_subcore>, window_params = [{transform_indices = #map}, {transform_indices = #map1}, {transform_indices = #map1}, {transform_indices = #map}, {transform_indices = #map}]} {
    %mul3A = arith.constant 2 : i32
    %mul3A_0 = arith.muli %arg1, %mul3A : i32
    %add3A = arith.addi %mul3A_0, %arg0 : i32
    %eq3A = arith.constant 0 : i32
    %eq3A_1 = arith.cmpi eq, %add3A, %eq3A : i32
    %convert_element_type3A = arith.extui %eq3A_1 : i1 to i32
    %cond3A = arith.constant 0 : i32
    %cond3A_2 = arith.cmpi ne, %convert_element_type3A, %cond3A : i32
    scf.if %cond3A_2 {
      tpu.enqueue_dma source(%arg2 : memref<1024xi32, #tpu.memory_space<hbm>>) target(%arg7 : memref<1024xi32, #tpu.memory_space<vmem>>) target_semaphore(%arg12 : memref<!tpu.dma_semaphore, #tpu.memory_space<semaphore_mem>>)
      %dma_start3A = arith.constant 0 : i32
      %dma_start3A_3 = arith.constant 0 : i32
      %dma_start3A_4 = tpu.memref_slice %arg3[%dma_start3A, %dma_start3A_3] : memref<2x1024xf32, #tpu.memory_space<hbm>> -> memref<1x1024xf32, #tpu.memory_space<hbm>>
      %dma_start3A_5 = tpu.memref_squeeze %dma_start3A_4 : memref<1x1024xf32, #tpu.memory_space<hbm>> -> memref<1024xf32, #tpu.memory_space<hbm>>
      %dma_start3A_6 = arith.constant 0 : i32
      %dma_start3A_7 = tpu.memref_slice %arg3[%dma_start3A, %dma_start3A_6] : memref<2x1024xf32, #tpu.memory_space<hbm>> -> memref<1x1024xf32, #tpu.memory_space<hbm>>
      %dma_start3A_8 = tpu.memref_squeeze %dma_start3A_7 : memref<1x1024xf32, #tpu.memory_space<hbm>> -> memref<1024xf32, #tpu.memory_space<hbm>>
      tpu.enqueue_dma source(%dma_start3A_8 : memref<1024xf32, #tpu.memory_space<hbm>>) target(%arg8 : memref<1024xf32, #tpu.memory_space<vmem>>) target_semaphore(%arg12 : memref<!tpu.dma_semaphore, #tpu.memory_space<semaphore_mem>>)
      %dma_start3A_9 = arith.constant 1 : i32
      %dma_start3A_10 = arith.constant 0 : i32
      %dma_start3A_11 = tpu.memref_slice %arg3[%dma_start3A_9, %dma_start3A_10] : memref<2x1024xf32, #tpu.memory_space<hbm>> -> memref<1x1024xf32, #tpu.memory_space<hbm>>
      %dma_start3A_12 = tpu.memref_squeeze %dma_start3A_11 : memref<1x1024xf32, #tpu.memory_space<hbm>> -> memref<1024xf32, #tpu.memory_space<hbm>>
      %dma_start3A_13 = arith.constant 0 : i32
      %dma_start3A_14 = tpu.memref_slice %arg3[%dma_start3A_9, %dma_start3A_13] : memref<2x1024xf32, #tpu.memory_space<hbm>> -> memref<1x1024xf32, #tpu.memory_space<hbm>>
      %dma_start3A_15 = tpu.memref_squeeze %dma_start3A_14 : memref<1x1024xf32, #tpu.memory_space<hbm>> -> memref<1024xf32, #tpu.memory_space<hbm>>
      tpu.enqueue_dma source(%dma_start3A_15 : memref<1024xf32, #tpu.memory_space<hbm>>) target(%arg9 : memref<1024xf32, #tpu.memory_space<vmem>>) target_semaphore(%arg12 : memref<!tpu.dma_semaphore, #tpu.memory_space<semaphore_mem>>)
      %dma_start3A_16 = arith.constant 0 : i32
      %dma_start3A_17 = arith.constant 0 : i32
      %dma_start3A_18 = tpu.memref_slice %arg4[%dma_start3A_16, %dma_start3A_17] : memref<1x1024xf32, #tpu.memory_space<hbm>> -> memref<1x1024xf32, #tpu.memory_space<hbm>>
      %dma_start3A_19 = tpu.memref_squeeze %dma_start3A_18 : memref<1x1024xf32, #tpu.memory_space<hbm>> -> memref<1024xf32, #tpu.memory_space<hbm>>
      %dma_start3A_20 = arith.constant 0 : i32
      %dma_start3A_21 = tpu.memref_slice %arg4[%dma_start3A_16, %dma_start3A_20] : memref<1x1024xf32, #tpu.memory_space<hbm>> -> memref<1x1024xf32, #tpu.memory_space<hbm>>
      %dma_start3A_22 = tpu.memref_squeeze %dma_start3A_21 : memref<1x1024xf32, #tpu.memory_space<hbm>> -> memref<1024xf32, #tpu.memory_space<hbm>>
      tpu.enqueue_dma source(%dma_start3A_22 : memref<1024xf32, #tpu.memory_space<hbm>>) target(%arg10 : memref<1024xf32, #tpu.memory_space<vmem>>) target_semaphore(%arg12 : memref<!tpu.dma_semaphore, #tpu.memory_space<semaphore_mem>>)
      tpu.wait_dma2 semaphore(%arg12 : memref<!tpu.dma_semaphore, #tpu.memory_space<semaphore_mem>>) src(%arg2 : memref<1024xi32, #tpu.memory_space<hbm>>) dst(%arg7 : memref<1024xi32, #tpu.memory_space<vmem>>)
      %dma_wait3A = arith.constant 0 : i32
      %dma_wait3A_23 = arith.constant 0 : i32
      %dma_wait3A_24 = tpu.memref_slice %arg3[%dma_wait3A, %dma_wait3A_23] : memref<2x1024xf32, #tpu.memory_space<hbm>> -> memref<1x1024xf32, #tpu.memory_space<hbm>>
      %dma_wait3A_25 = tpu.memref_squeeze %dma_wait3A_24 : memref<1x1024xf32, #tpu.memory_space<hbm>> -> memref<1024xf32, #tpu.memory_space<hbm>>
      %dma_wait3A_26 = arith.constant 0 : i32
      %dma_wait3A_27 = tpu.memref_slice %arg3[%dma_wait3A, %dma_wait3A_26] : memref<2x1024xf32, #tpu.memory_space<hbm>> -> memref<1x1024xf32, #tpu.memory_space<hbm>>
      %dma_wait3A_28 = tpu.memref_squeeze %dma_wait3A_27 : memref<1x1024xf32, #tpu.memory_space<hbm>> -> memref<1024xf32, #tpu.memory_space<hbm>>
      tpu.wait_dma2 semaphore(%arg12 : memref<!tpu.dma_semaphore, #tpu.memory_space<semaphore_mem>>) src(%dma_wait3A_28 : memref<1024xf32, #tpu.memory_space<hbm>>) dst(%arg8 : memref<1024xf32, #tpu.memory_space<vmem>>)
      %dma_wait3A_29 = arith.constant 1 : i32
      %dma_wait3A_30 = arith.constant 0 : i32
      %dma_wait3A_31 = tpu.memref_slice %arg3[%dma_wait3A_29, %dma_wait3A_30] : memref<2x1024xf32, #tpu.memory_space<hbm>> -> memref<1x1024xf32, #tpu.memory_space<hbm>>
      %dma_wait3A_32 = tpu.memref_squeeze %dma_wait3A_31 : memref<1x1024xf32, #tpu.memory_space<hbm>> -> memref<1024xf32, #tpu.memory_space<hbm>>
      %dma_wait3A_33 = arith.constant 0 : i32
      %dma_wait3A_34 = tpu.memref_slice %arg3[%dma_wait3A_29, %dma_wait3A_33] : memref<2x1024xf32, #tpu.memory_space<hbm>> -> memref<1x1024xf32, #tpu.memory_space<hbm>>
      %dma_wait3A_35 = tpu.memref_squeeze %dma_wait3A_34 : memref<1x1024xf32, #tpu.memory_space<hbm>> -> memref<1024xf32, #tpu.memory_space<hbm>>
      tpu.wait_dma2 semaphore(%arg12 : memref<!tpu.dma_semaphore, #tpu.memory_space<semaphore_mem>>) src(%dma_wait3A_35 : memref<1024xf32, #tpu.memory_space<hbm>>) dst(%arg9 : memref<1024xf32, #tpu.memory_space<vmem>>)
      %dma_wait3A_36 = arith.constant 0 : i32
      %dma_wait3A_37 = arith.constant 0 : i32
      %dma_wait3A_38 = tpu.memref_slice %arg4[%dma_wait3A_36, %dma_wait3A_37] : memref<1x1024xf32, #tpu.memory_space<hbm>> -> memref<1x1024xf32, #tpu.memory_space<hbm>>
      %dma_wait3A_39 = tpu.memref_squeeze %dma_wait3A_38 : memref<1x1024xf32, #tpu.memory_space<hbm>> -> memref<1024xf32, #tpu.memory_space<hbm>>
      %dma_wait3A_40 = arith.constant 0 : i32
      %dma_wait3A_41 = tpu.memref_slice %arg4[%dma_wait3A_36, %dma_wait3A_40] : memref<1x1024xf32, #tpu.memory_space<hbm>> -> memref<1x1024xf32, #tpu.memory_space<hbm>>
      %dma_wait3A_42 = tpu.memref_squeeze %dma_wait3A_41 : memref<1x1024xf32, #tpu.memory_space<hbm>> -> memref<1024xf32, #tpu.memory_space<hbm>>
      tpu.wait_dma2 semaphore(%arg12 : memref<!tpu.dma_semaphore, #tpu.memory_space<semaphore_mem>>) src(%dma_wait3A_42 : memref<1024xf32, #tpu.memory_space<hbm>>) dst(%arg10 : memref<1024xf32, #tpu.memory_space<vmem>>)
      %iota3A = tpu.iota {dimensions = array<i32: 0>} : vector<16xi32>
      %broadcast_in_dim3A = arith.constant 1024 : i32
      %broadcast_in_dim3A_43 = vector.broadcast %broadcast_in_dim3A : i32 to vector<16xi32>
      %parallel_loop3A = arith.constant 0 : i32
      %parallel_loop3A_44 = arith.constant 64 : i32
      %parallel_loop3A_45 = arith.constant 1 : i32
      %parallel_loop3A_46 = scf.for %parallel_loop3A_48 = %parallel_loop3A to %parallel_loop3A_44 step %parallel_loop3A_45 iter_args(%parallel_loop3A_49 = %broadcast_in_dim3A_43) -> (vector<16xi32>)  : i32 {
        %parallel_loop3A_50 = arith.constant 16 : i32
        %parallel_loop3A_51 = arith.muli %parallel_loop3A_48, %parallel_loop3A_50 : i32
        %parallel_loop3A_52 = vector.broadcast %parallel_loop3A_51 : i32 to vector<16xi32>
        %parallel_loop3A_53 = arith.addi %parallel_loop3A_52, %iota3A : vector<16xi32>
        %parallel_loop3A_54 = arith.constant 16 : i32
        %parallel_loop3A_55 = arith.muli %parallel_loop3A_48, %parallel_loop3A_54 : i32
        %parallel_loop3A_56 = arith.index_cast %parallel_loop3A_55 : i32 to index
        %parallel_loop3A_57 = tpu.vector_load %arg7[%parallel_loop3A_56] {strides = array<i32>} : memref<1024xi32, #tpu.memory_space<vmem>>, vector<16xi32>,
        %parallel_loop3A_58 = arith.constant 512 : i32
        %parallel_loop3A_59 = vector.broadcast %parallel_loop3A_58 : i32 to vector<16xi32>
        %parallel_loop3A_60 = arith.cmpi slt, %parallel_loop3A_57, %parallel_loop3A_59 : vector<16xi32>
        %parallel_loop3A_61 = tpu.vector_load_idx %arg8[%parallel_loop3A_57] : memref<1024xf32, #tpu.memory_space<vmem>>[vector<16xi32>], vector<16xf32>,
        %parallel_loop3A_62 = tpu.vector_load_idx %arg9[%parallel_loop3A_57] : memref<1024xf32, #tpu.memory_space<vmem>>[vector<16xi32>], vector<16xf32>,
        %parallel_loop3A_63 = arith.select %parallel_loop3A_60, %parallel_loop3A_61, %parallel_loop3A_62 : vector<16xi1>, vector<16xf32>
        %parallel_loop3A_64 = arith.constant 4 : i32
        %parallel_loop3A_65 = vector.broadcast %parallel_loop3A_64 : i32 to vector<16xi32>
        %parallel_loop3A_66 = arith.cmpi sge, %parallel_loop3A_53, %parallel_loop3A_65 : vector<16xi32>
        %parallel_loop3A_67 = arith.constant 2.000000e-01 : f32
        %parallel_loop3A_68 = vector.broadcast %parallel_loop3A_67 : f32 to vector<16xf32>
        %parallel_loop3A_69 = arith.cmpf olt, %parallel_loop3A_63, %parallel_loop3A_68 : vector<16xf32>
        %parallel_loop3A_70 = arith.andi %parallel_loop3A_69, %parallel_loop3A_66 : vector<16xi1>
        %parallel_loop3A_71 = arith.subf %parallel_loop3A_61, %parallel_loop3A_62 : vector<16xf32>
        tpu.vector_store_idx %arg10[%parallel_loop3A_57], %parallel_loop3A_71 masked %parallel_loop3A_66 : memref<1024xf32, #tpu.memory_space<vmem>>[vector<16xi32>], vector<16xf32>, vector<16xi1>
        %parallel_loop3A_72 = arith.constant 1024 : i32
        %parallel_loop3A_73 = vector.broadcast %parallel_loop3A_72 : i32 to vector<16xi32>
        %parallel_loop3A_74 = arith.select %parallel_loop3A_70, %parallel_loop3A_53, %parallel_loop3A_73 : vector<16xi1>, vector<16xi32>
        %parallel_loop3A_75 = arith.minsi %parallel_loop3A_49, %parallel_loop3A_74 : vector<16xi32>
        scf.yield %parallel_loop3A_75 : vector<16xi32>
      } {sc.loop_unroll_factor = 4 : i64, sc.parallel_access}
      %swap3A = arith.constant 0 : index
      %swap3A_47 = tpu.vector_load %arg11[%swap3A] {strides = array<i32>} : memref<16xi32, #tpu.memory_space<vmem>>, vector<16xi32>,
      tpu.vector_store %arg11[%swap3A], %parallel_loop3A_46 {strides = array<i32>} : memref<16xi32, #tpu.memory_space<vmem>>, vector<16xi32>,
      "tpu.region"() ({
        %run_scoped3A = tpu.sem_alloc : memref<!tpu.dma_semaphore, #tpu.memory_space<semaphore_mem>>
        tpu.enqueue_dma source(%arg10 : memref<1024xf32, #tpu.memory_space<vmem>>) target(%arg5 : memref<1024xf32, #tpu.memory_space<hbm>>) target_semaphore(%run_scoped3A : memref<!tpu.dma_semaphore, #tpu.memory_space<semaphore_mem>>)
        tpu.wait_dma2 semaphore(%run_scoped3A : memref<!tpu.dma_semaphore, #tpu.memory_space<semaphore_mem>>) src(%arg10 : memref<1024xf32, #tpu.memory_space<vmem>>) dst(%arg5 : memref<1024xf32, #tpu.memory_space<hbm>>)
        tpu.yield
      }) : () -> ()
      "tpu.region"() ({
        %run_scoped3A = tpu.sem_alloc : memref<!tpu.dma_semaphore, #tpu.memory_space<semaphore_mem>>
        tpu.enqueue_dma source(%arg11 : memref<16xi32, #tpu.memory_space<vmem>>) target(%arg6 : memref<16xi32, #tpu.memory_space<hbm>>) target_semaphore(%run_scoped3A : memref<!tpu.dma_semaphore, #tpu.memory_space<semaphore_mem>>)
        tpu.wait_dma2 semaphore(%run_scoped3A : memref<!tpu.dma_semaphore, #tpu.memory_space<semaphore_mem>>) src(%arg11 : memref<16xi32, #tpu.memory_space<vmem>>) dst(%arg6 : memref<16xi32, #tpu.memory_space<hbm>>)
        tpu.yield
      }) : () -> ()
    } else {
    }
    return
  }
}

#map = affine_map<(d0, d1) -> (0, 0)>
#map1 = affine_map<(d0, d1) -> (0)>
module attributes {stable_mosaic.version = 14 : i64} {
  func.func @_loop_body(%arg0: i32, %arg1: i32, %arg2: memref<1024x1024xf32, #tpu.memory_space<hbm>>, %arg3: memref<1024xi32, #tpu.memory_space<hbm>>, %arg4: memref<2x1024xf32, #tpu.memory_space<hbm>>, %arg5: memref<1x1024xf32, #tpu.memory_space<hbm>>, %arg6: memref<1024xf32, #tpu.memory_space<hbm>>, %arg7: memref<1024xi32, #tpu.memory_space<vmem>>, %arg8: memref<1024xf32, #tpu.memory_space<vmem>>, %arg9: memref<1024xf32, #tpu.memory_space<vmem>>, %arg10: memref<1024xf32, #tpu.memory_space<vmem>>, %arg11: memref<1024xf32, #tpu.memory_space<vmem>>, %arg12: memref<!tpu.dma_semaphore, #tpu.memory_space<semaphore_mem>>) attributes {dimension_semantics = [#tpu.dimension_semantics<core_parallel>, #tpu.dimension_semantics<subcore_parallel>], iteration_bounds = array<i64: 1, 16>, scalar_prefetch = 0 : i64, scratch_operands = 6 : i64, tpu.core_type = #tpu.core_type<sc_vector_subcore>, window_params = [{transform_indices = #map}, {transform_indices = #map1}, {transform_indices = #map}, {transform_indices = #map}, {transform_indices = #map1}]} {
    %mul3A = arith.constant 2 : i32
    %mul3A_0 = arith.muli %arg1, %mul3A : i32
    %add3A = arith.addi %mul3A_0, %arg0 : i32
    %eq3A = arith.constant 0 : i32
    %eq3A_1 = arith.cmpi eq, %add3A, %eq3A : i32
    %convert_element_type3A = arith.extui %eq3A_1 : i1 to i32
    %cond3A = arith.constant 0 : i32
    %cond3A_2 = arith.cmpi ne, %convert_element_type3A, %cond3A : i32
    scf.if %cond3A_2 {
      tpu.enqueue_dma source(%arg3 : memref<1024xi32, #tpu.memory_space<hbm>>) target(%arg7 : memref<1024xi32, #tpu.memory_space<vmem>>) target_semaphore(%arg12 : memref<!tpu.dma_semaphore, #tpu.memory_space<semaphore_mem>>)
      %dma_start3A = arith.constant 0 : i32
      %dma_start3A_3 = arith.constant 0 : i32
      %dma_start3A_4 = tpu.memref_slice %arg4[%dma_start3A, %dma_start3A_3] : memref<2x1024xf32, #tpu.memory_space<hbm>> -> memref<1x1024xf32, #tpu.memory_space<hbm>>
      %dma_start3A_5 = tpu.memref_squeeze %dma_start3A_4 : memref<1x1024xf32, #tpu.memory_space<hbm>> -> memref<1024xf32, #tpu.memory_space<hbm>>
      %dma_start3A_6 = arith.constant 0 : i32
      %dma_start3A_7 = tpu.memref_slice %arg4[%dma_start3A, %dma_start3A_6] : memref<2x1024xf32, #tpu.memory_space<hbm>> -> memref<1x1024xf32, #tpu.memory_space<hbm>>
      %dma_start3A_8 = tpu.memref_squeeze %dma_start3A_7 : memref<1x1024xf32, #tpu.memory_space<hbm>> -> memref<1024xf32, #tpu.memory_space<hbm>>
      tpu.enqueue_dma source(%dma_start3A_8 : memref<1024xf32, #tpu.memory_space<hbm>>) target(%arg8 : memref<1024xf32, #tpu.memory_space<vmem>>) target_semaphore(%arg12 : memref<!tpu.dma_semaphore, #tpu.memory_space<semaphore_mem>>)
      %dma_start3A_9 = arith.constant 1 : i32
      %dma_start3A_10 = arith.constant 0 : i32
      %dma_start3A_11 = tpu.memref_slice %arg4[%dma_start3A_9, %dma_start3A_10] : memref<2x1024xf32, #tpu.memory_space<hbm>> -> memref<1x1024xf32, #tpu.memory_space<hbm>>
      %dma_start3A_12 = tpu.memref_squeeze %dma_start3A_11 : memref<1x1024xf32, #tpu.memory_space<hbm>> -> memref<1024xf32, #tpu.memory_space<hbm>>
      %dma_start3A_13 = arith.constant 0 : i32
      %dma_start3A_14 = tpu.memref_slice %arg4[%dma_start3A_9, %dma_start3A_13] : memref<2x1024xf32, #tpu.memory_space<hbm>> -> memref<1x1024xf32, #tpu.memory_space<hbm>>
      %dma_start3A_15 = tpu.memref_squeeze %dma_start3A_14 : memref<1x1024xf32, #tpu.memory_space<hbm>> -> memref<1024xf32, #tpu.memory_space<hbm>>
      tpu.enqueue_dma source(%dma_start3A_15 : memref<1024xf32, #tpu.memory_space<hbm>>) target(%arg9 : memref<1024xf32, #tpu.memory_space<vmem>>) target_semaphore(%arg12 : memref<!tpu.dma_semaphore, #tpu.memory_space<semaphore_mem>>)
      %dma_start3A_16 = arith.constant 0 : i32
      %dma_start3A_17 = arith.constant 0 : i32
      %dma_start3A_18 = tpu.memref_slice %arg5[%dma_start3A_16, %dma_start3A_17] : memref<1x1024xf32, #tpu.memory_space<hbm>> -> memref<1x1024xf32, #tpu.memory_space<hbm>>
      %dma_start3A_19 = tpu.memref_squeeze %dma_start3A_18 : memref<1x1024xf32, #tpu.memory_space<hbm>> -> memref<1024xf32, #tpu.memory_space<hbm>>
      %dma_start3A_20 = arith.constant 0 : i32
      %dma_start3A_21 = tpu.memref_slice %arg5[%dma_start3A_16, %dma_start3A_20] : memref<1x1024xf32, #tpu.memory_space<hbm>> -> memref<1x1024xf32, #tpu.memory_space<hbm>>
      %dma_start3A_22 = tpu.memref_squeeze %dma_start3A_21 : memref<1x1024xf32, #tpu.memory_space<hbm>> -> memref<1024xf32, #tpu.memory_space<hbm>>
      tpu.enqueue_dma source(%dma_start3A_22 : memref<1024xf32, #tpu.memory_space<hbm>>) target(%arg10 : memref<1024xf32, #tpu.memory_space<vmem>>) target_semaphore(%arg12 : memref<!tpu.dma_semaphore, #tpu.memory_space<semaphore_mem>>)
      tpu.wait_dma2 semaphore(%arg12 : memref<!tpu.dma_semaphore, #tpu.memory_space<semaphore_mem>>) src(%arg3 : memref<1024xi32, #tpu.memory_space<hbm>>) dst(%arg7 : memref<1024xi32, #tpu.memory_space<vmem>>)
      %dma_wait3A = arith.constant 0 : i32
      %dma_wait3A_23 = arith.constant 0 : i32
      %dma_wait3A_24 = tpu.memref_slice %arg4[%dma_wait3A, %dma_wait3A_23] : memref<2x1024xf32, #tpu.memory_space<hbm>> -> memref<1x1024xf32, #tpu.memory_space<hbm>>
      %dma_wait3A_25 = tpu.memref_squeeze %dma_wait3A_24 : memref<1x1024xf32, #tpu.memory_space<hbm>> -> memref<1024xf32, #tpu.memory_space<hbm>>
      %dma_wait3A_26 = arith.constant 0 : i32
      %dma_wait3A_27 = tpu.memref_slice %arg4[%dma_wait3A, %dma_wait3A_26] : memref<2x1024xf32, #tpu.memory_space<hbm>> -> memref<1x1024xf32, #tpu.memory_space<hbm>>
      %dma_wait3A_28 = tpu.memref_squeeze %dma_wait3A_27 : memref<1x1024xf32, #tpu.memory_space<hbm>> -> memref<1024xf32, #tpu.memory_space<hbm>>
      tpu.wait_dma2 semaphore(%arg12 : memref<!tpu.dma_semaphore, #tpu.memory_space<semaphore_mem>>) src(%dma_wait3A_28 : memref<1024xf32, #tpu.memory_space<hbm>>) dst(%arg8 : memref<1024xf32, #tpu.memory_space<vmem>>)
      %dma_wait3A_29 = arith.constant 1 : i32
      %dma_wait3A_30 = arith.constant 0 : i32
      %dma_wait3A_31 = tpu.memref_slice %arg4[%dma_wait3A_29, %dma_wait3A_30] : memref<2x1024xf32, #tpu.memory_space<hbm>> -> memref<1x1024xf32, #tpu.memory_space<hbm>>
      %dma_wait3A_32 = tpu.memref_squeeze %dma_wait3A_31 : memref<1x1024xf32, #tpu.memory_space<hbm>> -> memref<1024xf32, #tpu.memory_space<hbm>>
      %dma_wait3A_33 = arith.constant 0 : i32
      %dma_wait3A_34 = tpu.memref_slice %arg4[%dma_wait3A_29, %dma_wait3A_33] : memref<2x1024xf32, #tpu.memory_space<hbm>> -> memref<1x1024xf32, #tpu.memory_space<hbm>>
      %dma_wait3A_35 = tpu.memref_squeeze %dma_wait3A_34 : memref<1x1024xf32, #tpu.memory_space<hbm>> -> memref<1024xf32, #tpu.memory_space<hbm>>
      tpu.wait_dma2 semaphore(%arg12 : memref<!tpu.dma_semaphore, #tpu.memory_space<semaphore_mem>>) src(%dma_wait3A_35 : memref<1024xf32, #tpu.memory_space<hbm>>) dst(%arg9 : memref<1024xf32, #tpu.memory_space<vmem>>)
      %dma_wait3A_36 = arith.constant 0 : i32
      %dma_wait3A_37 = arith.constant 0 : i32
      %dma_wait3A_38 = tpu.memref_slice %arg5[%dma_wait3A_36, %dma_wait3A_37] : memref<1x1024xf32, #tpu.memory_space<hbm>> -> memref<1x1024xf32, #tpu.memory_space<hbm>>
      %dma_wait3A_39 = tpu.memref_squeeze %dma_wait3A_38 : memref<1x1024xf32, #tpu.memory_space<hbm>> -> memref<1024xf32, #tpu.memory_space<hbm>>
      %dma_wait3A_40 = arith.constant 0 : i32
      %dma_wait3A_41 = tpu.memref_slice %arg5[%dma_wait3A_36, %dma_wait3A_40] : memref<1x1024xf32, #tpu.memory_space<hbm>> -> memref<1x1024xf32, #tpu.memory_space<hbm>>
      %dma_wait3A_42 = tpu.memref_squeeze %dma_wait3A_41 : memref<1x1024xf32, #tpu.memory_space<hbm>> -> memref<1024xf32, #tpu.memory_space<hbm>>
      tpu.wait_dma2 semaphore(%arg12 : memref<!tpu.dma_semaphore, #tpu.memory_space<semaphore_mem>>) src(%dma_wait3A_42 : memref<1024xf32, #tpu.memory_space<hbm>>) dst(%arg10 : memref<1024xf32, #tpu.memory_space<vmem>>)
      %iota3A = tpu.iota {dimensions = array<i32: 0>} : vector<16xi32>
      %eq3A_43 = arith.constant 0 : i32
      %eq3A_44 = vector.broadcast %eq3A_43 : i32 to vector<16xi32>
      %eq3A_45 = arith.cmpi eq, %iota3A, %eq3A_44 : vector<16xi32>
      %while3A = arith.constant 4 : i32
      %while3A_46 = arith.constant 2 : i32
      %while3A_47 = arith.constant 2 : i32
      %while3A_48:3 = scf.while (%while3A_49 = %while3A, %while3A_50 = %while3A_46, %while3A_51 = %while3A_47) : (i32, i32, i32) -> (i32, i32, i32) {
        %lt3A = arith.constant 1024 : i32
        %lt3A_52 = arith.cmpi slt, %while3A_49, %lt3A : i32
        scf.condition(%lt3A_52) %while3A_49, %while3A_50, %while3A_51 : i32, i32, i32
      } do {
      ^bb0(%while3A_49: i32, %while3A_50: i32, %while3A_51: i32):
        %broadcast_in_dim3A = arith.constant 1024 : i32
        %broadcast_in_dim3A_52 = vector.broadcast %broadcast_in_dim3A : i32 to vector<16xi32>
        %scan3A = arith.constant 0 : i32
        %scan3A_53 = arith.constant 64 : i32
        %scan3A_54 = arith.addi %scan3A, %scan3A_53 : i32
        %scan3A_55 = arith.constant 1 : i32
        %scan3A_56 = scf.for %scan3A_72 = %scan3A to %scan3A_54 step %scan3A_55 iter_args(%scan3A_73 = %broadcast_in_dim3A_52) -> (vector<16xi32>)  : i32 {
          %mul3A_74 = arith.constant 16 : i32
          %mul3A_75 = arith.muli %scan3A_72, %mul3A_74 : i32
          %add3A_76 = vector.broadcast %mul3A_75 : i32 to vector<16xi32>
          %add3A_77 = arith.addi %add3A_76, %iota3A : vector<16xi32>
          %mul3A_78 = arith.constant 16 : i32
          %mul3A_79 = arith.muli %scan3A_72, %mul3A_78 : i32
          %get3A = arith.index_cast %mul3A_79 : i32 to index
          %get3A_80 = tpu.vector_load %arg7[%get3A] {strides = array<i32>} : memref<1024xi32, #tpu.memory_space<vmem>>, vector<16xi32>,
          %lt3A_81 = arith.constant 512 : i32
          %lt3A_82 = vector.broadcast %lt3A_81 : i32 to vector<16xi32>
          %lt3A_83 = arith.cmpi slt, %get3A_80, %lt3A_82 : vector<16xi32>
          %gather3A = tpu.vector_load_idx %arg8[%get3A_80] : memref<1024xf32, #tpu.memory_space<vmem>>[vector<16xi32>], vector<16xf32>,
          %gather3A_84 = tpu.vector_load_idx %arg9[%get3A_80] : memref<1024xf32, #tpu.memory_space<vmem>>[vector<16xi32>], vector<16xf32>,
          %select_n3A_85 = arith.select %lt3A_83, %gather3A, %gather3A_84 : vector<16xi1>, vector<16xf32>
          %broadcast_in_dim3A_86 = vector.broadcast %while3A_50 : i32 to vector<16xi32>
          %broadcast_in_dim3A_87 = vector.broadcast %while3A_51 : i32 to vector<16xi32>
          %select_n3A_88 = arith.select %lt3A_83, %broadcast_in_dim3A_86, %broadcast_in_dim3A_87 : vector<16xi1>, vector<16xi32>
          %ge3A = vector.broadcast %while3A_49 : i32 to vector<16xi32>
          %ge3A_89 = arith.cmpi sge, %add3A_77, %ge3A : vector<16xi32>
          %le3A = arith.constant 1 : i32
          %le3A_90 = vector.broadcast %le3A : i32 to vector<16xi32>
          %le3A_91 = arith.cmpi sle, %select_n3A_88, %le3A_90 : vector<16xi32>
          %lt3A_92 = arith.constant 2.000000e-01 : f32
          %lt3A_93 = vector.broadcast %lt3A_92 : f32 to vector<16xf32>
          %lt3A_94 = arith.cmpf olt, %select_n3A_85, %lt3A_93 : vector<16xf32>
          %or3A = arith.ori %le3A_91, %lt3A_94 : vector<16xi1>
          %and3A = arith.andi %or3A, %ge3A_89 : vector<16xi1>
          %sub3A = arith.subf %gather3A, %gather3A_84 : vector<16xf32>
          tpu.vector_store_idx %arg10[%get3A_80], %sub3A masked %ge3A_89 : memref<1024xf32, #tpu.memory_space<vmem>>[vector<16xi32>], vector<16xf32>, vector<16xi1>
          %jit3A_95 = arith.constant 1024 : i32
          %broadcast_in_dim3A_96 = vector.broadcast %jit3A_95 : i32 to vector<16xi32>
          %select_n3A_97 = arith.select %and3A, %add3A_77, %broadcast_in_dim3A_96 : vector<16xi1>, vector<16xi32>
          %min3A = arith.minsi %scan3A_73, %select_n3A_97 : vector<16xi32>
          scf.yield %min3A : vector<16xi32>
        }
        %scan3A_57 = arith.constant 64 : i32
        %reduce_min3A = arith.constant true
        %reduce_min3A_58 = vector.broadcast %reduce_min3A : i1 to vector<16xi1>
        %reduce_min3A_59 = arith.constant -2147483648 : i32
        %reduce_min3A_60 = vector.broadcast %reduce_min3A_59 : i32 to vector<16xi32>
        %reduce_min3A_61 = arith.xori %scan3A_56, %reduce_min3A_60 : vector<16xi32>
        %reduce_min3A_62 = tpu.scan <min>, %reduce_min3A_61 masked %reduce_min3A_58 : vector<16xi32>, vector<16xi1> -> vector<16xi32>
        %reduce_min3A_63 = arith.xori %reduce_min3A_62, %reduce_min3A_60 : vector<16xi32>
        %reduce_min3A_64 = vector.extract %reduce_min3A_63[15] : i32 from vector<16xi32>
        %lt3A = arith.constant 1024 : i32
        %lt3A_65 = arith.cmpi slt, %reduce_min3A_64, %lt3A : i32
        %convert_element_type3A_66 = arith.extui %lt3A_65 : i1 to i32
        %cond3A_67 = arith.constant 0 : i32
        %cond3A_68 = arith.cmpi ne, %convert_element_type3A_66, %cond3A_67 : i32
        %cond3A_69:2 = scf.if %cond3A_68 -> (i32, i32) {
          %broadcast_in_dim3A_72 = arith.constant 0 : i32
          %broadcast_in_dim3A_73 = vector.broadcast %broadcast_in_dim3A_72 : i32 to vector<16xi32>
          %add3A_74 = vector.broadcast %reduce_min3A_64 : i32 to vector<16xi32>
          %add3A_75 = arith.addi %broadcast_in_dim3A_73, %add3A_74 : vector<16xi32>
          %gather3A = tpu.vector_load_idx %arg7[%add3A_75] : memref<1024xi32, #tpu.memory_space<vmem>>[vector<16xi32>], vector<16xi32>,
          %reduce_max3A = arith.constant true
          %reduce_max3A_76 = vector.broadcast %reduce_max3A : i1 to vector<16xi1>
          %reduce_max3A_77 = arith.constant -2147483648 : i32
          %reduce_max3A_78 = vector.broadcast %reduce_max3A_77 : i32 to vector<16xi32>
          %reduce_max3A_79 = arith.xori %gather3A, %reduce_max3A_78 : vector<16xi32>
          %reduce_max3A_80 = tpu.scan <max>, %reduce_max3A_79 masked %reduce_max3A_76 : vector<16xi32>, vector<16xi1> -> vector<16xi32>
          %reduce_max3A_81 = arith.xori %reduce_max3A_80, %reduce_max3A_78 : vector<16xi32>
          %reduce_max3A_82 = vector.extract %reduce_max3A_81[15] : i32 from vector<16xi32>
          %lt3A_83 = arith.constant 512 : i32
          %lt3A_84 = arith.cmpi slt, %reduce_max3A_82, %lt3A_83 : i32
          "tpu.region"() ({
            %run_scoped3A = tpu.sem_alloc : memref<!tpu.dma_semaphore, #tpu.memory_space<semaphore_mem>>
            %dma_start3A_102 = arith.constant 0 : i32
            %dma_start3A_103 = tpu.memref_slice %arg2[%reduce_max3A_82, %dma_start3A_102] : memref<1024x1024xf32, #tpu.memory_space<hbm>> -> memref<1x1024xf32, #tpu.memory_space<hbm>>
            %dma_start3A_104 = tpu.memref_squeeze %dma_start3A_103 : memref<1x1024xf32, #tpu.memory_space<hbm>> -> memref<1024xf32, #tpu.memory_space<hbm>>
            %dma_start3A_105 = arith.constant 0 : i32
            %dma_start3A_106 = tpu.memref_slice %arg2[%reduce_max3A_82, %dma_start3A_105] : memref<1024x1024xf32, #tpu.memory_space<hbm>> -> memref<1x1024xf32, #tpu.memory_space<hbm>>
            %dma_start3A_107 = tpu.memref_squeeze %dma_start3A_106 : memref<1x1024xf32, #tpu.memory_space<hbm>> -> memref<1024xf32, #tpu.memory_space<hbm>>
            tpu.enqueue_dma source(%dma_start3A_107 : memref<1024xf32, #tpu.memory_space<hbm>>) target(%arg11 : memref<1024xf32, #tpu.memory_space<vmem>>) target_semaphore(%run_scoped3A : memref<!tpu.dma_semaphore, #tpu.memory_space<semaphore_mem>>)
            %dma_wait3A_108 = arith.constant 0 : i32
            %dma_wait3A_109 = tpu.memref_slice %arg2[%reduce_max3A_82, %dma_wait3A_108] : memref<1024x1024xf32, #tpu.memory_space<hbm>> -> memref<1x1024xf32, #tpu.memory_space<hbm>>
            %dma_wait3A_110 = tpu.memref_squeeze %dma_wait3A_109 : memref<1x1024xf32, #tpu.memory_space<hbm>> -> memref<1024xf32, #tpu.memory_space<hbm>>
            %dma_wait3A_111 = arith.constant 0 : i32
            %dma_wait3A_112 = tpu.memref_slice %arg2[%reduce_max3A_82, %dma_wait3A_111] : memref<1024x1024xf32, #tpu.memory_space<hbm>> -> memref<1x1024xf32, #tpu.memory_space<hbm>>
            %dma_wait3A_113 = tpu.memref_squeeze %dma_wait3A_112 : memref<1x1024xf32, #tpu.memory_space<hbm>> -> memref<1024xf32, #tpu.memory_space<hbm>>
            tpu.wait_dma2 semaphore(%run_scoped3A : memref<!tpu.dma_semaphore, #tpu.memory_space<semaphore_mem>>) src(%dma_wait3A_113 : memref<1024xf32, #tpu.memory_space<hbm>>) dst(%arg11 : memref<1024xf32, #tpu.memory_space<vmem>>)
            tpu.yield
          }) : () -> ()
          %convert_element_type3A_85 = arith.extui %lt3A_84 : i1 to i32
          %cond3A_86 = arith.constant 0 : i32
          %cond3A_87 = arith.cmpi ne, %convert_element_type3A_85, %cond3A_86 : i32
          scf.if %cond3A_87 {
            %get3A = arith.constant 0 : index
            %get3A_102 = tpu.vector_load %arg8[%get3A] {strides = array<i32>} : memref<1024xf32, #tpu.memory_space<vmem>>, vector<16xf32>,
            %get3A_103 = arith.constant 0 : index
            %get3A_104 = tpu.vector_load %arg11[%get3A_103] {strides = array<i32>} : memref<1024xf32, #tpu.memory_space<vmem>>, vector<16xf32>,
            %max3A = arith.maximumf %get3A_102, %get3A_104 : vector<16xf32>
            %swap3A = arith.constant 0 : index
            %swap3A_105 = tpu.vector_load %arg8[%swap3A] {strides = array<i32>} : memref<1024xf32, #tpu.memory_space<vmem>>, vector<16xf32>,
            tpu.vector_store %arg8[%swap3A], %max3A {strides = array<i32>} : memref<1024xf32, #tpu.memory_space<vmem>>, vector<16xf32>,
            %get3A_106 = arith.constant 16 : index
            %get3A_107 = tpu.vector_load %arg8[%get3A_106] {strides = array<i32>} : memref<1024xf32, #tpu.memory_space<vmem>>, vector<16xf32>,
            %get3A_108 = arith.constant 16 : index
            %get3A_109 = tpu.vector_load %arg11[%get3A_108] {strides = array<i32>} : memref<1024xf32, #tpu.memory_space<vmem>>, vector<16xf32>,
            %max3A_110 = arith.maximumf %get3A_107, %get3A_109 : vector<16xf32>
            %swap3A_111 = arith.constant 16 : index
            %swap3A_112 = tpu.vector_load %arg8[%swap3A_111] {strides = array<i32>} : memref<1024xf32, #tpu.memory_space<vmem>>, vector<16xf32>,
            tpu.vector_store %arg8[%swap3A_111], %max3A_110 {strides = array<i32>} : memref<1024xf32, #tpu.memory_space<vmem>>, vector<16xf32>,
            %get3A_113 = arith.constant 32 : index
            %get3A_114 = tpu.vector_load %arg8[%get3A_113] {strides = array<i32>} : memref<1024xf32, #tpu.memory_space<vmem>>, vector<16xf32>,
            %get3A_115 = arith.constant 32 : index
            %get3A_116 = tpu.vector_load %arg11[%get3A_115] {strides = array<i32>} : memref<1024xf32, #tpu.memory_space<vmem>>, vector<16xf32>,
            %max3A_117 = arith.maximumf %get3A_114, %get3A_116 : vector<16xf32>
            %swap3A_118 = arith.constant 32 : index
            %swap3A_119 = tpu.vector_load %arg8[%swap3A_118] {strides = array<i32>} : memref<1024xf32, #tpu.memory_space<vmem>>, vector<16xf32>,
            tpu.vector_store %arg8[%swap3A_118], %max3A_117 {strides = array<i32>} : memref<1024xf32, #tpu.memory_space<vmem>>, vector<16xf32>,
            %get3A_120 = arith.constant 48 : index
            %get3A_121 = tpu.vector_load %arg8[%get3A_120] {strides = array<i32>} : memref<1024xf32, #tpu.memory_space<vmem>>, vector<16xf32>,
            %get3A_122 = arith.constant 48 : index
            %get3A_123 = tpu.vector_load %arg11[%get3A_122] {strides = array<i32>} : memref<1024xf32, #tpu.memory_space<vmem>>, vector<16xf32>,
            %max3A_124 = arith.maximumf %get3A_121, %get3A_123 : vector<16xf32>
            %swap3A_125 = arith.constant 48 : index
            %swap3A_126 = tpu.vector_load %arg8[%swap3A_125] {strides = array<i32>} : memref<1024xf32, #tpu.memory_space<vmem>>, vector<16xf32>,
            tpu.vector_store %arg8[%swap3A_125], %max3A_124 {strides = array<i32>} : memref<1024xf32, #tpu.memory_space<vmem>>, vector<16xf32>,
            %get3A_127 = arith.constant 64 : index
            %get3A_128 = tpu.vector_load %arg8[%get3A_127] {strides = array<i32>} : memref<1024xf32, #tpu.memory_space<vmem>>, vector<16xf32>,
            %get3A_129 = arith.constant 64 : index
            %get3A_130 = tpu.vector_load %arg11[%get3A_129] {strides = array<i32>} : memref<1024xf32, #tpu.memory_space<vmem>>, vector<16xf32>,
            %max3A_131 = arith.maximumf %get3A_128, %get3A_130 : vector<16xf32>
            %swap3A_132 = arith.constant 64 : index
            %swap3A_133 = tpu.vector_load %arg8[%swap3A_132] {strides = array<i32>} : memref<1024xf32, #tpu.memory_space<vmem>>, vector<16xf32>,
            tpu.vector_store %arg8[%swap3A_132], %max3A_131 {strides = array<i32>} : memref<1024xf32, #tpu.memory_space<vmem>>, vector<16xf32>,
            %get3A_134 = arith.constant 80 : index
            %get3A_135 = tpu.vector_load %arg8[%get3A_134] {strides = array<i32>} : memref<1024xf32, #tpu.memory_space<vmem>>, vector<16xf32>,
            %get3A_136 = arith.constant 80 : index
            %get3A_137 = tpu.vector_load %arg11[%get3A_136] {strides = array<i32>} : memref<1024xf32, #tpu.memory_space<vmem>>, vector<16xf32>,
            %max3A_138 = arith.maximumf %get3A_135, %get3A_137 : vector<16xf32>
            %swap3A_139 = arith.constant 80 : index
            %swap3A_140 = tpu.vector_load %arg8[%swap3A_139] {strides = array<i32>} : memref<1024xf32, #tpu.memory_space<vmem>>, vector<16xf32>,
            tpu.vector_store %arg8[%swap3A_139], %max3A_138 {strides = array<i32>} : memref<1024xf32, #tpu.memory_space<vmem>>, vector<16xf32>,
            %get3A_141 = arith.constant 96 : index
            %get3A_142 = tpu.vector_load %arg8[%get3A_141] {strides = array<i32>} : memref<1024xf32, #tpu.memory_space<vmem>>, vector<16xf32>,
            %get3A_143 = arith.constant 96 : index
            %get3A_144 = tpu.vector_load %arg11[%get3A_143] {strides = array<i32>} : memref<1024xf32, #tpu.memory_space<vmem>>, vector<16xf32>,
            %max3A_145 = arith.maximumf %get3A_142, %get3A_144 : vector<16xf32>
            %swap3A_146 = arith.constant 96 : index
            %swap3A_147 = tpu.vector_load %arg8[%swap3A_146] {strides = array<i32>} : memref<1024xf32, #tpu.memory_space<vmem>>, vector<16xf32>,
            tpu.vector_store %arg8[%swap3A_146], %max3A_145 {strides = array<i32>} : memref<1024xf32, #tpu.memory_space<vmem>>, vector<16xf32>,
            %get3A_148 = arith.constant 112 : index
            %get3A_149 = tpu.vector_load %arg8[%get3A_148] {strides = array<i32>} : memref<1024xf32, #tpu.memory_space<vmem>>, vector<16xf32>,
            %get3A_150 = arith.constant 112 : index
            %get3A_151 = tpu.vector_load %arg11[%get3A_150] {strides = array<i32>} : memref<1024xf32, #tpu.memory_space<vmem>>, vector<16xf32>,
            %max3A_152 = arith.maximumf %get3A_149, %get3A_151 : vector<16xf32>
            %swap3A_153 = arith.constant 112 : index
            %swap3A_154 = tpu.vector_load %arg8[%swap3A_153] {strides = array<i32>} : memref<1024xf32, #tpu.memory_space<vmem>>, vector<16xf32>,
            tpu.vector_store %arg8[%swap3A_153], %max3A_152 {strides = array<i32>} : memref<1024xf32, #tpu.memory_space<vmem>>, vector<16xf32>,
            %get3A_155 = arith.constant 128 : index
            %get3A_156 = tpu.vector_load %arg8[%get3A_155] {strides = array<i32>} : memref<1024xf32, #tpu.memory_space<vmem>>, vector<16xf32>,
            %get3A_157 = arith.constant 128 : index
            %get3A_158 = tpu.vector_load %arg11[%get3A_157] {strides = array<i32>} : memref<1024xf32, #tpu.memory_space<vmem>>, vector<16xf32>,
            %max3A_159 = arith.maximumf %get3A_156, %get3A_158 : vector<16xf32>
            %swap3A_160 = arith.constant 128 : index
            %swap3A_161 = tpu.vector_load %arg8[%swap3A_160] {strides = array<i32>} : memref<1024xf32, #tpu.memory_space<vmem>>, vector<16xf32>,
            tpu.vector_store %arg8[%swap3A_160], %max3A_159 {strides = array<i32>} : memref<1024xf32, #tpu.memory_space<vmem>>, vector<16xf32>,
            %get3A_162 = arith.constant 144 : index
            %get3A_163 = tpu.vector_load %arg8[%get3A_162] {strides = array<i32>} : memref<1024xf32, #tpu.memory_space<vmem>>, vector<16xf32>,
            %get3A_164 = arith.constant 144 : index
            %get3A_165 = tpu.vector_load %arg11[%get3A_164] {strides = array<i32>} : memref<1024xf32, #tpu.memory_space<vmem>>, vector<16xf32>,
            %max3A_166 = arith.maximumf %get3A_163, %get3A_165 : vector<16xf32>
            %swap3A_167 = arith.constant 144 : index
            %swap3A_168 = tpu.vector_load %arg8[%swap3A_167] {strides = array<i32>} : memref<1024xf32, #tpu.memory_space<vmem>>, vector<16xf32>,
            tpu.vector_store %arg8[%swap3A_167], %max3A_166 {strides = array<i32>} : memref<1024xf32, #tpu.memory_space<vmem>>, vector<16xf32>,
            %get3A_169 = arith.constant 160 : index
            %get3A_170 = tpu.vector_load %arg8[%get3A_169] {strides = array<i32>} : memref<1024xf32, #tpu.memory_space<vmem>>, vector<16xf32>,
            %get3A_171 = arith.constant 160 : index
            %get3A_172 = tpu.vector_load %arg11[%get3A_171] {strides = array<i32>} : memref<1024xf32, #tpu.memory_space<vmem>>, vector<16xf32>,
            %max3A_173 = arith.maximumf %get3A_170, %get3A_172 : vector<16xf32>
            %swap3A_174 = arith.constant 160 : index
            %swap3A_175 = tpu.vector_load %arg8[%swap3A_174] {strides = array<i32>} : memref<1024xf32, #tpu.memory_space<vmem>>, vector<16xf32>,
            tpu.vector_store %arg8[%swap3A_174], %max3A_173 {strides = array<i32>} : memref<1024xf32, #tpu.memory_space<vmem>>, vector<16xf32>,
            %get3A_176 = arith.constant 176 : index
            %get3A_177 = tpu.vector_load %arg8[%get3A_176] {strides = array<i32>} : memref<1024xf32, #tpu.memory_space<vmem>>, vector<16xf32>,
            %get3A_178 = arith.constant 176 : index
            %get3A_179 = tpu.vector_load %arg11[%get3A_178] {strides = array<i32>} : memref<1024xf32, #tpu.memory_space<vmem>>, vector<16xf32>,
            %max3A_180 = arith.maximumf %get3A_177, %get3A_179 : vector<16xf32>
            %swap3A_181 = arith.constant 176 : index
            %swap3A_182 = tpu.vector_load %arg8[%swap3A_181] {strides = array<i32>} : memref<1024xf32, #tpu.memory_space<vmem>>, vector<16xf32>,
            tpu.vector_store %arg8[%swap3A_181], %max3A_180 {strides = array<i32>} : memref<1024xf32, #tpu.memory_space<vmem>>, vector<16xf32>,
            %get3A_183 = arith.constant 192 : index
            %get3A_184 = tpu.vector_load %arg8[%get3A_183] {strides = array<i32>} : memref<1024xf32, #tpu.memory_space<vmem>>, vector<16xf32>,
            %get3A_185 = arith.constant 192 : index
            %get3A_186 = tpu.vector_load %arg11[%get3A_185] {strides = array<i32>} : memref<1024xf32, #tpu.memory_space<vmem>>, vector<16xf32>,
            %max3A_187 = arith.maximumf %get3A_184, %get3A_186 : vector<16xf32>
            %swap3A_188 = arith.constant 192 : index
            %swap3A_189 = tpu.vector_load %arg8[%swap3A_188] {strides = array<i32>} : memref<1024xf32, #tpu.memory_space<vmem>>, vector<16xf32>,
            tpu.vector_store %arg8[%swap3A_188], %max3A_187 {strides = array<i32>} : memref<1024xf32, #tpu.memory_space<vmem>>, vector<16xf32>,
            %get3A_190 = arith.constant 208 : index
            %get3A_191 = tpu.vector_load %arg8[%get3A_190] {strides = array<i32>} : memref<1024xf32, #tpu.memory_space<vmem>>, vector<16xf32>,
            %get3A_192 = arith.constant 208 : index
            %get3A_193 = tpu.vector_load %arg11[%get3A_192] {strides = array<i32>} : memref<1024xf32, #tpu.memory_space<vmem>>, vector<16xf32>,
            %max3A_194 = arith.maximumf %get3A_191, %get3A_193 : vector<16xf32>
            %swap3A_195 = arith.constant 208 : index
            %swap3A_196 = tpu.vector_load %arg8[%swap3A_195] {strides = array<i32>} : memref<1024xf32, #tpu.memory_space<vmem>>, vector<16xf32>,
            tpu.vector_store %arg8[%swap3A_195], %max3A_194 {strides = array<i32>} : memref<1024xf32, #tpu.memory_space<vmem>>, vector<16xf32>,
            %get3A_197 = arith.constant 224 : index
            %get3A_198 = tpu.vector_load %arg8[%get3A_197] {strides = array<i32>} : memref<1024xf32, #tpu.memory_space<vmem>>, vector<16xf32>,
            %get3A_199 = arith.constant 224 : index
            %get3A_200 = tpu.vector_load %arg11[%get3A_199] {strides = array<i32>} : memref<1024xf32, #tpu.memory_space<vmem>>, vector<16xf32>,
            %max3A_201 = arith.maximumf %get3A_198, %get3A_200 : vector<16xf32>
            %swap3A_202 = arith.constant 224 : index
            %swap3A_203 = tpu.vector_load %arg8[%swap3A_202] {strides = array<i32>} : memref<1024xf32, #tpu.memory_space<vmem>>, vector<16xf32>,
            tpu.vector_store %arg8[%swap3A_202], %max3A_201 {strides = array<i32>} : memref<1024xf32, #tpu.memory_space<vmem>>, vector<16xf32>,
            %get3A_204 = arith.constant 240 : index
            %get3A_205 = tpu.vector_load %arg8[%get3A_204] {strides = array<i32>} : memref<1024xf32, #tpu.memory_space<vmem>>, vector<16xf32>,
            %get3A_206 = arith.constant 240 : index
            %get3A_207 = tpu.vector_load %arg11[%get3A_206] {strides = array<i32>} : memref<1024xf32, #tpu.memory_space<vmem>>, vector<16xf32>,
            %max3A_208 = arith.maximumf %get3A_205, %get3A_207 : vector<16xf32>
            %swap3A_209 = arith.constant 240 : index
            %swap3A_210 = tpu.vector_load %arg8[%swap3A_209] {strides = array<i32>} : memref<1024xf32, #tpu.memory_space<vmem>>, vector<16xf32>,
            tpu.vector_store %arg8[%swap3A_209], %max3A_208 {strides = array<i32>} : memref<1024xf32, #tpu.memory_space<vmem>>, vector<16xf32>,
            %get3A_211 = arith.constant 256 : index
            %get3A_212 = tpu.vector_load %arg8[%get3A_211] {strides = array<i32>} : memref<1024xf32, #tpu.memory_space<vmem>>, vector<16xf32>,
            %get3A_213 = arith.constant 256 : index
            %get3A_214 = tpu.vector_load %arg11[%get3A_213] {strides = array<i32>} : memref<1024xf32, #tpu.memory_space<vmem>>, vector<16xf32>,
            %max3A_215 = arith.maximumf %get3A_212, %get3A_214 : vector<16xf32>
            %swap3A_216 = arith.constant 256 : index
            %swap3A_217 = tpu.vector_load %arg8[%swap3A_216] {strides = array<i32>} : memref<1024xf32, #tpu.memory_space<vmem>>, vector<16xf32>,
            tpu.vector_store %arg8[%swap3A_216], %max3A_215 {strides = array<i32>} : memref<1024xf32, #tpu.memory_space<vmem>>, vector<16xf32>,
            %get3A_218 = arith.constant 272 : index
            %get3A_219 = tpu.vector_load %arg8[%get3A_218] {strides = array<i32>} : memref<1024xf32, #tpu.memory_space<vmem>>, vector<16xf32>,
            %get3A_220 = arith.constant 272 : index
            %get3A_221 = tpu.vector_load %arg11[%get3A_220] {strides = array<i32>} : memref<1024xf32, #tpu.memory_space<vmem>>, vector<16xf32>,
            %max3A_222 = arith.maximumf %get3A_219, %get3A_221 : vector<16xf32>
            %swap3A_223 = arith.constant 272 : index
            %swap3A_224 = tpu.vector_load %arg8[%swap3A_223] {strides = array<i32>} : memref<1024xf32, #tpu.memory_space<vmem>>, vector<16xf32>,
            tpu.vector_store %arg8[%swap3A_223], %max3A_222 {strides = array<i32>} : memref<1024xf32, #tpu.memory_space<vmem>>, vector<16xf32>,
            %get3A_225 = arith.constant 288 : index
            %get3A_226 = tpu.vector_load %arg8[%get3A_225] {strides = array<i32>} : memref<1024xf32, #tpu.memory_space<vmem>>, vector<16xf32>,
            %get3A_227 = arith.constant 288 : index
            %get3A_228 = tpu.vector_load %arg11[%get3A_227] {strides = array<i32>} : memref<1024xf32, #tpu.memory_space<vmem>>, vector<16xf32>,
            %max3A_229 = arith.maximumf %get3A_226, %get3A_228 : vector<16xf32>
            %swap3A_230 = arith.constant 288 : index
            %swap3A_231 = tpu.vector_load %arg8[%swap3A_230] {strides = array<i32>} : memref<1024xf32, #tpu.memory_space<vmem>>, vector<16xf32>,
            tpu.vector_store %arg8[%swap3A_230], %max3A_229 {strides = array<i32>} : memref<1024xf32, #tpu.memory_space<vmem>>, vector<16xf32>,
            %get3A_232 = arith.constant 304 : index
            %get3A_233 = tpu.vector_load %arg8[%get3A_232] {strides = array<i32>} : memref<1024xf32, #tpu.memory_space<vmem>>, vector<16xf32>,
            %get3A_234 = arith.constant 304 : index
            %get3A_235 = tpu.vector_load %arg11[%get3A_234] {strides = array<i32>} : memref<1024xf32, #tpu.memory_space<vmem>>, vector<16xf32>,
            %max3A_236 = arith.maximumf %get3A_233, %get3A_235 : vector<16xf32>
            %swap3A_237 = arith.constant 304 : index
            %swap3A_238 = tpu.vector_load %arg8[%swap3A_237] {strides = array<i32>} : memref<1024xf32, #tpu.memory_space<vmem>>, vector<16xf32>,
            tpu.vector_store %arg8[%swap3A_237], %max3A_236 {strides = array<i32>} : memref<1024xf32, #tpu.memory_space<vmem>>, vector<16xf32>,
            %get3A_239 = arith.constant 320 : index
            %get3A_240 = tpu.vector_load %arg8[%get3A_239] {strides = array<i32>} : memref<1024xf32, #tpu.memory_space<vmem>>, vector<16xf32>,
            %get3A_241 = arith.constant 320 : index
            %get3A_242 = tpu.vector_load %arg11[%get3A_241] {strides = array<i32>} : memref<1024xf32, #tpu.memory_space<vmem>>, vector<16xf32>,
            %max3A_243 = arith.maximumf %get3A_240, %get3A_242 : vector<16xf32>
            %swap3A_244 = arith.constant 320 : index
            %swap3A_245 = tpu.vector_load %arg8[%swap3A_244] {strides = array<i32>} : memref<1024xf32, #tpu.memory_space<vmem>>, vector<16xf32>,
            tpu.vector_store %arg8[%swap3A_244], %max3A_243 {strides = array<i32>} : memref<1024xf32, #tpu.memory_space<vmem>>, vector<16xf32>,
            %get3A_246 = arith.constant 336 : index
            %get3A_247 = tpu.vector_load %arg8[%get3A_246] {strides = array<i32>} : memref<1024xf32, #tpu.memory_space<vmem>>, vector<16xf32>,
            %get3A_248 = arith.constant 336 : index
            %get3A_249 = tpu.vector_load %arg11[%get3A_248] {strides = array<i32>} : memref<1024xf32, #tpu.memory_space<vmem>>, vector<16xf32>,
            %max3A_250 = arith.maximumf %get3A_247, %get3A_249 : vector<16xf32>
            %swap3A_251 = arith.constant 336 : index
            %swap3A_252 = tpu.vector_load %arg8[%swap3A_251] {strides = array<i32>} : memref<1024xf32, #tpu.memory_space<vmem>>, vector<16xf32>,
            tpu.vector_store %arg8[%swap3A_251], %max3A_250 {strides = array<i32>} : memref<1024xf32, #tpu.memory_space<vmem>>, vector<16xf32>,
            %get3A_253 = arith.constant 352 : index
            %get3A_254 = tpu.vector_load %arg8[%get3A_253] {strides = array<i32>} : memref<1024xf32, #tpu.memory_space<vmem>>, vector<16xf32>,
            %get3A_255 = arith.constant 352 : index
            %get3A_256 = tpu.vector_load %arg11[%get3A_255] {strides = array<i32>} : memref<1024xf32, #tpu.memory_space<vmem>>, vector<16xf32>,
            %max3A_257 = arith.maximumf %get3A_254, %get3A_256 : vector<16xf32>
            %swap3A_258 = arith.constant 352 : index
            %swap3A_259 = tpu.vector_load %arg8[%swap3A_258] {strides = array<i32>} : memref<1024xf32, #tpu.memory_space<vmem>>, vector<16xf32>,
            tpu.vector_store %arg8[%swap3A_258], %max3A_257 {strides = array<i32>} : memref<1024xf32, #tpu.memory_space<vmem>>, vector<16xf32>,
            %get3A_260 = arith.constant 368 : index
            %get3A_261 = tpu.vector_load %arg8[%get3A_260] {strides = array<i32>} : memref<1024xf32, #tpu.memory_space<vmem>>, vector<16xf32>,
            %get3A_262 = arith.constant 368 : index
            %get3A_263 = tpu.vector_load %arg11[%get3A_262] {strides = array<i32>} : memref<1024xf32, #tpu.memory_space<vmem>>, vector<16xf32>,
            %max3A_264 = arith.maximumf %get3A_261, %get3A_263 : vector<16xf32>
            %swap3A_265 = arith.constant 368 : index
            %swap3A_266 = tpu.vector_load %arg8[%swap3A_265] {strides = array<i32>} : memref<1024xf32, #tpu.memory_space<vmem>>, vector<16xf32>,
            tpu.vector_store %arg8[%swap3A_265], %max3A_264 {strides = array<i32>} : memref<1024xf32, #tpu.memory_space<vmem>>, vector<16xf32>,
            %get3A_267 = arith.constant 384 : index
            %get3A_268 = tpu.vector_load %arg8[%get3A_267] {strides = array<i32>} : memref<1024xf32, #tpu.memory_space<vmem>>, vector<16xf32>,
            %get3A_269 = arith.constant 384 : index
            %get3A_270 = tpu.vector_load %arg11[%get3A_269] {strides = array<i32>} : memref<1024xf32, #tpu.memory_space<vmem>>, vector<16xf32>,
            %max3A_271 = arith.maximumf %get3A_268, %get3A_270 : vector<16xf32>
            %swap3A_272 = arith.constant 384 : index
            %swap3A_273 = tpu.vector_load %arg8[%swap3A_272] {strides = array<i32>} : memref<1024xf32, #tpu.memory_space<vmem>>, vector<16xf32>,
            tpu.vector_store %arg8[%swap3A_272], %max3A_271 {strides = array<i32>} : memref<1024xf32, #tpu.memory_space<vmem>>, vector<16xf32>,
            %get3A_274 = arith.constant 400 : index
            %get3A_275 = tpu.vector_load %arg8[%get3A_274] {strides = array<i32>} : memref<1024xf32, #tpu.memory_space<vmem>>, vector<16xf32>,
            %get3A_276 = arith.constant 400 : index
            %get3A_277 = tpu.vector_load %arg11[%get3A_276] {strides = array<i32>} : memref<1024xf32, #tpu.memory_space<vmem>>, vector<16xf32>,
            %max3A_278 = arith.maximumf %get3A_275, %get3A_277 : vector<16xf32>
            %swap3A_279 = arith.constant 400 : index
            %swap3A_280 = tpu.vector_load %arg8[%swap3A_279] {strides = array<i32>} : memref<1024xf32, #tpu.memory_space<vmem>>, vector<16xf32>,
            tpu.vector_store %arg8[%swap3A_279], %max3A_278 {strides = array<i32>} : memref<1024xf32, #tpu.memory_space<vmem>>, vector<16xf32>,
            %get3A_281 = arith.constant 416 : index
            %get3A_282 = tpu.vector_load %arg8[%get3A_281] {strides = array<i32>} : memref<1024xf32, #tpu.memory_space<vmem>>, vector<16xf32>,
            %get3A_283 = arith.constant 416 : index
            %get3A_284 = tpu.vector_load %arg11[%get3A_283] {strides = array<i32>} : memref<1024xf32, #tpu.memory_space<vmem>>, vector<16xf32>,
            %max3A_285 = arith.maximumf %get3A_282, %get3A_284 : vector<16xf32>
            %swap3A_286 = arith.constant 416 : index
            %swap3A_287 = tpu.vector_load %arg8[%swap3A_286] {strides = array<i32>} : memref<1024xf32, #tpu.memory_space<vmem>>, vector<16xf32>,
            tpu.vector_store %arg8[%swap3A_286], %max3A_285 {strides = array<i32>} : memref<1024xf32, #tpu.memory_space<vmem>>, vector<16xf32>,
            %get3A_288 = arith.constant 432 : index
            %get3A_289 = tpu.vector_load %arg8[%get3A_288] {strides = array<i32>} : memref<1024xf32, #tpu.memory_space<vmem>>, vector<16xf32>,
            %get3A_290 = arith.constant 432 : index
            %get3A_291 = tpu.vector_load %arg11[%get3A_290] {strides = array<i32>} : memref<1024xf32, #tpu.memory_space<vmem>>, vector<16xf32>,
            %max3A_292 = arith.maximumf %get3A_289, %get3A_291 : vector<16xf32>
            %swap3A_293 = arith.constant 432 : index
            %swap3A_294 = tpu.vector_load %arg8[%swap3A_293] {strides = array<i32>} : memref<1024xf32, #tpu.memory_space<vmem>>, vector<16xf32>,
            tpu.vector_store %arg8[%swap3A_293], %max3A_292 {strides = array<i32>} : memref<1024xf32, #tpu.memory_space<vmem>>, vector<16xf32>,
            %get3A_295 = arith.constant 448 : index
            %get3A_296 = tpu.vector_load %arg8[%get3A_295] {strides = array<i32>} : memref<1024xf32, #tpu.memory_space<vmem>>, vector<16xf32>,
            %get3A_297 = arith.constant 448 : index
            %get3A_298 = tpu.vector_load %arg11[%get3A_297] {strides = array<i32>} : memref<1024xf32, #tpu.memory_space<vmem>>, vector<16xf32>,
            %max3A_299 = arith.maximumf %get3A_296, %get3A_298 : vector<16xf32>
            %swap3A_300 = arith.constant 448 : index
            %swap3A_301 = tpu.vector_load %arg8[%swap3A_300] {strides = array<i32>} : memref<1024xf32, #tpu.memory_space<vmem>>, vector<16xf32>,
            tpu.vector_store %arg8[%swap3A_300], %max3A_299 {strides = array<i32>} : memref<1024xf32, #tpu.memory_space<vmem>>, vector<16xf32>,
            %get3A_302 = arith.constant 464 : index
            %get3A_303 = tpu.vector_load %arg8[%get3A_302] {strides = array<i32>} : memref<1024xf32, #tpu.memory_space<vmem>>, vector<16xf32>,
            %get3A_304 = arith.constant 464 : index
            %get3A_305 = tpu.vector_load %arg11[%get3A_304] {strides = array<i32>} : memref<1024xf32, #tpu.memory_space<vmem>>, vector<16xf32>,
            %max3A_306 = arith.maximumf %get3A_303, %get3A_305 : vector<16xf32>
            %swap3A_307 = arith.constant 464 : index
            %swap3A_308 = tpu.vector_load %arg8[%swap3A_307] {strides = array<i32>} : memref<1024xf32, #tpu.memory_space<vmem>>, vector<16xf32>,
            tpu.vector_store %arg8[%swap3A_307], %max3A_306 {strides = array<i32>} : memref<1024xf32, #tpu.memory_space<vmem>>, vector<16xf32>,
            %get3A_309 = arith.constant 480 : index
            %get3A_310 = tpu.vector_load %arg8[%get3A_309] {strides = array<i32>} : memref<1024xf32, #tpu.memory_space<vmem>>, vector<16xf32>,
            %get3A_311 = arith.constant 480 : index
            %get3A_312 = tpu.vector_load %arg11[%get3A_311] {strides = array<i32>} : memref<1024xf32, #tpu.memory_space<vmem>>, vector<16xf32>,
            %max3A_313 = arith.maximumf %get3A_310, %get3A_312 : vector<16xf32>
            %swap3A_314 = arith.constant 480 : index
            %swap3A_315 = tpu.vector_load %arg8[%swap3A_314] {strides = array<i32>} : memref<1024xf32, #tpu.memory_space<vmem>>, vector<16xf32>,
            tpu.vector_store %arg8[%swap3A_314], %max3A_313 {strides = array<i32>} : memref<1024xf32, #tpu.memory_space<vmem>>, vector<16xf32>,
            %get3A_316 = arith.constant 496 : index
            %get3A_317 = tpu.vector_load %arg8[%get3A_316] {strides = array<i32>} : memref<1024xf32, #tpu.memory_space<vmem>>, vector<16xf32>,
            %get3A_318 = arith.constant 496 : index
            %get3A_319 = tpu.vector_load %arg11[%get3A_318] {strides = array<i32>} : memref<1024xf32, #tpu.memory_space<vmem>>, vector<16xf32>,
            %max3A_320 = arith.maximumf %get3A_317, %get3A_319 : vector<16xf32>
            %swap3A_321 = arith.constant 496 : index
            %swap3A_322 = tpu.vector_load %arg8[%swap3A_321] {strides = array<i32>} : memref<1024xf32, #tpu.memory_space<vmem>>, vector<16xf32>,
            tpu.vector_store %arg8[%swap3A_321], %max3A_320 {strides = array<i32>} : memref<1024xf32, #tpu.memory_space<vmem>>, vector<16xf32>,
            %get3A_323 = arith.constant 512 : index
            %get3A_324 = tpu.vector_load %arg8[%get3A_323] {strides = array<i32>} : memref<1024xf32, #tpu.memory_space<vmem>>, vector<16xf32>,
            %get3A_325 = arith.constant 512 : index
            %get3A_326 = tpu.vector_load %arg11[%get3A_325] {strides = array<i32>} : memref<1024xf32, #tpu.memory_space<vmem>>, vector<16xf32>,
            %max3A_327 = arith.maximumf %get3A_324, %get3A_326 : vector<16xf32>
            %swap3A_328 = arith.constant 512 : index
            %swap3A_329 = tpu.vector_load %arg8[%swap3A_328] {strides = array<i32>} : memref<1024xf32, #tpu.memory_space<vmem>>, vector<16xf32>,
            tpu.vector_store %arg8[%swap3A_328], %max3A_327 {strides = array<i32>} : memref<1024xf32, #tpu.memory_space<vmem>>, vector<16xf32>,
            %get3A_330 = arith.constant 528 : index
            %get3A_331 = tpu.vector_load %arg8[%get3A_330] {strides = array<i32>} : memref<1024xf32, #tpu.memory_space<vmem>>, vector<16xf32>,
            %get3A_332 = arith.constant 528 : index
            %get3A_333 = tpu.vector_load %arg11[%get3A_332] {strides = array<i32>} : memref<1024xf32, #tpu.memory_space<vmem>>, vector<16xf32>,
            %max3A_334 = arith.maximumf %get3A_331, %get3A_333 : vector<16xf32>
            %swap3A_335 = arith.constant 528 : index
            %swap3A_336 = tpu.vector_load %arg8[%swap3A_335] {strides = array<i32>} : memref<1024xf32, #tpu.memory_space<vmem>>, vector<16xf32>,
            tpu.vector_store %arg8[%swap3A_335], %max3A_334 {strides = array<i32>} : memref<1024xf32, #tpu.memory_space<vmem>>, vector<16xf32>,
            %get3A_337 = arith.constant 544 : index
            %get3A_338 = tpu.vector_load %arg8[%get3A_337] {strides = array<i32>} : memref<1024xf32, #tpu.memory_space<vmem>>, vector<16xf32>,
            %get3A_339 = arith.constant 544 : index
            %get3A_340 = tpu.vector_load %arg11[%get3A_339] {strides = array<i32>} : memref<1024xf32, #tpu.memory_space<vmem>>, vector<16xf32>,
            %max3A_341 = arith.maximumf %get3A_338, %get3A_340 : vector<16xf32>
            %swap3A_342 = arith.constant 544 : index
            %swap3A_343 = tpu.vector_load %arg8[%swap3A_342] {strides = array<i32>} : memref<1024xf32, #tpu.memory_space<vmem>>, vector<16xf32>,
            tpu.vector_store %arg8[%swap3A_342], %max3A_341 {strides = array<i32>} : memref<1024xf32, #tpu.memory_space<vmem>>, vector<16xf32>,
            %get3A_344 = arith.constant 560 : index
            %get3A_345 = tpu.vector_load %arg8[%get3A_344] {strides = array<i32>} : memref<1024xf32, #tpu.memory_space<vmem>>, vector<16xf32>,
            %get3A_346 = arith.constant 560 : index
            %get3A_347 = tpu.vector_load %arg11[%get3A_346] {strides = array<i32>} : memref<1024xf32, #tpu.memory_space<vmem>>, vector<16xf32>,
            %max3A_348 = arith.maximumf %get3A_345, %get3A_347 : vector<16xf32>
            %swap3A_349 = arith.constant 560 : index
            %swap3A_350 = tpu.vector_load %arg8[%swap3A_349] {strides = array<i32>} : memref<1024xf32, #tpu.memory_space<vmem>>, vector<16xf32>,
            tpu.vector_store %arg8[%swap3A_349], %max3A_348 {strides = array<i32>} : memref<1024xf32, #tpu.memory_space<vmem>>, vector<16xf32>,
            %get3A_351 = arith.constant 576 : index
            %get3A_352 = tpu.vector_load %arg8[%get3A_351] {strides = array<i32>} : memref<1024xf32, #tpu.memory_space<vmem>>, vector<16xf32>,
            %get3A_353 = arith.constant 576 : index
            %get3A_354 = tpu.vector_load %arg11[%get3A_353] {strides = array<i32>} : memref<1024xf32, #tpu.memory_space<vmem>>, vector<16xf32>,
            %max3A_355 = arith.maximumf %get3A_352, %get3A_354 : vector<16xf32>
            %swap3A_356 = arith.constant 576 : index
            %swap3A_357 = tpu.vector_load %arg8[%swap3A_356] {strides = array<i32>} : memref<1024xf32, #tpu.memory_space<vmem>>, vector<16xf32>,
            tpu.vector_store %arg8[%swap3A_356], %max3A_355 {strides = array<i32>} : memref<1024xf32, #tpu.memory_space<vmem>>, vector<16xf32>,
            %get3A_358 = arith.constant 592 : index
            %get3A_359 = tpu.vector_load %arg8[%get3A_358] {strides = array<i32>} : memref<1024xf32, #tpu.memory_space<vmem>>, vector<16xf32>,
            %get3A_360 = arith.constant 592 : index
            %get3A_361 = tpu.vector_load %arg11[%get3A_360] {strides = array<i32>} : memref<1024xf32, #tpu.memory_space<vmem>>, vector<16xf32>,
            %max3A_362 = arith.maximumf %get3A_359, %get3A_361 : vector<16xf32>
            %swap3A_363 = arith.constant 592 : index
            %swap3A_364 = tpu.vector_load %arg8[%swap3A_363] {strides = array<i32>} : memref<1024xf32, #tpu.memory_space<vmem>>, vector<16xf32>,
            tpu.vector_store %arg8[%swap3A_363], %max3A_362 {strides = array<i32>} : memref<1024xf32, #tpu.memory_space<vmem>>, vector<16xf32>,
            %get3A_365 = arith.constant 608 : index
            %get3A_366 = tpu.vector_load %arg8[%get3A_365] {strides = array<i32>} : memref<1024xf32, #tpu.memory_space<vmem>>, vector<16xf32>,
            %get3A_367 = arith.constant 608 : index
            %get3A_368 = tpu.vector_load %arg11[%get3A_367] {strides = array<i32>} : memref<1024xf32, #tpu.memory_space<vmem>>, vector<16xf32>,
            %max3A_369 = arith.maximumf %get3A_366, %get3A_368 : vector<16xf32>
            %swap3A_370 = arith.constant 608 : index
            %swap3A_371 = tpu.vector_load %arg8[%swap3A_370] {strides = array<i32>} : memref<1024xf32, #tpu.memory_space<vmem>>, vector<16xf32>,
            tpu.vector_store %arg8[%swap3A_370], %max3A_369 {strides = array<i32>} : memref<1024xf32, #tpu.memory_space<vmem>>, vector<16xf32>,
            %get3A_372 = arith.constant 624 : index
            %get3A_373 = tpu.vector_load %arg8[%get3A_372] {strides = array<i32>} : memref<1024xf32, #tpu.memory_space<vmem>>, vector<16xf32>,
            %get3A_374 = arith.constant 624 : index
            %get3A_375 = tpu.vector_load %arg11[%get3A_374] {strides = array<i32>} : memref<1024xf32, #tpu.memory_space<vmem>>, vector<16xf32>,
            %max3A_376 = arith.maximumf %get3A_373, %get3A_375 : vector<16xf32>
            %swap3A_377 = arith.constant 624 : index
            %swap3A_378 = tpu.vector_load %arg8[%swap3A_377] {strides = array<i32>} : memref<1024xf32, #tpu.memory_space<vmem>>, vector<16xf32>,
            tpu.vector_store %arg8[%swap3A_377], %max3A_376 {strides = array<i32>} : memref<1024xf32, #tpu.memory_space<vmem>>, vector<16xf32>,
            %get3A_379 = arith.constant 640 : index
            %get3A_380 = tpu.vector_load %arg8[%get3A_379] {strides = array<i32>} : memref<1024xf32, #tpu.memory_space<vmem>>, vector<16xf32>,
            %get3A_381 = arith.constant 640 : index
            %get3A_382 = tpu.vector_load %arg11[%get3A_381] {strides = array<i32>} : memref<1024xf32, #tpu.memory_space<vmem>>, vector<16xf32>,
            %max3A_383 = arith.maximumf %get3A_380, %get3A_382 : vector<16xf32>
            %swap3A_384 = arith.constant 640 : index
            %swap3A_385 = tpu.vector_load %arg8[%swap3A_384] {strides = array<i32>} : memref<1024xf32, #tpu.memory_space<vmem>>, vector<16xf32>,
            tpu.vector_store %arg8[%swap3A_384], %max3A_383 {strides = array<i32>} : memref<1024xf32, #tpu.memory_space<vmem>>, vector<16xf32>,
            %get3A_386 = arith.constant 656 : index
            %get3A_387 = tpu.vector_load %arg8[%get3A_386] {strides = array<i32>} : memref<1024xf32, #tpu.memory_space<vmem>>, vector<16xf32>,
            %get3A_388 = arith.constant 656 : index
            %get3A_389 = tpu.vector_load %arg11[%get3A_388] {strides = array<i32>} : memref<1024xf32, #tpu.memory_space<vmem>>, vector<16xf32>,
            %max3A_390 = arith.maximumf %get3A_387, %get3A_389 : vector<16xf32>
            %swap3A_391 = arith.constant 656 : index
            %swap3A_392 = tpu.vector_load %arg8[%swap3A_391] {strides = array<i32>} : memref<1024xf32, #tpu.memory_space<vmem>>, vector<16xf32>,
            tpu.vector_store %arg8[%swap3A_391], %max3A_390 {strides = array<i32>} : memref<1024xf32, #tpu.memory_space<vmem>>, vector<16xf32>,
            %get3A_393 = arith.constant 672 : index
            %get3A_394 = tpu.vector_load %arg8[%get3A_393] {strides = array<i32>} : memref<1024xf32, #tpu.memory_space<vmem>>, vector<16xf32>,
            %get3A_395 = arith.constant 672 : index
            %get3A_396 = tpu.vector_load %arg11[%get3A_395] {strides = array<i32>} : memref<1024xf32, #tpu.memory_space<vmem>>, vector<16xf32>,
            %max3A_397 = arith.maximumf %get3A_394, %get3A_396 : vector<16xf32>
            %swap3A_398 = arith.constant 672 : index
            %swap3A_399 = tpu.vector_load %arg8[%swap3A_398] {strides = array<i32>} : memref<1024xf32, #tpu.memory_space<vmem>>, vector<16xf32>,
            tpu.vector_store %arg8[%swap3A_398], %max3A_397 {strides = array<i32>} : memref<1024xf32, #tpu.memory_space<vmem>>, vector<16xf32>,
            %get3A_400 = arith.constant 688 : index
            %get3A_401 = tpu.vector_load %arg8[%get3A_400] {strides = array<i32>} : memref<1024xf32, #tpu.memory_space<vmem>>, vector<16xf32>,
            %get3A_402 = arith.constant 688 : index
            %get3A_403 = tpu.vector_load %arg11[%get3A_402] {strides = array<i32>} : memref<1024xf32, #tpu.memory_space<vmem>>, vector<16xf32>,
            %max3A_404 = arith.maximumf %get3A_401, %get3A_403 : vector<16xf32>
            %swap3A_405 = arith.constant 688 : index
            %swap3A_406 = tpu.vector_load %arg8[%swap3A_405] {strides = array<i32>} : memref<1024xf32, #tpu.memory_space<vmem>>, vector<16xf32>,
            tpu.vector_store %arg8[%swap3A_405], %max3A_404 {strides = array<i32>} : memref<1024xf32, #tpu.memory_space<vmem>>, vector<16xf32>,
            %get3A_407 = arith.constant 704 : index
            %get3A_408 = tpu.vector_load %arg8[%get3A_407] {strides = array<i32>} : memref<1024xf32, #tpu.memory_space<vmem>>, vector<16xf32>,
            %get3A_409 = arith.constant 704 : index
            %get3A_410 = tpu.vector_load %arg11[%get3A_409] {strides = array<i32>} : memref<1024xf32, #tpu.memory_space<vmem>>, vector<16xf32>,
            %max3A_411 = arith.maximumf %get3A_408, %get3A_410 : vector<16xf32>
            %swap3A_412 = arith.constant 704 : index
            %swap3A_413 = tpu.vector_load %arg8[%swap3A_412] {strides = array<i32>} : memref<1024xf32, #tpu.memory_space<vmem>>, vector<16xf32>,
            tpu.vector_store %arg8[%swap3A_412], %max3A_411 {strides = array<i32>} : memref<1024xf32, #tpu.memory_space<vmem>>, vector<16xf32>,
            %get3A_414 = arith.constant 720 : index
            %get3A_415 = tpu.vector_load %arg8[%get3A_414] {strides = array<i32>} : memref<1024xf32, #tpu.memory_space<vmem>>, vector<16xf32>,
            %get3A_416 = arith.constant 720 : index
            %get3A_417 = tpu.vector_load %arg11[%get3A_416] {strides = array<i32>} : memref<1024xf32, #tpu.memory_space<vmem>>, vector<16xf32>,
            %max3A_418 = arith.maximumf %get3A_415, %get3A_417 : vector<16xf32>
            %swap3A_419 = arith.constant 720 : index
            %swap3A_420 = tpu.vector_load %arg8[%swap3A_419] {strides = array<i32>} : memref<1024xf32, #tpu.memory_space<vmem>>, vector<16xf32>,
            tpu.vector_store %arg8[%swap3A_419], %max3A_418 {strides = array<i32>} : memref<1024xf32, #tpu.memory_space<vmem>>, vector<16xf32>,
            %get3A_421 = arith.constant 736 : index
            %get3A_422 = tpu.vector_load %arg8[%get3A_421] {strides = array<i32>} : memref<1024xf32, #tpu.memory_space<vmem>>, vector<16xf32>,
            %get3A_423 = arith.constant 736 : index
            %get3A_424 = tpu.vector_load %arg11[%get3A_423] {strides = array<i32>} : memref<1024xf32, #tpu.memory_space<vmem>>, vector<16xf32>,
            %max3A_425 = arith.maximumf %get3A_422, %get3A_424 : vector<16xf32>
            %swap3A_426 = arith.constant 736 : index
            %swap3A_427 = tpu.vector_load %arg8[%swap3A_426] {strides = array<i32>} : memref<1024xf32, #tpu.memory_space<vmem>>, vector<16xf32>,
            tpu.vector_store %arg8[%swap3A_426], %max3A_425 {strides = array<i32>} : memref<1024xf32, #tpu.memory_space<vmem>>, vector<16xf32>,
            %get3A_428 = arith.constant 752 : index
            %get3A_429 = tpu.vector_load %arg8[%get3A_428] {strides = array<i32>} : memref<1024xf32, #tpu.memory_space<vmem>>, vector<16xf32>,
            %get3A_430 = arith.constant 752 : index
            %get3A_431 = tpu.vector_load %arg11[%get3A_430] {strides = array<i32>} : memref<1024xf32, #tpu.memory_space<vmem>>, vector<16xf32>,
            %max3A_432 = arith.maximumf %get3A_429, %get3A_431 : vector<16xf32>
            %swap3A_433 = arith.constant 752 : index
            %swap3A_434 = tpu.vector_load %arg8[%swap3A_433] {strides = array<i32>} : memref<1024xf32, #tpu.memory_space<vmem>>, vector<16xf32>,
            tpu.vector_store %arg8[%swap3A_433], %max3A_432 {strides = array<i32>} : memref<1024xf32, #tpu.memory_space<vmem>>, vector<16xf32>,
            %get3A_435 = arith.constant 768 : index
            %get3A_436 = tpu.vector_load %arg8[%get3A_435] {strides = array<i32>} : memref<1024xf32, #tpu.memory_space<vmem>>, vector<16xf32>,
            %get3A_437 = arith.constant 768 : index
            %get3A_438 = tpu.vector_load %arg11[%get3A_437] {strides = array<i32>} : memref<1024xf32, #tpu.memory_space<vmem>>, vector<16xf32>,
            %max3A_439 = arith.maximumf %get3A_436, %get3A_438 : vector<16xf32>
            %swap3A_440 = arith.constant 768 : index
            %swap3A_441 = tpu.vector_load %arg8[%swap3A_440] {strides = array<i32>} : memref<1024xf32, #tpu.memory_space<vmem>>, vector<16xf32>,
            tpu.vector_store %arg8[%swap3A_440], %max3A_439 {strides = array<i32>} : memref<1024xf32, #tpu.memory_space<vmem>>, vector<16xf32>,
            %get3A_442 = arith.constant 784 : index
            %get3A_443 = tpu.vector_load %arg8[%get3A_442] {strides = array<i32>} : memref<1024xf32, #tpu.memory_space<vmem>>, vector<16xf32>,
            %get3A_444 = arith.constant 784 : index
            %get3A_445 = tpu.vector_load %arg11[%get3A_444] {strides = array<i32>} : memref<1024xf32, #tpu.memory_space<vmem>>, vector<16xf32>,
            %max3A_446 = arith.maximumf %get3A_443, %get3A_445 : vector<16xf32>
            %swap3A_447 = arith.constant 784 : index
            %swap3A_448 = tpu.vector_load %arg8[%swap3A_447] {strides = array<i32>} : memref<1024xf32, #tpu.memory_space<vmem>>, vector<16xf32>,
            tpu.vector_store %arg8[%swap3A_447], %max3A_446 {strides = array<i32>} : memref<1024xf32, #tpu.memory_space<vmem>>, vector<16xf32>,
            %get3A_449 = arith.constant 800 : index
            %get3A_450 = tpu.vector_load %arg8[%get3A_449] {strides = array<i32>} : memref<1024xf32, #tpu.memory_space<vmem>>, vector<16xf32>,
            %get3A_451 = arith.constant 800 : index
            %get3A_452 = tpu.vector_load %arg11[%get3A_451] {strides = array<i32>} : memref<1024xf32, #tpu.memory_space<vmem>>, vector<16xf32>,
            %max3A_453 = arith.maximumf %get3A_450, %get3A_452 : vector<16xf32>
            %swap3A_454 = arith.constant 800 : index
            %swap3A_455 = tpu.vector_load %arg8[%swap3A_454] {strides = array<i32>} : memref<1024xf32, #tpu.memory_space<vmem>>, vector<16xf32>,
            tpu.vector_store %arg8[%swap3A_454], %max3A_453 {strides = array<i32>} : memref<1024xf32, #tpu.memory_space<vmem>>, vector<16xf32>,
            %get3A_456 = arith.constant 816 : index
            %get3A_457 = tpu.vector_load %arg8[%get3A_456] {strides = array<i32>} : memref<1024xf32, #tpu.memory_space<vmem>>, vector<16xf32>,
            %get3A_458 = arith.constant 816 : index
            %get3A_459 = tpu.vector_load %arg11[%get3A_458] {strides = array<i32>} : memref<1024xf32, #tpu.memory_space<vmem>>, vector<16xf32>,
            %max3A_460 = arith.maximumf %get3A_457, %get3A_459 : vector<16xf32>
            %swap3A_461 = arith.constant 816 : index
            %swap3A_462 = tpu.vector_load %arg8[%swap3A_461] {strides = array<i32>} : memref<1024xf32, #tpu.memory_space<vmem>>, vector<16xf32>,
            tpu.vector_store %arg8[%swap3A_461], %max3A_460 {strides = array<i32>} : memref<1024xf32, #tpu.memory_space<vmem>>, vector<16xf32>,
            %get3A_463 = arith.constant 832 : index
            %get3A_464 = tpu.vector_load %arg8[%get3A_463] {strides = array<i32>} : memref<1024xf32, #tpu.memory_space<vmem>>, vector<16xf32>,
            %get3A_465 = arith.constant 832 : index
            %get3A_466 = tpu.vector_load %arg11[%get3A_465] {strides = array<i32>} : memref<1024xf32, #tpu.memory_space<vmem>>, vector<16xf32>,
            %max3A_467 = arith.maximumf %get3A_464, %get3A_466 : vector<16xf32>
            %swap3A_468 = arith.constant 832 : index
            %swap3A_469 = tpu.vector_load %arg8[%swap3A_468] {strides = array<i32>} : memref<1024xf32, #tpu.memory_space<vmem>>, vector<16xf32>,
            tpu.vector_store %arg8[%swap3A_468], %max3A_467 {strides = array<i32>} : memref<1024xf32, #tpu.memory_space<vmem>>, vector<16xf32>,
            %get3A_470 = arith.constant 848 : index
            %get3A_471 = tpu.vector_load %arg8[%get3A_470] {strides = array<i32>} : memref<1024xf32, #tpu.memory_space<vmem>>, vector<16xf32>,
            %get3A_472 = arith.constant 848 : index
            %get3A_473 = tpu.vector_load %arg11[%get3A_472] {strides = array<i32>} : memref<1024xf32, #tpu.memory_space<vmem>>, vector<16xf32>,
            %max3A_474 = arith.maximumf %get3A_471, %get3A_473 : vector<16xf32>
            %swap3A_475 = arith.constant 848 : index
            %swap3A_476 = tpu.vector_load %arg8[%swap3A_475] {strides = array<i32>} : memref<1024xf32, #tpu.memory_space<vmem>>, vector<16xf32>,
            tpu.vector_store %arg8[%swap3A_475], %max3A_474 {strides = array<i32>} : memref<1024xf32, #tpu.memory_space<vmem>>, vector<16xf32>,
            %get3A_477 = arith.constant 864 : index
            %get3A_478 = tpu.vector_load %arg8[%get3A_477] {strides = array<i32>} : memref<1024xf32, #tpu.memory_space<vmem>>, vector<16xf32>,
            %get3A_479 = arith.constant 864 : index
            %get3A_480 = tpu.vector_load %arg11[%get3A_479] {strides = array<i32>} : memref<1024xf32, #tpu.memory_space<vmem>>, vector<16xf32>,
            %max3A_481 = arith.maximumf %get3A_478, %get3A_480 : vector<16xf32>
            %swap3A_482 = arith.constant 864 : index
            %swap3A_483 = tpu.vector_load %arg8[%swap3A_482] {strides = array<i32>} : memref<1024xf32, #tpu.memory_space<vmem>>, vector<16xf32>,
            tpu.vector_store %arg8[%swap3A_482], %max3A_481 {strides = array<i32>} : memref<1024xf32, #tpu.memory_space<vmem>>, vector<16xf32>,
            %get3A_484 = arith.constant 880 : index
            %get3A_485 = tpu.vector_load %arg8[%get3A_484] {strides = array<i32>} : memref<1024xf32, #tpu.memory_space<vmem>>, vector<16xf32>,
            %get3A_486 = arith.constant 880 : index
            %get3A_487 = tpu.vector_load %arg11[%get3A_486] {strides = array<i32>} : memref<1024xf32, #tpu.memory_space<vmem>>, vector<16xf32>,
            %max3A_488 = arith.maximumf %get3A_485, %get3A_487 : vector<16xf32>
            %swap3A_489 = arith.constant 880 : index
            %swap3A_490 = tpu.vector_load %arg8[%swap3A_489] {strides = array<i32>} : memref<1024xf32, #tpu.memory_space<vmem>>, vector<16xf32>,
            tpu.vector_store %arg8[%swap3A_489], %max3A_488 {strides = array<i32>} : memref<1024xf32, #tpu.memory_space<vmem>>, vector<16xf32>,
            %get3A_491 = arith.constant 896 : index
            %get3A_492 = tpu.vector_load %arg8[%get3A_491] {strides = array<i32>} : memref<1024xf32, #tpu.memory_space<vmem>>, vector<16xf32>,
            %get3A_493 = arith.constant 896 : index
            %get3A_494 = tpu.vector_load %arg11[%get3A_493] {strides = array<i32>} : memref<1024xf32, #tpu.memory_space<vmem>>, vector<16xf32>,
            %max3A_495 = arith.maximumf %get3A_492, %get3A_494 : vector<16xf32>
            %swap3A_496 = arith.constant 896 : index
            %swap3A_497 = tpu.vector_load %arg8[%swap3A_496] {strides = array<i32>} : memref<1024xf32, #tpu.memory_space<vmem>>, vector<16xf32>,
            tpu.vector_store %arg8[%swap3A_496], %max3A_495 {strides = array<i32>} : memref<1024xf32, #tpu.memory_space<vmem>>, vector<16xf32>,
            %get3A_498 = arith.constant 912 : index
            %get3A_499 = tpu.vector_load %arg8[%get3A_498] {strides = array<i32>} : memref<1024xf32, #tpu.memory_space<vmem>>, vector<16xf32>,
            %get3A_500 = arith.constant 912 : index
            %get3A_501 = tpu.vector_load %arg11[%get3A_500] {strides = array<i32>} : memref<1024xf32, #tpu.memory_space<vmem>>, vector<16xf32>,
            %max3A_502 = arith.maximumf %get3A_499, %get3A_501 : vector<16xf32>
            %swap3A_503 = arith.constant 912 : index
            %swap3A_504 = tpu.vector_load %arg8[%swap3A_503] {strides = array<i32>} : memref<1024xf32, #tpu.memory_space<vmem>>, vector<16xf32>,
            tpu.vector_store %arg8[%swap3A_503], %max3A_502 {strides = array<i32>} : memref<1024xf32, #tpu.memory_space<vmem>>, vector<16xf32>,
            %get3A_505 = arith.constant 928 : index
            %get3A_506 = tpu.vector_load %arg8[%get3A_505] {strides = array<i32>} : memref<1024xf32, #tpu.memory_space<vmem>>, vector<16xf32>,
            %get3A_507 = arith.constant 928 : index
            %get3A_508 = tpu.vector_load %arg11[%get3A_507] {strides = array<i32>} : memref<1024xf32, #tpu.memory_space<vmem>>, vector<16xf32>,
            %max3A_509 = arith.maximumf %get3A_506, %get3A_508 : vector<16xf32>
            %swap3A_510 = arith.constant 928 : index
            %swap3A_511 = tpu.vector_load %arg8[%swap3A_510] {strides = array<i32>} : memref<1024xf32, #tpu.memory_space<vmem>>, vector<16xf32>,
            tpu.vector_store %arg8[%swap3A_510], %max3A_509 {strides = array<i32>} : memref<1024xf32, #tpu.memory_space<vmem>>, vector<16xf32>,
            %get3A_512 = arith.constant 944 : index
            %get3A_513 = tpu.vector_load %arg8[%get3A_512] {strides = array<i32>} : memref<1024xf32, #tpu.memory_space<vmem>>, vector<16xf32>,
            %get3A_514 = arith.constant 944 : index
            %get3A_515 = tpu.vector_load %arg11[%get3A_514] {strides = array<i32>} : memref<1024xf32, #tpu.memory_space<vmem>>, vector<16xf32>,
            %max3A_516 = arith.maximumf %get3A_513, %get3A_515 : vector<16xf32>
            %swap3A_517 = arith.constant 944 : index
            %swap3A_518 = tpu.vector_load %arg8[%swap3A_517] {strides = array<i32>} : memref<1024xf32, #tpu.memory_space<vmem>>, vector<16xf32>,
            tpu.vector_store %arg8[%swap3A_517], %max3A_516 {strides = array<i32>} : memref<1024xf32, #tpu.memory_space<vmem>>, vector<16xf32>,
            %get3A_519 = arith.constant 960 : index
            %get3A_520 = tpu.vector_load %arg8[%get3A_519] {strides = array<i32>} : memref<1024xf32, #tpu.memory_space<vmem>>, vector<16xf32>,
            %get3A_521 = arith.constant 960 : index
            %get3A_522 = tpu.vector_load %arg11[%get3A_521] {strides = array<i32>} : memref<1024xf32, #tpu.memory_space<vmem>>, vector<16xf32>,
            %max3A_523 = arith.maximumf %get3A_520, %get3A_522 : vector<16xf32>
            %swap3A_524 = arith.constant 960 : index
            %swap3A_525 = tpu.vector_load %arg8[%swap3A_524] {strides = array<i32>} : memref<1024xf32, #tpu.memory_space<vmem>>, vector<16xf32>,
            tpu.vector_store %arg8[%swap3A_524], %max3A_523 {strides = array<i32>} : memref<1024xf32, #tpu.memory_space<vmem>>, vector<16xf32>,
            %get3A_526 = arith.constant 976 : index
            %get3A_527 = tpu.vector_load %arg8[%get3A_526] {strides = array<i32>} : memref<1024xf32, #tpu.memory_space<vmem>>, vector<16xf32>,
            %get3A_528 = arith.constant 976 : index
            %get3A_529 = tpu.vector_load %arg11[%get3A_528] {strides = array<i32>} : memref<1024xf32, #tpu.memory_space<vmem>>, vector<16xf32>,
            %max3A_530 = arith.maximumf %get3A_527, %get3A_529 : vector<16xf32>
            %swap3A_531 = arith.constant 976 : index
            %swap3A_532 = tpu.vector_load %arg8[%swap3A_531] {strides = array<i32>} : memref<1024xf32, #tpu.memory_space<vmem>>, vector<16xf32>,
            tpu.vector_store %arg8[%swap3A_531], %max3A_530 {strides = array<i32>} : memref<1024xf32, #tpu.memory_space<vmem>>, vector<16xf32>,
            %get3A_533 = arith.constant 992 : index
            %get3A_534 = tpu.vector_load %arg8[%get3A_533] {strides = array<i32>} : memref<1024xf32, #tpu.memory_space<vmem>>, vector<16xf32>,
            %get3A_535 = arith.constant 992 : index
            %get3A_536 = tpu.vector_load %arg11[%get3A_535] {strides = array<i32>} : memref<1024xf32, #tpu.memory_space<vmem>>, vector<16xf32>,
            %max3A_537 = arith.maximumf %get3A_534, %get3A_536 : vector<16xf32>
            %swap3A_538 = arith.constant 992 : index
            %swap3A_539 = tpu.vector_load %arg8[%swap3A_538] {strides = array<i32>} : memref<1024xf32, #tpu.memory_space<vmem>>, vector<16xf32>,
            tpu.vector_store %arg8[%swap3A_538], %max3A_537 {strides = array<i32>} : memref<1024xf32, #tpu.memory_space<vmem>>, vector<16xf32>,
            %get3A_540 = arith.constant 1008 : index
            %get3A_541 = tpu.vector_load %arg8[%get3A_540] {strides = array<i32>} : memref<1024xf32, #tpu.memory_space<vmem>>, vector<16xf32>,
            %get3A_542 = arith.constant 1008 : index
            %get3A_543 = tpu.vector_load %arg11[%get3A_542] {strides = array<i32>} : memref<1024xf32, #tpu.memory_space<vmem>>, vector<16xf32>,
            %max3A_544 = arith.maximumf %get3A_541, %get3A_543 : vector<16xf32>
            %swap3A_545 = arith.constant 1008 : index
            %swap3A_546 = tpu.vector_load %arg8[%swap3A_545] {strides = array<i32>} : memref<1024xf32, #tpu.memory_space<vmem>>, vector<16xf32>,
            tpu.vector_store %arg8[%swap3A_545], %max3A_544 {strides = array<i32>} : memref<1024xf32, #tpu.memory_space<vmem>>, vector<16xf32>,
          } else {
          }
          %not3A = arith.constant true
          %not3A_88 = arith.xori %lt3A_84, %not3A : i1
          %convert_element_type3A_89 = arith.extui %not3A_88 : i1 to i32
          %cond3A_90 = arith.constant 0 : i32
          %cond3A_91 = arith.cmpi ne, %convert_element_type3A_89, %cond3A_90 : i32
          scf.if %cond3A_91 {
            %get3A = arith.constant 0 : index
            %get3A_102 = tpu.vector_load %arg9[%get3A] {strides = array<i32>} : memref<1024xf32, #tpu.memory_space<vmem>>, vector<16xf32>,
            %get3A_103 = arith.constant 0 : index
            %get3A_104 = tpu.vector_load %arg11[%get3A_103] {strides = array<i32>} : memref<1024xf32, #tpu.memory_space<vmem>>, vector<16xf32>,
            %max3A = arith.maximumf %get3A_102, %get3A_104 : vector<16xf32>
            %swap3A = arith.constant 0 : index
            %swap3A_105 = tpu.vector_load %arg9[%swap3A] {strides = array<i32>} : memref<1024xf32, #tpu.memory_space<vmem>>, vector<16xf32>,
            tpu.vector_store %arg9[%swap3A], %max3A {strides = array<i32>} : memref<1024xf32, #tpu.memory_space<vmem>>, vector<16xf32>,
            %get3A_106 = arith.constant 16 : index
            %get3A_107 = tpu.vector_load %arg9[%get3A_106] {strides = array<i32>} : memref<1024xf32, #tpu.memory_space<vmem>>, vector<16xf32>,
            %get3A_108 = arith.constant 16 : index
            %get3A_109 = tpu.vector_load %arg11[%get3A_108] {strides = array<i32>} : memref<1024xf32, #tpu.memory_space<vmem>>, vector<16xf32>,
            %max3A_110 = arith.maximumf %get3A_107, %get3A_109 : vector<16xf32>
            %swap3A_111 = arith.constant 16 : index
            %swap3A_112 = tpu.vector_load %arg9[%swap3A_111] {strides = array<i32>} : memref<1024xf32, #tpu.memory_space<vmem>>, vector<16xf32>,
            tpu.vector_store %arg9[%swap3A_111], %max3A_110 {strides = array<i32>} : memref<1024xf32, #tpu.memory_space<vmem>>, vector<16xf32>,
            %get3A_113 = arith.constant 32 : index
            %get3A_114 = tpu.vector_load %arg9[%get3A_113] {strides = array<i32>} : memref<1024xf32, #tpu.memory_space<vmem>>, vector<16xf32>,
            %get3A_115 = arith.constant 32 : index
            %get3A_116 = tpu.vector_load %arg11[%get3A_115] {strides = array<i32>} : memref<1024xf32, #tpu.memory_space<vmem>>, vector<16xf32>,
            %max3A_117 = arith.maximumf %get3A_114, %get3A_116 : vector<16xf32>
            %swap3A_118 = arith.constant 32 : index
            %swap3A_119 = tpu.vector_load %arg9[%swap3A_118] {strides = array<i32>} : memref<1024xf32, #tpu.memory_space<vmem>>, vector<16xf32>,
            tpu.vector_store %arg9[%swap3A_118], %max3A_117 {strides = array<i32>} : memref<1024xf32, #tpu.memory_space<vmem>>, vector<16xf32>,
            %get3A_120 = arith.constant 48 : index
            %get3A_121 = tpu.vector_load %arg9[%get3A_120] {strides = array<i32>} : memref<1024xf32, #tpu.memory_space<vmem>>, vector<16xf32>,
            %get3A_122 = arith.constant 48 : index
            %get3A_123 = tpu.vector_load %arg11[%get3A_122] {strides = array<i32>} : memref<1024xf32, #tpu.memory_space<vmem>>, vector<16xf32>,
            %max3A_124 = arith.maximumf %get3A_121, %get3A_123 : vector<16xf32>
            %swap3A_125 = arith.constant 48 : index
            %swap3A_126 = tpu.vector_load %arg9[%swap3A_125] {strides = array<i32>} : memref<1024xf32, #tpu.memory_space<vmem>>, vector<16xf32>,
            tpu.vector_store %arg9[%swap3A_125], %max3A_124 {strides = array<i32>} : memref<1024xf32, #tpu.memory_space<vmem>>, vector<16xf32>,
            %get3A_127 = arith.constant 64 : index
            %get3A_128 = tpu.vector_load %arg9[%get3A_127] {strides = array<i32>} : memref<1024xf32, #tpu.memory_space<vmem>>, vector<16xf32>,
            %get3A_129 = arith.constant 64 : index
            %get3A_130 = tpu.vector_load %arg11[%get3A_129] {strides = array<i32>} : memref<1024xf32, #tpu.memory_space<vmem>>, vector<16xf32>,
            %max3A_131 = arith.maximumf %get3A_128, %get3A_130 : vector<16xf32>
            %swap3A_132 = arith.constant 64 : index
            %swap3A_133 = tpu.vector_load %arg9[%swap3A_132] {strides = array<i32>} : memref<1024xf32, #tpu.memory_space<vmem>>, vector<16xf32>,
            tpu.vector_store %arg9[%swap3A_132], %max3A_131 {strides = array<i32>} : memref<1024xf32, #tpu.memory_space<vmem>>, vector<16xf32>,
            %get3A_134 = arith.constant 80 : index
            %get3A_135 = tpu.vector_load %arg9[%get3A_134] {strides = array<i32>} : memref<1024xf32, #tpu.memory_space<vmem>>, vector<16xf32>,
            %get3A_136 = arith.constant 80 : index
            %get3A_137 = tpu.vector_load %arg11[%get3A_136] {strides = array<i32>} : memref<1024xf32, #tpu.memory_space<vmem>>, vector<16xf32>,
            %max3A_138 = arith.maximumf %get3A_135, %get3A_137 : vector<16xf32>
            %swap3A_139 = arith.constant 80 : index
            %swap3A_140 = tpu.vector_load %arg9[%swap3A_139] {strides = array<i32>} : memref<1024xf32, #tpu.memory_space<vmem>>, vector<16xf32>,
            tpu.vector_store %arg9[%swap3A_139], %max3A_138 {strides = array<i32>} : memref<1024xf32, #tpu.memory_space<vmem>>, vector<16xf32>,
            %get3A_141 = arith.constant 96 : index
            %get3A_142 = tpu.vector_load %arg9[%get3A_141] {strides = array<i32>} : memref<1024xf32, #tpu.memory_space<vmem>>, vector<16xf32>,
            %get3A_143 = arith.constant 96 : index
            %get3A_144 = tpu.vector_load %arg11[%get3A_143] {strides = array<i32>} : memref<1024xf32, #tpu.memory_space<vmem>>, vector<16xf32>,
            %max3A_145 = arith.maximumf %get3A_142, %get3A_144 : vector<16xf32>
            %swap3A_146 = arith.constant 96 : index
            %swap3A_147 = tpu.vector_load %arg9[%swap3A_146] {strides = array<i32>} : memref<1024xf32, #tpu.memory_space<vmem>>, vector<16xf32>,
            tpu.vector_store %arg9[%swap3A_146], %max3A_145 {strides = array<i32>} : memref<1024xf32, #tpu.memory_space<vmem>>, vector<16xf32>,
            %get3A_148 = arith.constant 112 : index
            %get3A_149 = tpu.vector_load %arg9[%get3A_148] {strides = array<i32>} : memref<1024xf32, #tpu.memory_space<vmem>>, vector<16xf32>,
            %get3A_150 = arith.constant 112 : index
            %get3A_151 = tpu.vector_load %arg11[%get3A_150] {strides = array<i32>} : memref<1024xf32, #tpu.memory_space<vmem>>, vector<16xf32>,
            %max3A_152 = arith.maximumf %get3A_149, %get3A_151 : vector<16xf32>
            %swap3A_153 = arith.constant 112 : index
            %swap3A_154 = tpu.vector_load %arg9[%swap3A_153] {strides = array<i32>} : memref<1024xf32, #tpu.memory_space<vmem>>, vector<16xf32>,
            tpu.vector_store %arg9[%swap3A_153], %max3A_152 {strides = array<i32>} : memref<1024xf32, #tpu.memory_space<vmem>>, vector<16xf32>,
            %get3A_155 = arith.constant 128 : index
            %get3A_156 = tpu.vector_load %arg9[%get3A_155] {strides = array<i32>} : memref<1024xf32, #tpu.memory_space<vmem>>, vector<16xf32>,
            %get3A_157 = arith.constant 128 : index
            %get3A_158 = tpu.vector_load %arg11[%get3A_157] {strides = array<i32>} : memref<1024xf32, #tpu.memory_space<vmem>>, vector<16xf32>,
            %max3A_159 = arith.maximumf %get3A_156, %get3A_158 : vector<16xf32>
            %swap3A_160 = arith.constant 128 : index
            %swap3A_161 = tpu.vector_load %arg9[%swap3A_160] {strides = array<i32>} : memref<1024xf32, #tpu.memory_space<vmem>>, vector<16xf32>,
            tpu.vector_store %arg9[%swap3A_160], %max3A_159 {strides = array<i32>} : memref<1024xf32, #tpu.memory_space<vmem>>, vector<16xf32>,
            %get3A_162 = arith.constant 144 : index
            %get3A_163 = tpu.vector_load %arg9[%get3A_162] {strides = array<i32>} : memref<1024xf32, #tpu.memory_space<vmem>>, vector<16xf32>,
            %get3A_164 = arith.constant 144 : index
            %get3A_165 = tpu.vector_load %arg11[%get3A_164] {strides = array<i32>} : memref<1024xf32, #tpu.memory_space<vmem>>, vector<16xf32>,
            %max3A_166 = arith.maximumf %get3A_163, %get3A_165 : vector<16xf32>
            %swap3A_167 = arith.constant 144 : index
            %swap3A_168 = tpu.vector_load %arg9[%swap3A_167] {strides = array<i32>} : memref<1024xf32, #tpu.memory_space<vmem>>, vector<16xf32>,
            tpu.vector_store %arg9[%swap3A_167], %max3A_166 {strides = array<i32>} : memref<1024xf32, #tpu.memory_space<vmem>>, vector<16xf32>,
            %get3A_169 = arith.constant 160 : index
            %get3A_170 = tpu.vector_load %arg9[%get3A_169] {strides = array<i32>} : memref<1024xf32, #tpu.memory_space<vmem>>, vector<16xf32>,
            %get3A_171 = arith.constant 160 : index
            %get3A_172 = tpu.vector_load %arg11[%get3A_171] {strides = array<i32>} : memref<1024xf32, #tpu.memory_space<vmem>>, vector<16xf32>,
            %max3A_173 = arith.maximumf %get3A_170, %get3A_172 : vector<16xf32>
            %swap3A_174 = arith.constant 160 : index
            %swap3A_175 = tpu.vector_load %arg9[%swap3A_174] {strides = array<i32>} : memref<1024xf32, #tpu.memory_space<vmem>>, vector<16xf32>,
            tpu.vector_store %arg9[%swap3A_174], %max3A_173 {strides = array<i32>} : memref<1024xf32, #tpu.memory_space<vmem>>, vector<16xf32>,
            %get3A_176 = arith.constant 176 : index
            %get3A_177 = tpu.vector_load %arg9[%get3A_176] {strides = array<i32>} : memref<1024xf32, #tpu.memory_space<vmem>>, vector<16xf32>,
            %get3A_178 = arith.constant 176 : index
            %get3A_179 = tpu.vector_load %arg11[%get3A_178] {strides = array<i32>} : memref<1024xf32, #tpu.memory_space<vmem>>, vector<16xf32>,
            %max3A_180 = arith.maximumf %get3A_177, %get3A_179 : vector<16xf32>
            %swap3A_181 = arith.constant 176 : index
            %swap3A_182 = tpu.vector_load %arg9[%swap3A_181] {strides = array<i32>} : memref<1024xf32, #tpu.memory_space<vmem>>, vector<16xf32>,
            tpu.vector_store %arg9[%swap3A_181], %max3A_180 {strides = array<i32>} : memref<1024xf32, #tpu.memory_space<vmem>>, vector<16xf32>,
            %get3A_183 = arith.constant 192 : index
            %get3A_184 = tpu.vector_load %arg9[%get3A_183] {strides = array<i32>} : memref<1024xf32, #tpu.memory_space<vmem>>, vector<16xf32>,
            %get3A_185 = arith.constant 192 : index
            %get3A_186 = tpu.vector_load %arg11[%get3A_185] {strides = array<i32>} : memref<1024xf32, #tpu.memory_space<vmem>>, vector<16xf32>,
            %max3A_187 = arith.maximumf %get3A_184, %get3A_186 : vector<16xf32>
            %swap3A_188 = arith.constant 192 : index
            %swap3A_189 = tpu.vector_load %arg9[%swap3A_188] {strides = array<i32>} : memref<1024xf32, #tpu.memory_space<vmem>>, vector<16xf32>,
            tpu.vector_store %arg9[%swap3A_188], %max3A_187 {strides = array<i32>} : memref<1024xf32, #tpu.memory_space<vmem>>, vector<16xf32>,
            %get3A_190 = arith.constant 208 : index
            %get3A_191 = tpu.vector_load %arg9[%get3A_190] {strides = array<i32>} : memref<1024xf32, #tpu.memory_space<vmem>>, vector<16xf32>,
            %get3A_192 = arith.constant 208 : index
            %get3A_193 = tpu.vector_load %arg11[%get3A_192] {strides = array<i32>} : memref<1024xf32, #tpu.memory_space<vmem>>, vector<16xf32>,
            %max3A_194 = arith.maximumf %get3A_191, %get3A_193 : vector<16xf32>
            %swap3A_195 = arith.constant 208 : index
            %swap3A_196 = tpu.vector_load %arg9[%swap3A_195] {strides = array<i32>} : memref<1024xf32, #tpu.memory_space<vmem>>, vector<16xf32>,
            tpu.vector_store %arg9[%swap3A_195], %max3A_194 {strides = array<i32>} : memref<1024xf32, #tpu.memory_space<vmem>>, vector<16xf32>,
            %get3A_197 = arith.constant 224 : index
            %get3A_198 = tpu.vector_load %arg9[%get3A_197] {strides = array<i32>} : memref<1024xf32, #tpu.memory_space<vmem>>, vector<16xf32>,
            %get3A_199 = arith.constant 224 : index
            %get3A_200 = tpu.vector_load %arg11[%get3A_199] {strides = array<i32>} : memref<1024xf32, #tpu.memory_space<vmem>>, vector<16xf32>,
            %max3A_201 = arith.maximumf %get3A_198, %get3A_200 : vector<16xf32>
            %swap3A_202 = arith.constant 224 : index
            %swap3A_203 = tpu.vector_load %arg9[%swap3A_202] {strides = array<i32>} : memref<1024xf32, #tpu.memory_space<vmem>>, vector<16xf32>,
            tpu.vector_store %arg9[%swap3A_202], %max3A_201 {strides = array<i32>} : memref<1024xf32, #tpu.memory_space<vmem>>, vector<16xf32>,
            %get3A_204 = arith.constant 240 : index
            %get3A_205 = tpu.vector_load %arg9[%get3A_204] {strides = array<i32>} : memref<1024xf32, #tpu.memory_space<vmem>>, vector<16xf32>,
            %get3A_206 = arith.constant 240 : index
            %get3A_207 = tpu.vector_load %arg11[%get3A_206] {strides = array<i32>} : memref<1024xf32, #tpu.memory_space<vmem>>, vector<16xf32>,
            %max3A_208 = arith.maximumf %get3A_205, %get3A_207 : vector<16xf32>
            %swap3A_209 = arith.constant 240 : index
            %swap3A_210 = tpu.vector_load %arg9[%swap3A_209] {strides = array<i32>} : memref<1024xf32, #tpu.memory_space<vmem>>, vector<16xf32>,
            tpu.vector_store %arg9[%swap3A_209], %max3A_208 {strides = array<i32>} : memref<1024xf32, #tpu.memory_space<vmem>>, vector<16xf32>,
            %get3A_211 = arith.constant 256 : index
            %get3A_212 = tpu.vector_load %arg9[%get3A_211] {strides = array<i32>} : memref<1024xf32, #tpu.memory_space<vmem>>, vector<16xf32>,
            %get3A_213 = arith.constant 256 : index
            %get3A_214 = tpu.vector_load %arg11[%get3A_213] {strides = array<i32>} : memref<1024xf32, #tpu.memory_space<vmem>>, vector<16xf32>,
            %max3A_215 = arith.maximumf %get3A_212, %get3A_214 : vector<16xf32>
            %swap3A_216 = arith.constant 256 : index
            %swap3A_217 = tpu.vector_load %arg9[%swap3A_216] {strides = array<i32>} : memref<1024xf32, #tpu.memory_space<vmem>>, vector<16xf32>,
            tpu.vector_store %arg9[%swap3A_216], %max3A_215 {strides = array<i32>} : memref<1024xf32, #tpu.memory_space<vmem>>, vector<16xf32>,
            %get3A_218 = arith.constant 272 : index
            %get3A_219 = tpu.vector_load %arg9[%get3A_218] {strides = array<i32>} : memref<1024xf32, #tpu.memory_space<vmem>>, vector<16xf32>,
            %get3A_220 = arith.constant 272 : index
            %get3A_221 = tpu.vector_load %arg11[%get3A_220] {strides = array<i32>} : memref<1024xf32, #tpu.memory_space<vmem>>, vector<16xf32>,
            %max3A_222 = arith.maximumf %get3A_219, %get3A_221 : vector<16xf32>
            %swap3A_223 = arith.constant 272 : index
            %swap3A_224 = tpu.vector_load %arg9[%swap3A_223] {strides = array<i32>} : memref<1024xf32, #tpu.memory_space<vmem>>, vector<16xf32>,
            tpu.vector_store %arg9[%swap3A_223], %max3A_222 {strides = array<i32>} : memref<1024xf32, #tpu.memory_space<vmem>>, vector<16xf32>,
            %get3A_225 = arith.constant 288 : index
            %get3A_226 = tpu.vector_load %arg9[%get3A_225] {strides = array<i32>} : memref<1024xf32, #tpu.memory_space<vmem>>, vector<16xf32>,
            %get3A_227 = arith.constant 288 : index
            %get3A_228 = tpu.vector_load %arg11[%get3A_227] {strides = array<i32>} : memref<1024xf32, #tpu.memory_space<vmem>>, vector<16xf32>,
            %max3A_229 = arith.maximumf %get3A_226, %get3A_228 : vector<16xf32>
            %swap3A_230 = arith.constant 288 : index
            %swap3A_231 = tpu.vector_load %arg9[%swap3A_230] {strides = array<i32>} : memref<1024xf32, #tpu.memory_space<vmem>>, vector<16xf32>,
            tpu.vector_store %arg9[%swap3A_230], %max3A_229 {strides = array<i32>} : memref<1024xf32, #tpu.memory_space<vmem>>, vector<16xf32>,
            %get3A_232 = arith.constant 304 : index
            %get3A_233 = tpu.vector_load %arg9[%get3A_232] {strides = array<i32>} : memref<1024xf32, #tpu.memory_space<vmem>>, vector<16xf32>,
            %get3A_234 = arith.constant 304 : index
            %get3A_235 = tpu.vector_load %arg11[%get3A_234] {strides = array<i32>} : memref<1024xf32, #tpu.memory_space<vmem>>, vector<16xf32>,
            %max3A_236 = arith.maximumf %get3A_233, %get3A_235 : vector<16xf32>
            %swap3A_237 = arith.constant 304 : index
            %swap3A_238 = tpu.vector_load %arg9[%swap3A_237] {strides = array<i32>} : memref<1024xf32, #tpu.memory_space<vmem>>, vector<16xf32>,
            tpu.vector_store %arg9[%swap3A_237], %max3A_236 {strides = array<i32>} : memref<1024xf32, #tpu.memory_space<vmem>>, vector<16xf32>,
            %get3A_239 = arith.constant 320 : index
            %get3A_240 = tpu.vector_load %arg9[%get3A_239] {strides = array<i32>} : memref<1024xf32, #tpu.memory_space<vmem>>, vector<16xf32>,
            %get3A_241 = arith.constant 320 : index
            %get3A_242 = tpu.vector_load %arg11[%get3A_241] {strides = array<i32>} : memref<1024xf32, #tpu.memory_space<vmem>>, vector<16xf32>,
            %max3A_243 = arith.maximumf %get3A_240, %get3A_242 : vector<16xf32>
            %swap3A_244 = arith.constant 320 : index
            %swap3A_245 = tpu.vector_load %arg9[%swap3A_244] {strides = array<i32>} : memref<1024xf32, #tpu.memory_space<vmem>>, vector<16xf32>,
            tpu.vector_store %arg9[%swap3A_244], %max3A_243 {strides = array<i32>} : memref<1024xf32, #tpu.memory_space<vmem>>, vector<16xf32>,
            %get3A_246 = arith.constant 336 : index
            %get3A_247 = tpu.vector_load %arg9[%get3A_246] {strides = array<i32>} : memref<1024xf32, #tpu.memory_space<vmem>>, vector<16xf32>,
            %get3A_248 = arith.constant 336 : index
            %get3A_249 = tpu.vector_load %arg11[%get3A_248] {strides = array<i32>} : memref<1024xf32, #tpu.memory_space<vmem>>, vector<16xf32>,
            %max3A_250 = arith.maximumf %get3A_247, %get3A_249 : vector<16xf32>
            %swap3A_251 = arith.constant 336 : index
            %swap3A_252 = tpu.vector_load %arg9[%swap3A_251] {strides = array<i32>} : memref<1024xf32, #tpu.memory_space<vmem>>, vector<16xf32>,
            tpu.vector_store %arg9[%swap3A_251], %max3A_250 {strides = array<i32>} : memref<1024xf32, #tpu.memory_space<vmem>>, vector<16xf32>,
            %get3A_253 = arith.constant 352 : index
            %get3A_254 = tpu.vector_load %arg9[%get3A_253] {strides = array<i32>} : memref<1024xf32, #tpu.memory_space<vmem>>, vector<16xf32>,
            %get3A_255 = arith.constant 352 : index
            %get3A_256 = tpu.vector_load %arg11[%get3A_255] {strides = array<i32>} : memref<1024xf32, #tpu.memory_space<vmem>>, vector<16xf32>,
            %max3A_257 = arith.maximumf %get3A_254, %get3A_256 : vector<16xf32>
            %swap3A_258 = arith.constant 352 : index
            %swap3A_259 = tpu.vector_load %arg9[%swap3A_258] {strides = array<i32>} : memref<1024xf32, #tpu.memory_space<vmem>>, vector<16xf32>,
            tpu.vector_store %arg9[%swap3A_258], %max3A_257 {strides = array<i32>} : memref<1024xf32, #tpu.memory_space<vmem>>, vector<16xf32>,
            %get3A_260 = arith.constant 368 : index
            %get3A_261 = tpu.vector_load %arg9[%get3A_260] {strides = array<i32>} : memref<1024xf32, #tpu.memory_space<vmem>>, vector<16xf32>,
            %get3A_262 = arith.constant 368 : index
            %get3A_263 = tpu.vector_load %arg11[%get3A_262] {strides = array<i32>} : memref<1024xf32, #tpu.memory_space<vmem>>, vector<16xf32>,
            %max3A_264 = arith.maximumf %get3A_261, %get3A_263 : vector<16xf32>
            %swap3A_265 = arith.constant 368 : index
            %swap3A_266 = tpu.vector_load %arg9[%swap3A_265] {strides = array<i32>} : memref<1024xf32, #tpu.memory_space<vmem>>, vector<16xf32>,
            tpu.vector_store %arg9[%swap3A_265], %max3A_264 {strides = array<i32>} : memref<1024xf32, #tpu.memory_space<vmem>>, vector<16xf32>,
            %get3A_267 = arith.constant 384 : index
            %get3A_268 = tpu.vector_load %arg9[%get3A_267] {strides = array<i32>} : memref<1024xf32, #tpu.memory_space<vmem>>, vector<16xf32>,
            %get3A_269 = arith.constant 384 : index
            %get3A_270 = tpu.vector_load %arg11[%get3A_269] {strides = array<i32>} : memref<1024xf32, #tpu.memory_space<vmem>>, vector<16xf32>,
            %max3A_271 = arith.maximumf %get3A_268, %get3A_270 : vector<16xf32>
            %swap3A_272 = arith.constant 384 : index
            %swap3A_273 = tpu.vector_load %arg9[%swap3A_272] {strides = array<i32>} : memref<1024xf32, #tpu.memory_space<vmem>>, vector<16xf32>,
            tpu.vector_store %arg9[%swap3A_272], %max3A_271 {strides = array<i32>} : memref<1024xf32, #tpu.memory_space<vmem>>, vector<16xf32>,
            %get3A_274 = arith.constant 400 : index
            %get3A_275 = tpu.vector_load %arg9[%get3A_274] {strides = array<i32>} : memref<1024xf32, #tpu.memory_space<vmem>>, vector<16xf32>,
            %get3A_276 = arith.constant 400 : index
            %get3A_277 = tpu.vector_load %arg11[%get3A_276] {strides = array<i32>} : memref<1024xf32, #tpu.memory_space<vmem>>, vector<16xf32>,
            %max3A_278 = arith.maximumf %get3A_275, %get3A_277 : vector<16xf32>
            %swap3A_279 = arith.constant 400 : index
            %swap3A_280 = tpu.vector_load %arg9[%swap3A_279] {strides = array<i32>} : memref<1024xf32, #tpu.memory_space<vmem>>, vector<16xf32>,
            tpu.vector_store %arg9[%swap3A_279], %max3A_278 {strides = array<i32>} : memref<1024xf32, #tpu.memory_space<vmem>>, vector<16xf32>,
            %get3A_281 = arith.constant 416 : index
            %get3A_282 = tpu.vector_load %arg9[%get3A_281] {strides = array<i32>} : memref<1024xf32, #tpu.memory_space<vmem>>, vector<16xf32>,
            %get3A_283 = arith.constant 416 : index
            %get3A_284 = tpu.vector_load %arg11[%get3A_283] {strides = array<i32>} : memref<1024xf32, #tpu.memory_space<vmem>>, vector<16xf32>,
            %max3A_285 = arith.maximumf %get3A_282, %get3A_284 : vector<16xf32>
            %swap3A_286 = arith.constant 416 : index
            %swap3A_287 = tpu.vector_load %arg9[%swap3A_286] {strides = array<i32>} : memref<1024xf32, #tpu.memory_space<vmem>>, vector<16xf32>,
            tpu.vector_store %arg9[%swap3A_286], %max3A_285 {strides = array<i32>} : memref<1024xf32, #tpu.memory_space<vmem>>, vector<16xf32>,
            %get3A_288 = arith.constant 432 : index
            %get3A_289 = tpu.vector_load %arg9[%get3A_288] {strides = array<i32>} : memref<1024xf32, #tpu.memory_space<vmem>>, vector<16xf32>,
            %get3A_290 = arith.constant 432 : index
            %get3A_291 = tpu.vector_load %arg11[%get3A_290] {strides = array<i32>} : memref<1024xf32, #tpu.memory_space<vmem>>, vector<16xf32>,
            %max3A_292 = arith.maximumf %get3A_289, %get3A_291 : vector<16xf32>
            %swap3A_293 = arith.constant 432 : index
            %swap3A_294 = tpu.vector_load %arg9[%swap3A_293] {strides = array<i32>} : memref<1024xf32, #tpu.memory_space<vmem>>, vector<16xf32>,
            tpu.vector_store %arg9[%swap3A_293], %max3A_292 {strides = array<i32>} : memref<1024xf32, #tpu.memory_space<vmem>>, vector<16xf32>,
            %get3A_295 = arith.constant 448 : index
            %get3A_296 = tpu.vector_load %arg9[%get3A_295] {strides = array<i32>} : memref<1024xf32, #tpu.memory_space<vmem>>, vector<16xf32>,
            %get3A_297 = arith.constant 448 : index
            %get3A_298 = tpu.vector_load %arg11[%get3A_297] {strides = array<i32>} : memref<1024xf32, #tpu.memory_space<vmem>>, vector<16xf32>,
            %max3A_299 = arith.maximumf %get3A_296, %get3A_298 : vector<16xf32>
            %swap3A_300 = arith.constant 448 : index
            %swap3A_301 = tpu.vector_load %arg9[%swap3A_300] {strides = array<i32>} : memref<1024xf32, #tpu.memory_space<vmem>>, vector<16xf32>,
            tpu.vector_store %arg9[%swap3A_300], %max3A_299 {strides = array<i32>} : memref<1024xf32, #tpu.memory_space<vmem>>, vector<16xf32>,
            %get3A_302 = arith.constant 464 : index
            %get3A_303 = tpu.vector_load %arg9[%get3A_302] {strides = array<i32>} : memref<1024xf32, #tpu.memory_space<vmem>>, vector<16xf32>,
            %get3A_304 = arith.constant 464 : index
            %get3A_305 = tpu.vector_load %arg11[%get3A_304] {strides = array<i32>} : memref<1024xf32, #tpu.memory_space<vmem>>, vector<16xf32>,
            %max3A_306 = arith.maximumf %get3A_303, %get3A_305 : vector<16xf32>
            %swap3A_307 = arith.constant 464 : index
            %swap3A_308 = tpu.vector_load %arg9[%swap3A_307] {strides = array<i32>} : memref<1024xf32, #tpu.memory_space<vmem>>, vector<16xf32>,
            tpu.vector_store %arg9[%swap3A_307], %max3A_306 {strides = array<i32>} : memref<1024xf32, #tpu.memory_space<vmem>>, vector<16xf32>,
            %get3A_309 = arith.constant 480 : index
            %get3A_310 = tpu.vector_load %arg9[%get3A_309] {strides = array<i32>} : memref<1024xf32, #tpu.memory_space<vmem>>, vector<16xf32>,
            %get3A_311 = arith.constant 480 : index
            %get3A_312 = tpu.vector_load %arg11[%get3A_311] {strides = array<i32>} : memref<1024xf32, #tpu.memory_space<vmem>>, vector<16xf32>,
            %max3A_313 = arith.maximumf %get3A_310, %get3A_312 : vector<16xf32>
            %swap3A_314 = arith.constant 480 : index
            %swap3A_315 = tpu.vector_load %arg9[%swap3A_314] {strides = array<i32>} : memref<1024xf32, #tpu.memory_space<vmem>>, vector<16xf32>,
            tpu.vector_store %arg9[%swap3A_314], %max3A_313 {strides = array<i32>} : memref<1024xf32, #tpu.memory_space<vmem>>, vector<16xf32>,
            %get3A_316 = arith.constant 496 : index
            %get3A_317 = tpu.vector_load %arg9[%get3A_316] {strides = array<i32>} : memref<1024xf32, #tpu.memory_space<vmem>>, vector<16xf32>,
            %get3A_318 = arith.constant 496 : index
            %get3A_319 = tpu.vector_load %arg11[%get3A_318] {strides = array<i32>} : memref<1024xf32, #tpu.memory_space<vmem>>, vector<16xf32>,
            %max3A_320 = arith.maximumf %get3A_317, %get3A_319 : vector<16xf32>
            %swap3A_321 = arith.constant 496 : index
            %swap3A_322 = tpu.vector_load %arg9[%swap3A_321] {strides = array<i32>} : memref<1024xf32, #tpu.memory_space<vmem>>, vector<16xf32>,
            tpu.vector_store %arg9[%swap3A_321], %max3A_320 {strides = array<i32>} : memref<1024xf32, #tpu.memory_space<vmem>>, vector<16xf32>,
            %get3A_323 = arith.constant 512 : index
            %get3A_324 = tpu.vector_load %arg9[%get3A_323] {strides = array<i32>} : memref<1024xf32, #tpu.memory_space<vmem>>, vector<16xf32>,
            %get3A_325 = arith.constant 512 : index
            %get3A_326 = tpu.vector_load %arg11[%get3A_325] {strides = array<i32>} : memref<1024xf32, #tpu.memory_space<vmem>>, vector<16xf32>,
            %max3A_327 = arith.maximumf %get3A_324, %get3A_326 : vector<16xf32>
            %swap3A_328 = arith.constant 512 : index
            %swap3A_329 = tpu.vector_load %arg9[%swap3A_328] {strides = array<i32>} : memref<1024xf32, #tpu.memory_space<vmem>>, vector<16xf32>,
            tpu.vector_store %arg9[%swap3A_328], %max3A_327 {strides = array<i32>} : memref<1024xf32, #tpu.memory_space<vmem>>, vector<16xf32>,
            %get3A_330 = arith.constant 528 : index
            %get3A_331 = tpu.vector_load %arg9[%get3A_330] {strides = array<i32>} : memref<1024xf32, #tpu.memory_space<vmem>>, vector<16xf32>,
            %get3A_332 = arith.constant 528 : index
            %get3A_333 = tpu.vector_load %arg11[%get3A_332] {strides = array<i32>} : memref<1024xf32, #tpu.memory_space<vmem>>, vector<16xf32>,
            %max3A_334 = arith.maximumf %get3A_331, %get3A_333 : vector<16xf32>
            %swap3A_335 = arith.constant 528 : index
            %swap3A_336 = tpu.vector_load %arg9[%swap3A_335] {strides = array<i32>} : memref<1024xf32, #tpu.memory_space<vmem>>, vector<16xf32>,
            tpu.vector_store %arg9[%swap3A_335], %max3A_334 {strides = array<i32>} : memref<1024xf32, #tpu.memory_space<vmem>>, vector<16xf32>,
            %get3A_337 = arith.constant 544 : index
            %get3A_338 = tpu.vector_load %arg9[%get3A_337] {strides = array<i32>} : memref<1024xf32, #tpu.memory_space<vmem>>, vector<16xf32>,
            %get3A_339 = arith.constant 544 : index
            %get3A_340 = tpu.vector_load %arg11[%get3A_339] {strides = array<i32>} : memref<1024xf32, #tpu.memory_space<vmem>>, vector<16xf32>,
            %max3A_341 = arith.maximumf %get3A_338, %get3A_340 : vector<16xf32>
            %swap3A_342 = arith.constant 544 : index
            %swap3A_343 = tpu.vector_load %arg9[%swap3A_342] {strides = array<i32>} : memref<1024xf32, #tpu.memory_space<vmem>>, vector<16xf32>,
            tpu.vector_store %arg9[%swap3A_342], %max3A_341 {strides = array<i32>} : memref<1024xf32, #tpu.memory_space<vmem>>, vector<16xf32>,
            %get3A_344 = arith.constant 560 : index
            %get3A_345 = tpu.vector_load %arg9[%get3A_344] {strides = array<i32>} : memref<1024xf32, #tpu.memory_space<vmem>>, vector<16xf32>,
            %get3A_346 = arith.constant 560 : index
            %get3A_347 = tpu.vector_load %arg11[%get3A_346] {strides = array<i32>} : memref<1024xf32, #tpu.memory_space<vmem>>, vector<16xf32>,
            %max3A_348 = arith.maximumf %get3A_345, %get3A_347 : vector<16xf32>
            %swap3A_349 = arith.constant 560 : index
            %swap3A_350 = tpu.vector_load %arg9[%swap3A_349] {strides = array<i32>} : memref<1024xf32, #tpu.memory_space<vmem>>, vector<16xf32>,
            tpu.vector_store %arg9[%swap3A_349], %max3A_348 {strides = array<i32>} : memref<1024xf32, #tpu.memory_space<vmem>>, vector<16xf32>,
            %get3A_351 = arith.constant 576 : index
            %get3A_352 = tpu.vector_load %arg9[%get3A_351] {strides = array<i32>} : memref<1024xf32, #tpu.memory_space<vmem>>, vector<16xf32>,
            %get3A_353 = arith.constant 576 : index
            %get3A_354 = tpu.vector_load %arg11[%get3A_353] {strides = array<i32>} : memref<1024xf32, #tpu.memory_space<vmem>>, vector<16xf32>,
            %max3A_355 = arith.maximumf %get3A_352, %get3A_354 : vector<16xf32>
            %swap3A_356 = arith.constant 576 : index
            %swap3A_357 = tpu.vector_load %arg9[%swap3A_356] {strides = array<i32>} : memref<1024xf32, #tpu.memory_space<vmem>>, vector<16xf32>,
            tpu.vector_store %arg9[%swap3A_356], %max3A_355 {strides = array<i32>} : memref<1024xf32, #tpu.memory_space<vmem>>, vector<16xf32>,
            %get3A_358 = arith.constant 592 : index
            %get3A_359 = tpu.vector_load %arg9[%get3A_358] {strides = array<i32>} : memref<1024xf32, #tpu.memory_space<vmem>>, vector<16xf32>,
            %get3A_360 = arith.constant 592 : index
            %get3A_361 = tpu.vector_load %arg11[%get3A_360] {strides = array<i32>} : memref<1024xf32, #tpu.memory_space<vmem>>, vector<16xf32>,
            %max3A_362 = arith.maximumf %get3A_359, %get3A_361 : vector<16xf32>
            %swap3A_363 = arith.constant 592 : index
            %swap3A_364 = tpu.vector_load %arg9[%swap3A_363] {strides = array<i32>} : memref<1024xf32, #tpu.memory_space<vmem>>, vector<16xf32>,
            tpu.vector_store %arg9[%swap3A_363], %max3A_362 {strides = array<i32>} : memref<1024xf32, #tpu.memory_space<vmem>>, vector<16xf32>,
            %get3A_365 = arith.constant 608 : index
            %get3A_366 = tpu.vector_load %arg9[%get3A_365] {strides = array<i32>} : memref<1024xf32, #tpu.memory_space<vmem>>, vector<16xf32>,
            %get3A_367 = arith.constant 608 : index
            %get3A_368 = tpu.vector_load %arg11[%get3A_367] {strides = array<i32>} : memref<1024xf32, #tpu.memory_space<vmem>>, vector<16xf32>,
            %max3A_369 = arith.maximumf %get3A_366, %get3A_368 : vector<16xf32>
            %swap3A_370 = arith.constant 608 : index
            %swap3A_371 = tpu.vector_load %arg9[%swap3A_370] {strides = array<i32>} : memref<1024xf32, #tpu.memory_space<vmem>>, vector<16xf32>,
            tpu.vector_store %arg9[%swap3A_370], %max3A_369 {strides = array<i32>} : memref<1024xf32, #tpu.memory_space<vmem>>, vector<16xf32>,
            %get3A_372 = arith.constant 624 : index
            %get3A_373 = tpu.vector_load %arg9[%get3A_372] {strides = array<i32>} : memref<1024xf32, #tpu.memory_space<vmem>>, vector<16xf32>,
            %get3A_374 = arith.constant 624 : index
            %get3A_375 = tpu.vector_load %arg11[%get3A_374] {strides = array<i32>} : memref<1024xf32, #tpu.memory_space<vmem>>, vector<16xf32>,
            %max3A_376 = arith.maximumf %get3A_373, %get3A_375 : vector<16xf32>
            %swap3A_377 = arith.constant 624 : index
            %swap3A_378 = tpu.vector_load %arg9[%swap3A_377] {strides = array<i32>} : memref<1024xf32, #tpu.memory_space<vmem>>, vector<16xf32>,
            tpu.vector_store %arg9[%swap3A_377], %max3A_376 {strides = array<i32>} : memref<1024xf32, #tpu.memory_space<vmem>>, vector<16xf32>,
            %get3A_379 = arith.constant 640 : index
            %get3A_380 = tpu.vector_load %arg9[%get3A_379] {strides = array<i32>} : memref<1024xf32, #tpu.memory_space<vmem>>, vector<16xf32>,
            %get3A_381 = arith.constant 640 : index
            %get3A_382 = tpu.vector_load %arg11[%get3A_381] {strides = array<i32>} : memref<1024xf32, #tpu.memory_space<vmem>>, vector<16xf32>,
            %max3A_383 = arith.maximumf %get3A_380, %get3A_382 : vector<16xf32>
            %swap3A_384 = arith.constant 640 : index
            %swap3A_385 = tpu.vector_load %arg9[%swap3A_384] {strides = array<i32>} : memref<1024xf32, #tpu.memory_space<vmem>>, vector<16xf32>,
            tpu.vector_store %arg9[%swap3A_384], %max3A_383 {strides = array<i32>} : memref<1024xf32, #tpu.memory_space<vmem>>, vector<16xf32>,
            %get3A_386 = arith.constant 656 : index
            %get3A_387 = tpu.vector_load %arg9[%get3A_386] {strides = array<i32>} : memref<1024xf32, #tpu.memory_space<vmem>>, vector<16xf32>,
            %get3A_388 = arith.constant 656 : index
            %get3A_389 = tpu.vector_load %arg11[%get3A_388] {strides = array<i32>} : memref<1024xf32, #tpu.memory_space<vmem>>, vector<16xf32>,
            %max3A_390 = arith.maximumf %get3A_387, %get3A_389 : vector<16xf32>
            %swap3A_391 = arith.constant 656 : index
            %swap3A_392 = tpu.vector_load %arg9[%swap3A_391] {strides = array<i32>} : memref<1024xf32, #tpu.memory_space<vmem>>, vector<16xf32>,
            tpu.vector_store %arg9[%swap3A_391], %max3A_390 {strides = array<i32>} : memref<1024xf32, #tpu.memory_space<vmem>>, vector<16xf32>,
            %get3A_393 = arith.constant 672 : index
            %get3A_394 = tpu.vector_load %arg9[%get3A_393] {strides = array<i32>} : memref<1024xf32, #tpu.memory_space<vmem>>, vector<16xf32>,
            %get3A_395 = arith.constant 672 : index
            %get3A_396 = tpu.vector_load %arg11[%get3A_395] {strides = array<i32>} : memref<1024xf32, #tpu.memory_space<vmem>>, vector<16xf32>,
            %max3A_397 = arith.maximumf %get3A_394, %get3A_396 : vector<16xf32>
            %swap3A_398 = arith.constant 672 : index
            %swap3A_399 = tpu.vector_load %arg9[%swap3A_398] {strides = array<i32>} : memref<1024xf32, #tpu.memory_space<vmem>>, vector<16xf32>,
            tpu.vector_store %arg9[%swap3A_398], %max3A_397 {strides = array<i32>} : memref<1024xf32, #tpu.memory_space<vmem>>, vector<16xf32>,
            %get3A_400 = arith.constant 688 : index
            %get3A_401 = tpu.vector_load %arg9[%get3A_400] {strides = array<i32>} : memref<1024xf32, #tpu.memory_space<vmem>>, vector<16xf32>,
            %get3A_402 = arith.constant 688 : index
            %get3A_403 = tpu.vector_load %arg11[%get3A_402] {strides = array<i32>} : memref<1024xf32, #tpu.memory_space<vmem>>, vector<16xf32>,
            %max3A_404 = arith.maximumf %get3A_401, %get3A_403 : vector<16xf32>
            %swap3A_405 = arith.constant 688 : index
            %swap3A_406 = tpu.vector_load %arg9[%swap3A_405] {strides = array<i32>} : memref<1024xf32, #tpu.memory_space<vmem>>, vector<16xf32>,
            tpu.vector_store %arg9[%swap3A_405], %max3A_404 {strides = array<i32>} : memref<1024xf32, #tpu.memory_space<vmem>>, vector<16xf32>,
            %get3A_407 = arith.constant 704 : index
            %get3A_408 = tpu.vector_load %arg9[%get3A_407] {strides = array<i32>} : memref<1024xf32, #tpu.memory_space<vmem>>, vector<16xf32>,
            %get3A_409 = arith.constant 704 : index
            %get3A_410 = tpu.vector_load %arg11[%get3A_409] {strides = array<i32>} : memref<1024xf32, #tpu.memory_space<vmem>>, vector<16xf32>,
            %max3A_411 = arith.maximumf %get3A_408, %get3A_410 : vector<16xf32>
            %swap3A_412 = arith.constant 704 : index
            %swap3A_413 = tpu.vector_load %arg9[%swap3A_412] {strides = array<i32>} : memref<1024xf32, #tpu.memory_space<vmem>>, vector<16xf32>,
            tpu.vector_store %arg9[%swap3A_412], %max3A_411 {strides = array<i32>} : memref<1024xf32, #tpu.memory_space<vmem>>, vector<16xf32>,
            %get3A_414 = arith.constant 720 : index
            %get3A_415 = tpu.vector_load %arg9[%get3A_414] {strides = array<i32>} : memref<1024xf32, #tpu.memory_space<vmem>>, vector<16xf32>,
            %get3A_416 = arith.constant 720 : index
            %get3A_417 = tpu.vector_load %arg11[%get3A_416] {strides = array<i32>} : memref<1024xf32, #tpu.memory_space<vmem>>, vector<16xf32>,
            %max3A_418 = arith.maximumf %get3A_415, %get3A_417 : vector<16xf32>
            %swap3A_419 = arith.constant 720 : index
            %swap3A_420 = tpu.vector_load %arg9[%swap3A_419] {strides = array<i32>} : memref<1024xf32, #tpu.memory_space<vmem>>, vector<16xf32>,
            tpu.vector_store %arg9[%swap3A_419], %max3A_418 {strides = array<i32>} : memref<1024xf32, #tpu.memory_space<vmem>>, vector<16xf32>,
            %get3A_421 = arith.constant 736 : index
            %get3A_422 = tpu.vector_load %arg9[%get3A_421] {strides = array<i32>} : memref<1024xf32, #tpu.memory_space<vmem>>, vector<16xf32>,
            %get3A_423 = arith.constant 736 : index
            %get3A_424 = tpu.vector_load %arg11[%get3A_423] {strides = array<i32>} : memref<1024xf32, #tpu.memory_space<vmem>>, vector<16xf32>,
            %max3A_425 = arith.maximumf %get3A_422, %get3A_424 : vector<16xf32>
            %swap3A_426 = arith.constant 736 : index
            %swap3A_427 = tpu.vector_load %arg9[%swap3A_426] {strides = array<i32>} : memref<1024xf32, #tpu.memory_space<vmem>>, vector<16xf32>,
            tpu.vector_store %arg9[%swap3A_426], %max3A_425 {strides = array<i32>} : memref<1024xf32, #tpu.memory_space<vmem>>, vector<16xf32>,
            %get3A_428 = arith.constant 752 : index
            %get3A_429 = tpu.vector_load %arg9[%get3A_428] {strides = array<i32>} : memref<1024xf32, #tpu.memory_space<vmem>>, vector<16xf32>,
            %get3A_430 = arith.constant 752 : index
            %get3A_431 = tpu.vector_load %arg11[%get3A_430] {strides = array<i32>} : memref<1024xf32, #tpu.memory_space<vmem>>, vector<16xf32>,
            %max3A_432 = arith.maximumf %get3A_429, %get3A_431 : vector<16xf32>
            %swap3A_433 = arith.constant 752 : index
            %swap3A_434 = tpu.vector_load %arg9[%swap3A_433] {strides = array<i32>} : memref<1024xf32, #tpu.memory_space<vmem>>, vector<16xf32>,
            tpu.vector_store %arg9[%swap3A_433], %max3A_432 {strides = array<i32>} : memref<1024xf32, #tpu.memory_space<vmem>>, vector<16xf32>,
            %get3A_435 = arith.constant 768 : index
            %get3A_436 = tpu.vector_load %arg9[%get3A_435] {strides = array<i32>} : memref<1024xf32, #tpu.memory_space<vmem>>, vector<16xf32>,
            %get3A_437 = arith.constant 768 : index
            %get3A_438 = tpu.vector_load %arg11[%get3A_437] {strides = array<i32>} : memref<1024xf32, #tpu.memory_space<vmem>>, vector<16xf32>,
            %max3A_439 = arith.maximumf %get3A_436, %get3A_438 : vector<16xf32>
            %swap3A_440 = arith.constant 768 : index
            %swap3A_441 = tpu.vector_load %arg9[%swap3A_440] {strides = array<i32>} : memref<1024xf32, #tpu.memory_space<vmem>>, vector<16xf32>,
            tpu.vector_store %arg9[%swap3A_440], %max3A_439 {strides = array<i32>} : memref<1024xf32, #tpu.memory_space<vmem>>, vector<16xf32>,
            %get3A_442 = arith.constant 784 : index
            %get3A_443 = tpu.vector_load %arg9[%get3A_442] {strides = array<i32>} : memref<1024xf32, #tpu.memory_space<vmem>>, vector<16xf32>,
            %get3A_444 = arith.constant 784 : index
            %get3A_445 = tpu.vector_load %arg11[%get3A_444] {strides = array<i32>} : memref<1024xf32, #tpu.memory_space<vmem>>, vector<16xf32>,
            %max3A_446 = arith.maximumf %get3A_443, %get3A_445 : vector<16xf32>
            %swap3A_447 = arith.constant 784 : index
            %swap3A_448 = tpu.vector_load %arg9[%swap3A_447] {strides = array<i32>} : memref<1024xf32, #tpu.memory_space<vmem>>, vector<16xf32>,
            tpu.vector_store %arg9[%swap3A_447], %max3A_446 {strides = array<i32>} : memref<1024xf32, #tpu.memory_space<vmem>>, vector<16xf32>,
            %get3A_449 = arith.constant 800 : index
            %get3A_450 = tpu.vector_load %arg9[%get3A_449] {strides = array<i32>} : memref<1024xf32, #tpu.memory_space<vmem>>, vector<16xf32>,
            %get3A_451 = arith.constant 800 : index
            %get3A_452 = tpu.vector_load %arg11[%get3A_451] {strides = array<i32>} : memref<1024xf32, #tpu.memory_space<vmem>>, vector<16xf32>,
            %max3A_453 = arith.maximumf %get3A_450, %get3A_452 : vector<16xf32>
            %swap3A_454 = arith.constant 800 : index
            %swap3A_455 = tpu.vector_load %arg9[%swap3A_454] {strides = array<i32>} : memref<1024xf32, #tpu.memory_space<vmem>>, vector<16xf32>,
            tpu.vector_store %arg9[%swap3A_454], %max3A_453 {strides = array<i32>} : memref<1024xf32, #tpu.memory_space<vmem>>, vector<16xf32>,
            %get3A_456 = arith.constant 816 : index
            %get3A_457 = tpu.vector_load %arg9[%get3A_456] {strides = array<i32>} : memref<1024xf32, #tpu.memory_space<vmem>>, vector<16xf32>,
            %get3A_458 = arith.constant 816 : index
            %get3A_459 = tpu.vector_load %arg11[%get3A_458] {strides = array<i32>} : memref<1024xf32, #tpu.memory_space<vmem>>, vector<16xf32>,
            %max3A_460 = arith.maximumf %get3A_457, %get3A_459 : vector<16xf32>
            %swap3A_461 = arith.constant 816 : index
            %swap3A_462 = tpu.vector_load %arg9[%swap3A_461] {strides = array<i32>} : memref<1024xf32, #tpu.memory_space<vmem>>, vector<16xf32>,
            tpu.vector_store %arg9[%swap3A_461], %max3A_460 {strides = array<i32>} : memref<1024xf32, #tpu.memory_space<vmem>>, vector<16xf32>,
            %get3A_463 = arith.constant 832 : index
            %get3A_464 = tpu.vector_load %arg9[%get3A_463] {strides = array<i32>} : memref<1024xf32, #tpu.memory_space<vmem>>, vector<16xf32>,
            %get3A_465 = arith.constant 832 : index
            %get3A_466 = tpu.vector_load %arg11[%get3A_465] {strides = array<i32>} : memref<1024xf32, #tpu.memory_space<vmem>>, vector<16xf32>,
            %max3A_467 = arith.maximumf %get3A_464, %get3A_466 : vector<16xf32>
            %swap3A_468 = arith.constant 832 : index
            %swap3A_469 = tpu.vector_load %arg9[%swap3A_468] {strides = array<i32>} : memref<1024xf32, #tpu.memory_space<vmem>>, vector<16xf32>,
            tpu.vector_store %arg9[%swap3A_468], %max3A_467 {strides = array<i32>} : memref<1024xf32, #tpu.memory_space<vmem>>, vector<16xf32>,
            %get3A_470 = arith.constant 848 : index
            %get3A_471 = tpu.vector_load %arg9[%get3A_470] {strides = array<i32>} : memref<1024xf32, #tpu.memory_space<vmem>>, vector<16xf32>,
            %get3A_472 = arith.constant 848 : index
            %get3A_473 = tpu.vector_load %arg11[%get3A_472] {strides = array<i32>} : memref<1024xf32, #tpu.memory_space<vmem>>, vector<16xf32>,
            %max3A_474 = arith.maximumf %get3A_471, %get3A_473 : vector<16xf32>
            %swap3A_475 = arith.constant 848 : index
            %swap3A_476 = tpu.vector_load %arg9[%swap3A_475] {strides = array<i32>} : memref<1024xf32, #tpu.memory_space<vmem>>, vector<16xf32>,
            tpu.vector_store %arg9[%swap3A_475], %max3A_474 {strides = array<i32>} : memref<1024xf32, #tpu.memory_space<vmem>>, vector<16xf32>,
            %get3A_477 = arith.constant 864 : index
            %get3A_478 = tpu.vector_load %arg9[%get3A_477] {strides = array<i32>} : memref<1024xf32, #tpu.memory_space<vmem>>, vector<16xf32>,
            %get3A_479 = arith.constant 864 : index
            %get3A_480 = tpu.vector_load %arg11[%get3A_479] {strides = array<i32>} : memref<1024xf32, #tpu.memory_space<vmem>>, vector<16xf32>,
            %max3A_481 = arith.maximumf %get3A_478, %get3A_480 : vector<16xf32>
            %swap3A_482 = arith.constant 864 : index
            %swap3A_483 = tpu.vector_load %arg9[%swap3A_482] {strides = array<i32>} : memref<1024xf32, #tpu.memory_space<vmem>>, vector<16xf32>,
            tpu.vector_store %arg9[%swap3A_482], %max3A_481 {strides = array<i32>} : memref<1024xf32, #tpu.memory_space<vmem>>, vector<16xf32>,
            %get3A_484 = arith.constant 880 : index
            %get3A_485 = tpu.vector_load %arg9[%get3A_484] {strides = array<i32>} : memref<1024xf32, #tpu.memory_space<vmem>>, vector<16xf32>,
            %get3A_486 = arith.constant 880 : index
            %get3A_487 = tpu.vector_load %arg11[%get3A_486] {strides = array<i32>} : memref<1024xf32, #tpu.memory_space<vmem>>, vector<16xf32>,
            %max3A_488 = arith.maximumf %get3A_485, %get3A_487 : vector<16xf32>
            %swap3A_489 = arith.constant 880 : index
            %swap3A_490 = tpu.vector_load %arg9[%swap3A_489] {strides = array<i32>} : memref<1024xf32, #tpu.memory_space<vmem>>, vector<16xf32>,
            tpu.vector_store %arg9[%swap3A_489], %max3A_488 {strides = array<i32>} : memref<1024xf32, #tpu.memory_space<vmem>>, vector<16xf32>,
            %get3A_491 = arith.constant 896 : index
            %get3A_492 = tpu.vector_load %arg9[%get3A_491] {strides = array<i32>} : memref<1024xf32, #tpu.memory_space<vmem>>, vector<16xf32>,
            %get3A_493 = arith.constant 896 : index
            %get3A_494 = tpu.vector_load %arg11[%get3A_493] {strides = array<i32>} : memref<1024xf32, #tpu.memory_space<vmem>>, vector<16xf32>,
            %max3A_495 = arith.maximumf %get3A_492, %get3A_494 : vector<16xf32>
            %swap3A_496 = arith.constant 896 : index
            %swap3A_497 = tpu.vector_load %arg9[%swap3A_496] {strides = array<i32>} : memref<1024xf32, #tpu.memory_space<vmem>>, vector<16xf32>,
            tpu.vector_store %arg9[%swap3A_496], %max3A_495 {strides = array<i32>} : memref<1024xf32, #tpu.memory_space<vmem>>, vector<16xf32>,
            %get3A_498 = arith.constant 912 : index
            %get3A_499 = tpu.vector_load %arg9[%get3A_498] {strides = array<i32>} : memref<1024xf32, #tpu.memory_space<vmem>>, vector<16xf32>,
            %get3A_500 = arith.constant 912 : index
            %get3A_501 = tpu.vector_load %arg11[%get3A_500] {strides = array<i32>} : memref<1024xf32, #tpu.memory_space<vmem>>, vector<16xf32>,
            %max3A_502 = arith.maximumf %get3A_499, %get3A_501 : vector<16xf32>
            %swap3A_503 = arith.constant 912 : index
            %swap3A_504 = tpu.vector_load %arg9[%swap3A_503] {strides = array<i32>} : memref<1024xf32, #tpu.memory_space<vmem>>, vector<16xf32>,
            tpu.vector_store %arg9[%swap3A_503], %max3A_502 {strides = array<i32>} : memref<1024xf32, #tpu.memory_space<vmem>>, vector<16xf32>,
            %get3A_505 = arith.constant 928 : index
            %get3A_506 = tpu.vector_load %arg9[%get3A_505] {strides = array<i32>} : memref<1024xf32, #tpu.memory_space<vmem>>, vector<16xf32>,
            %get3A_507 = arith.constant 928 : index
            %get3A_508 = tpu.vector_load %arg11[%get3A_507] {strides = array<i32>} : memref<1024xf32, #tpu.memory_space<vmem>>, vector<16xf32>,
            %max3A_509 = arith.maximumf %get3A_506, %get3A_508 : vector<16xf32>
            %swap3A_510 = arith.constant 928 : index
            %swap3A_511 = tpu.vector_load %arg9[%swap3A_510] {strides = array<i32>} : memref<1024xf32, #tpu.memory_space<vmem>>, vector<16xf32>,
            tpu.vector_store %arg9[%swap3A_510], %max3A_509 {strides = array<i32>} : memref<1024xf32, #tpu.memory_space<vmem>>, vector<16xf32>,
            %get3A_512 = arith.constant 944 : index
            %get3A_513 = tpu.vector_load %arg9[%get3A_512] {strides = array<i32>} : memref<1024xf32, #tpu.memory_space<vmem>>, vector<16xf32>,
            %get3A_514 = arith.constant 944 : index
            %get3A_515 = tpu.vector_load %arg11[%get3A_514] {strides = array<i32>} : memref<1024xf32, #tpu.memory_space<vmem>>, vector<16xf32>,
            %max3A_516 = arith.maximumf %get3A_513, %get3A_515 : vector<16xf32>
            %swap3A_517 = arith.constant 944 : index
            %swap3A_518 = tpu.vector_load %arg9[%swap3A_517] {strides = array<i32>} : memref<1024xf32, #tpu.memory_space<vmem>>, vector<16xf32>,
            tpu.vector_store %arg9[%swap3A_517], %max3A_516 {strides = array<i32>} : memref<1024xf32, #tpu.memory_space<vmem>>, vector<16xf32>,
            %get3A_519 = arith.constant 960 : index
            %get3A_520 = tpu.vector_load %arg9[%get3A_519] {strides = array<i32>} : memref<1024xf32, #tpu.memory_space<vmem>>, vector<16xf32>,
            %get3A_521 = arith.constant 960 : index
            %get3A_522 = tpu.vector_load %arg11[%get3A_521] {strides = array<i32>} : memref<1024xf32, #tpu.memory_space<vmem>>, vector<16xf32>,
            %max3A_523 = arith.maximumf %get3A_520, %get3A_522 : vector<16xf32>
            %swap3A_524 = arith.constant 960 : index
            %swap3A_525 = tpu.vector_load %arg9[%swap3A_524] {strides = array<i32>} : memref<1024xf32, #tpu.memory_space<vmem>>, vector<16xf32>,
            tpu.vector_store %arg9[%swap3A_524], %max3A_523 {strides = array<i32>} : memref<1024xf32, #tpu.memory_space<vmem>>, vector<16xf32>,
            %get3A_526 = arith.constant 976 : index
            %get3A_527 = tpu.vector_load %arg9[%get3A_526] {strides = array<i32>} : memref<1024xf32, #tpu.memory_space<vmem>>, vector<16xf32>,
            %get3A_528 = arith.constant 976 : index
            %get3A_529 = tpu.vector_load %arg11[%get3A_528] {strides = array<i32>} : memref<1024xf32, #tpu.memory_space<vmem>>, vector<16xf32>,
            %max3A_530 = arith.maximumf %get3A_527, %get3A_529 : vector<16xf32>
            %swap3A_531 = arith.constant 976 : index
            %swap3A_532 = tpu.vector_load %arg9[%swap3A_531] {strides = array<i32>} : memref<1024xf32, #tpu.memory_space<vmem>>, vector<16xf32>,
            tpu.vector_store %arg9[%swap3A_531], %max3A_530 {strides = array<i32>} : memref<1024xf32, #tpu.memory_space<vmem>>, vector<16xf32>,
            %get3A_533 = arith.constant 992 : index
            %get3A_534 = tpu.vector_load %arg9[%get3A_533] {strides = array<i32>} : memref<1024xf32, #tpu.memory_space<vmem>>, vector<16xf32>,
            %get3A_535 = arith.constant 992 : index
            %get3A_536 = tpu.vector_load %arg11[%get3A_535] {strides = array<i32>} : memref<1024xf32, #tpu.memory_space<vmem>>, vector<16xf32>,
            %max3A_537 = arith.maximumf %get3A_534, %get3A_536 : vector<16xf32>
            %swap3A_538 = arith.constant 992 : index
            %swap3A_539 = tpu.vector_load %arg9[%swap3A_538] {strides = array<i32>} : memref<1024xf32, #tpu.memory_space<vmem>>, vector<16xf32>,
            tpu.vector_store %arg9[%swap3A_538], %max3A_537 {strides = array<i32>} : memref<1024xf32, #tpu.memory_space<vmem>>, vector<16xf32>,
            %get3A_540 = arith.constant 1008 : index
            %get3A_541 = tpu.vector_load %arg9[%get3A_540] {strides = array<i32>} : memref<1024xf32, #tpu.memory_space<vmem>>, vector<16xf32>,
            %get3A_542 = arith.constant 1008 : index
            %get3A_543 = tpu.vector_load %arg11[%get3A_542] {strides = array<i32>} : memref<1024xf32, #tpu.memory_space<vmem>>, vector<16xf32>,
            %max3A_544 = arith.maximumf %get3A_541, %get3A_543 : vector<16xf32>
            %swap3A_545 = arith.constant 1008 : index
            %swap3A_546 = tpu.vector_load %arg9[%swap3A_545] {strides = array<i32>} : memref<1024xf32, #tpu.memory_space<vmem>>, vector<16xf32>,
            tpu.vector_store %arg9[%swap3A_545], %max3A_544 {strides = array<i32>} : memref<1024xf32, #tpu.memory_space<vmem>>, vector<16xf32>,
          } else {
          }
          %jit3A_92 = arith.constant 1 : i32
          %jit3A_93 = arith.constant 0 : i32
          %select_n3A_94 = arith.select %lt3A_84, %jit3A_92, %jit3A_93 : i32
          %add3A_95 = arith.addi %while3A_50, %select_n3A_94 : i32
          %jit3A_96 = arith.constant 0 : i32
          %jit3A_97 = arith.constant 1 : i32
          %select_n3A_98 = arith.select %lt3A_84, %jit3A_96, %jit3A_97 : i32
          %add3A_99 = arith.addi %while3A_51, %select_n3A_98 : i32
          %gather3A_100 = tpu.vector_load_idx %arg8[%gather3A] : memref<1024xf32, #tpu.memory_space<vmem>>[vector<16xi32>], vector<16xf32>,
          %gather3A_101 = tpu.vector_load_idx %arg9[%gather3A] : memref<1024xf32, #tpu.memory_space<vmem>>[vector<16xi32>], vector<16xf32>,
          %sub3A = arith.subf %gather3A_100, %gather3A_101 : vector<16xf32>
          tpu.vector_store_idx %arg10[%gather3A], %sub3A masked %eq3A_45 : memref<1024xf32, #tpu.memory_space<vmem>>[vector<16xi32>], vector<16xf32>, vector<16xi1>
          scf.yield %add3A_95, %add3A_99 : i32, i32
        } else {
          scf.yield %while3A_50, %while3A_51 : i32, i32
        }
        %add3A_70 = arith.constant 1 : i32
        %add3A_71 = arith.addi %reduce_min3A_64, %add3A_70 : i32
        %jit3A = arith.constant 1024 : i32
        %select_n3A = arith.select %lt3A_65, %add3A_71, %jit3A : i32
        scf.yield %select_n3A, %cond3A_69#0, %cond3A_69#1 : i32, i32, i32
      }
      "tpu.region"() ({
        %run_scoped3A = tpu.sem_alloc : memref<!tpu.dma_semaphore, #tpu.memory_space<semaphore_mem>>
        tpu.enqueue_dma source(%arg10 : memref<1024xf32, #tpu.memory_space<vmem>>) target(%arg6 : memref<1024xf32, #tpu.memory_space<hbm>>) target_semaphore(%run_scoped3A : memref<!tpu.dma_semaphore, #tpu.memory_space<semaphore_mem>>)
        tpu.wait_dma2 semaphore(%run_scoped3A : memref<!tpu.dma_semaphore, #tpu.memory_space<semaphore_mem>>) src(%arg10 : memref<1024xf32, #tpu.memory_space<vmem>>) dst(%arg6 : memref<1024xf32, #tpu.memory_space<hbm>>)
        tpu.yield
      }) : () -> ()
    } else {
    }
    return
  }
}

module attributes {stable_mosaic.version = 14 : i64} {
  func.func @_h_body(%arg0: i32, %arg1: memref<1024x2048xf32, #tpu.memory_space<vmem>>, %arg2: memref<512x2048xf32, #tpu.memory_space<vmem>>, %arg3: memref<1x512xf32, #tpu.memory_space<vmem>>, %arg4: memref<2x1024xf32, #tpu.memory_space<vmem>>, %arg5: memref<1x1024xf32, #tpu.memory_space<vmem>>, %arg6: memref<1024x512xf32, #tpu.memory_space<vmem>>, %arg7: memref<1024x1xf32, #tpu.memory_space<vmem>>, %arg8: memref<4x512xf32, #tpu.memory_space<vmem>>) attributes {dimension_semantics = [#tpu.dimension_semantics<arbitrary>], iteration_bounds = array<i64: 1>, scalar_prefetch = 0 : i64, scratch_operands = 3 : i64, tpu.core_type = #tpu.core_type<tc>, window_params = [{transform_indices = @transform_0, window_bounds = array<i64: 1024, 2048>}, {pipeline_mode = #tpu.pipeline_mode<synchronous>, transform_indices = @transform_1, window_bounds = array<i64: 512, 2048>}, {pipeline_mode = #tpu.pipeline_mode<synchronous>, transform_indices = @transform_2, window_bounds = array<i64: 1, 512>}, {pipeline_mode = #tpu.pipeline_mode<synchronous>, transform_indices = @transform_3, window_bounds = array<i64: 2, 1024>}, {pipeline_mode = #tpu.pipeline_mode<synchronous>, transform_indices = @transform_4, window_bounds = array<i64: 1, 1024>}]} {
    %get3A = arith.constant 0 : index
    %get3A_0 = arith.constant 0 : index
    %get3A_1 = vector.load %arg1[%get3A, %get3A_0] : memref<1024x2048xf32, #tpu.memory_space<vmem>>, vector<1024x2048xf32>
    %get3A_2 = arith.constant 0 : index
    %get3A_3 = arith.constant 0 : index
    %get3A_4 = vector.load %arg2[%get3A_2, %get3A_3] : memref<512x2048xf32, #tpu.memory_space<vmem>>, vector<512x2048xf32>
    %dot_general3A = arith.constant dense<0.000000e+00> : vector<1024x512xf32>
    %dot_general3A_5 = tpu.matmul %get3A_1, %get3A_4, %dot_general3A {dimension_numbers = #tpu.dot_dimension_numbers<[1], [1], [0], [0], [0, 0, 1, 0], [], []>, transpose_lhs_hint = false} : vector<1024x2048xf32>, vector<512x2048xf32>, vector<1024x512xf32> -> vector<1024x512xf32>
    %get3A_6 = arith.constant 0 : index
    %get3A_7 = arith.constant 0 : index
    %get3A_8 = vector.load %arg3[%get3A_6, %get3A_7] : memref<1x512xf32, #tpu.memory_space<vmem>>, vector<1x512xf32>
    %add3A = vector.broadcast %get3A_8 : vector<1x512xf32> to vector<1024x512xf32>
    %add3A_9 = arith.addf %dot_general3A_5, %add3A : vector<1024x512xf32>
    %max3A = arith.constant 0.000000e+00 : f32
    %max3A_10 = vector.broadcast %max3A : f32 to vector<1024x512xf32>
    %max3A_11 = arith.maximumf %add3A_9, %max3A_10 : vector<1024x512xf32>
    %mul3A = arith.constant 1024 : i32
    %mul3A_12 = arith.muli %arg0, %mul3A : i32
    %swap3A = arith.index_cast %mul3A_12 : i32 to index
    %swap3A_13 = arith.constant 0 : index
    %swap3A_14 = vector.load %arg6[%swap3A, %swap3A_13] : memref<1024x512xf32, #tpu.memory_space<vmem>>, vector<1024x512xf32>
    tpu.vector_store %arg6[%swap3A, %swap3A_13], %max3A_11 {strides = array<i32>} : memref<1024x512xf32, #tpu.memory_space<vmem>>, vector<1024x512xf32>,
    %mul3A_15 = arith.mulf %max3A_11, %max3A_11 : vector<1024x512xf32>
    %reduce_sum3A = arith.constant dense<0.000000e+00> : vector<1024xf32>
    %reduce_sum3A_16 = vector.multi_reduction <add>, %mul3A_15, %reduce_sum3A [1] : vector<1024x512xf32> to vector<1024xf32>
    %broadcast_in_dim3A = vector.shape_cast %reduce_sum3A_16 : vector<1024xf32> to vector<1024x1xf32>
    %mul3A_17 = arith.constant 1024 : i32
    %mul3A_18 = arith.muli %arg0, %mul3A_17 : i32
    %swap3A_19 = arith.index_cast %mul3A_18 : i32 to index
    %swap3A_20 = arith.constant 0 : index
    %swap3A_21 = vector.load %arg7[%swap3A_19, %swap3A_20] : memref<1024x1xf32, #tpu.memory_space<vmem>>, vector<1024x1xf32>
    tpu.vector_store %arg7[%swap3A_19, %swap3A_20], %broadcast_in_dim3A {strides = array<i32>} : memref<1024x1xf32, #tpu.memory_space<vmem>>, vector<1024x1xf32>,
    %eq3A = arith.constant 0 : i32
    %eq3A_22 = arith.cmpi eq, %arg0, %eq3A : i32
    %convert_element_type3A = arith.extui %eq3A_22 : i1 to i32
    %cond3A = arith.constant 0 : i32
    %cond3A_23 = arith.cmpi ne, %convert_element_type3A, %cond3A : i32
    scf.if %cond3A_23 {
      %slice3A = vector.extract_strided_slice %max3A_11 {offsets = [27, 0], sizes = [1, 512], strides = [1, 1]} : vector<1024x512xf32> to vector<1x512xf32>
      %swap3A_44 = arith.constant 0 : index
      %swap3A_45 = arith.constant 0 : index
      %swap3A_46 = vector.load %arg8[%swap3A_44, %swap3A_45] : memref<4x512xf32, #tpu.memory_space<vmem>>, vector<1x512xf32>
      tpu.vector_store %arg8[%swap3A_44, %swap3A_45], %slice3A {strides = array<i32>} : memref<4x512xf32, #tpu.memory_space<vmem>>, vector<1x512xf32>,
    } else {
    }
    %eq3A_24 = arith.constant 0 : i32
    %eq3A_25 = arith.cmpi eq, %arg0, %eq3A_24 : i32
    %convert_element_type3A_26 = arith.extui %eq3A_25 : i1 to i32
    %cond3A_27 = arith.constant 0 : i32
    %cond3A_28 = arith.cmpi ne, %convert_element_type3A_26, %cond3A_27 : i32
    scf.if %cond3A_28 {
      %slice3A = vector.extract_strided_slice %max3A_11 {offsets = [77, 0], sizes = [1, 512], strides = [1, 1]} : vector<1024x512xf32> to vector<1x512xf32>
      %swap3A_44 = arith.constant 1 : index
      %swap3A_45 = arith.constant 0 : index
      %swap3A_46 = vector.load %arg8[%swap3A_44, %swap3A_45] : memref<4x512xf32, #tpu.memory_space<vmem>>, vector<1x512xf32>
      tpu.vector_store %arg8[%swap3A_44, %swap3A_45], %slice3A {strides = array<i32>} : memref<4x512xf32, #tpu.memory_space<vmem>>, vector<1x512xf32>,
    } else {
    }
    %eq3A_29 = arith.constant 0 : i32
    %eq3A_30 = arith.cmpi eq, %arg0, %eq3A_29 : i32
    %convert_element_type3A_31 = arith.extui %eq3A_30 : i1 to i32
    %cond3A_32 = arith.constant 0 : i32
    %cond3A_33 = arith.cmpi ne, %convert_element_type3A_31, %cond3A_32 : i32
    scf.if %cond3A_33 {
      %slice3A = vector.extract_strided_slice %max3A_11 {offsets = [609, 0], sizes = [1, 512], strides = [1, 1]} : vector<1024x512xf32> to vector<1x512xf32>
      %swap3A_44 = arith.constant 2 : index
      %swap3A_45 = arith.constant 0 : index
      %swap3A_46 = vector.load %arg8[%swap3A_44, %swap3A_45] : memref<4x512xf32, #tpu.memory_space<vmem>>, vector<1x512xf32>
      tpu.vector_store %arg8[%swap3A_44, %swap3A_45], %slice3A {strides = array<i32>} : memref<4x512xf32, #tpu.memory_space<vmem>>, vector<1x512xf32>,
    } else {
    }
    %eq3A_34 = arith.constant 0 : i32
    %eq3A_35 = arith.cmpi eq, %arg0, %eq3A_34 : i32
    %convert_element_type3A_36 = arith.extui %eq3A_35 : i1 to i32
    %cond3A_37 = arith.constant 0 : i32
    %cond3A_38 = arith.cmpi ne, %convert_element_type3A_36, %cond3A_37 : i32
    scf.if %cond3A_38 {
      %slice3A = vector.extract_strided_slice %max3A_11 {offsets = [927, 0], sizes = [1, 512], strides = [1, 1]} : vector<1024x512xf32> to vector<1x512xf32>
      %swap3A_44 = arith.constant 3 : index
      %swap3A_45 = arith.constant 0 : index
      %swap3A_46 = vector.load %arg8[%swap3A_44, %swap3A_45] : memref<4x512xf32, #tpu.memory_space<vmem>>, vector<1x512xf32>
      tpu.vector_store %arg8[%swap3A_44, %swap3A_45], %slice3A {strides = array<i32>} : memref<4x512xf32, #tpu.memory_space<vmem>>, vector<1x512xf32>,
    } else {
    }
    %eq3A_39 = arith.constant 0 : i32
    %eq3A_40 = arith.cmpi eq, %arg0, %eq3A_39 : i32
    %convert_element_type3A_41 = arith.extui %eq3A_40 : i1 to i32
    %cond3A_42 = arith.constant 0 : i32
    %cond3A_43 = arith.cmpi ne, %convert_element_type3A_41, %cond3A_42 : i32
    scf.if %cond3A_43 {
      %get3A_44 = arith.constant 0 : index
      %get3A_45 = arith.constant 0 : index
      %get3A_46 = vector.load %arg6[%get3A_44, %get3A_45] : memref<1024x512xf32, #tpu.memory_space<vmem>>, vector<1024x512xf32>
      %get3A_47 = arith.constant 0 : index
      %get3A_48 = arith.constant 0 : index
      %get3A_49 = vector.load %arg7[%get3A_47, %get3A_48] : memref<1024x1xf32, #tpu.memory_space<vmem>>, vector<1024x1xf32>
      %sqrt3A = math.sqrt %get3A_49 : vector<1024x1xf32>
      %get3A_50 = arith.constant 0 : index
      %get3A_51 = arith.constant 0 : index
      %get3A_52 = vector.load %arg8[%get3A_50, %get3A_51] : memref<4x512xf32, #tpu.memory_space<vmem>>, vector<4x512xf32>
      %dot_general3A_53 = arith.constant dense<0.000000e+00> : vector<4x1024xf32>
      %dot_general3A_54 = tpu.matmul %get3A_52, %get3A_46, %dot_general3A_53 {dimension_numbers = #tpu.dot_dimension_numbers<[1], [1], [0], [0], [0, 0, 1, 0], [], []>, transpose_lhs_hint = false} : vector<4x512xf32>, vector<1024x512xf32>, vector<4x1024xf32> -> vector<4x1024xf32>
      %slice3A = vector.extract_strided_slice %sqrt3A {offsets = [27, 0], sizes = [1, 1], strides = [1, 1]} : vector<1024x1xf32> to vector<1x1xf32>
      %slice3A_55 = vector.extract_strided_slice %sqrt3A {offsets = [77, 0], sizes = [1, 1], strides = [1, 1]} : vector<1024x1xf32> to vector<1x1xf32>
      %slice3A_56 = vector.extract_strided_slice %sqrt3A {offsets = [609, 0], sizes = [1, 1], strides = [1, 1]} : vector<1024x1xf32> to vector<1x1xf32>
      %slice3A_57 = vector.extract_strided_slice %sqrt3A {offsets = [927, 0], sizes = [1, 1], strides = [1, 1]} : vector<1024x1xf32> to vector<1x1xf32>
      %concatenate3A = tpu.concatenate %slice3A, %slice3A_55, %slice3A_56, %slice3A_57 in 0 : vector<1x1xf32>, vector<1x1xf32>, vector<1x1xf32>, vector<1x1xf32> -> vector<4x1xf32>
      %transpose3A = tpu.transpose %sqrt3A, [1, 0] : vector<1024x1xf32> -> vector<1x1024xf32>
      %mul3A_58 = vector.broadcast %concatenate3A : vector<4x1xf32> to vector<4x1024xf32>
      %mul3A_59 = vector.broadcast %transpose3A : vector<1x1024xf32> to vector<4x1024xf32>
      %mul3A_60 = arith.mulf %mul3A_58, %mul3A_59 : vector<4x1024xf32>
      %max3A_61 = arith.constant 9.99999993E-9 : f32
      %max3A_62 = vector.broadcast %max3A_61 : f32 to vector<4x1024xf32>
      %max3A_63 = arith.maximumf %mul3A_60, %max3A_62 : vector<4x1024xf32>
      %div3A = arith.divf %dot_general3A_54, %max3A_63 : vector<4x1024xf32>
      %slice3A_64 = vector.extract_strided_slice %div3A {offsets = [0, 0], sizes = [1, 1024], strides = [1, 1]} : vector<4x1024xf32> to vector<1x1024xf32>
      %slice3A_65 = vector.extract_strided_slice %div3A {offsets = [1, 0], sizes = [1, 1024], strides = [1, 1]} : vector<4x1024xf32> to vector<1x1024xf32>
      %slice3A_66 = vector.extract_strided_slice %div3A {offsets = [2, 0], sizes = [1, 1024], strides = [1, 1]} : vector<4x1024xf32> to vector<1x1024xf32>
      %slice3A_67 = vector.extract_strided_slice %div3A {offsets = [3, 0], sizes = [1, 1024], strides = [1, 1]} : vector<4x1024xf32> to vector<1x1024xf32>
      %max3A_68 = arith.maximumf %slice3A_64, %slice3A_65 : vector<1x1024xf32>
      %max3A_69 = arith.maximumf %slice3A_67, %slice3A_66 : vector<1x1024xf32>
      %iota3A = tpu.iota {dimensions = array<i32: 1>} : vector<1x1024xi32>
      %broadcast_in_dim3A_70 = arith.constant 0.000000e+00 : f32
      %broadcast_in_dim3A_71 = vector.broadcast %broadcast_in_dim3A_70 : f32 to vector<1x1024xf32>
      %slice3A_72 = vector.extract_strided_slice %slice3A_67 {offsets = [0, 927], sizes = [1, 1], strides = [1, 1]} : vector<1x1024xf32> to vector<1x1xf32>
      %squeeze3A = vector.extract %slice3A_72[0, 0] : f32 from vector<1x1xf32>
      %eq3A_73 = arith.constant 927 : i32
      %eq3A_74 = vector.broadcast %eq3A_73 : i32 to vector<1x1024xi32>
      %eq3A_75 = arith.cmpi eq, %iota3A, %eq3A_74 : vector<1x1024xi32>
      %sub3A = arith.constant 5.000000e-01 : f32
      %sub3A_76 = arith.subf %sub3A, %squeeze3A : f32
      %broadcast_in_dim3A_77 = vector.broadcast %sub3A_76 : f32 to vector<1x1024xf32>
      %select_n3A = arith.select %eq3A_75, %broadcast_in_dim3A_77, %broadcast_in_dim3A_71 : vector<1x1024xi1>, vector<1x1024xf32>
      %slice3A_78 = vector.extract_strided_slice %slice3A_64 {offsets = [0, 27], sizes = [1, 1], strides = [1, 1]} : vector<1x1024xf32> to vector<1x1xf32>
      %squeeze3A_79 = vector.extract %slice3A_78[0, 0] : f32 from vector<1x1xf32>
      %slice3A_80 = vector.extract_strided_slice %slice3A_67 {offsets = [0, 27], sizes = [1, 1], strides = [1, 1]} : vector<1x1024xf32> to vector<1x1xf32>
      %squeeze3A_81 = vector.extract %slice3A_80[0, 0] : f32 from vector<1x1xf32>
      %eq3A_82 = arith.constant 27 : i32
      %eq3A_83 = vector.broadcast %eq3A_82 : i32 to vector<1x1024xi32>
      %eq3A_84 = arith.cmpi eq, %iota3A, %eq3A_83 : vector<1x1024xi32>
      %sub3A_85 = arith.subf %squeeze3A_79, %squeeze3A_81 : f32
      %broadcast_in_dim3A_86 = vector.broadcast %sub3A_85 : f32 to vector<1x1024xf32>
      %select_n3A_87 = arith.select %eq3A_84, %broadcast_in_dim3A_86, %select_n3A : vector<1x1024xi1>, vector<1x1024xf32>
      %slice3A_88 = vector.extract_strided_slice %slice3A_64 {offsets = [0, 77], sizes = [1, 1], strides = [1, 1]} : vector<1x1024xf32> to vector<1x1xf32>
      %squeeze3A_89 = vector.extract %slice3A_88[0, 0] : f32 from vector<1x1xf32>
      %slice3A_90 = vector.extract_strided_slice %slice3A_65 {offsets = [0, 77], sizes = [1, 1], strides = [1, 1]} : vector<1x1024xf32> to vector<1x1xf32>
      %squeeze3A_91 = vector.extract %slice3A_90[0, 0] : f32 from vector<1x1xf32>
      %max3A_92 = arith.maximumf %squeeze3A_89, %squeeze3A_91 : f32
      %slice3A_93 = vector.extract_strided_slice %slice3A_67 {offsets = [0, 77], sizes = [1, 1], strides = [1, 1]} : vector<1x1024xf32> to vector<1x1xf32>
      %squeeze3A_94 = vector.extract %slice3A_93[0, 0] : f32 from vector<1x1xf32>
      %eq3A_95 = arith.constant 77 : i32
      %eq3A_96 = vector.broadcast %eq3A_95 : i32 to vector<1x1024xi32>
      %eq3A_97 = arith.cmpi eq, %iota3A, %eq3A_96 : vector<1x1024xi32>
      %sub3A_98 = arith.subf %max3A_92, %squeeze3A_94 : f32
      %broadcast_in_dim3A_99 = vector.broadcast %sub3A_98 : f32 to vector<1x1024xf32>
      %select_n3A_100 = arith.select %eq3A_97, %broadcast_in_dim3A_99, %select_n3A_87 : vector<1x1024xi1>, vector<1x1024xf32>
      %slice3A_101 = vector.extract_strided_slice %slice3A_64 {offsets = [0, 609], sizes = [1, 1], strides = [1, 1]} : vector<1x1024xf32> to vector<1x1xf32>
      %squeeze3A_102 = vector.extract %slice3A_101[0, 0] : f32 from vector<1x1xf32>
      %slice3A_103 = vector.extract_strided_slice %slice3A_65 {offsets = [0, 609], sizes = [1, 1], strides = [1, 1]} : vector<1x1024xf32> to vector<1x1xf32>
      %squeeze3A_104 = vector.extract %slice3A_103[0, 0] : f32 from vector<1x1xf32>
      %max3A_105 = arith.maximumf %squeeze3A_102, %squeeze3A_104 : f32
      %slice3A_106 = vector.extract_strided_slice %slice3A_67 {offsets = [0, 609], sizes = [1, 1], strides = [1, 1]} : vector<1x1024xf32> to vector<1x1xf32>
      %squeeze3A_107 = vector.extract %slice3A_106[0, 0] : f32 from vector<1x1xf32>
      %slice3A_108 = vector.extract_strided_slice %slice3A_66 {offsets = [0, 609], sizes = [1, 1], strides = [1, 1]} : vector<1x1024xf32> to vector<1x1xf32>
      %squeeze3A_109 = vector.extract %slice3A_108[0, 0] : f32 from vector<1x1xf32>
      %max3A_110 = arith.maximumf %squeeze3A_107, %squeeze3A_109 : f32
      %eq3A_111 = arith.constant 609 : i32
      %eq3A_112 = vector.broadcast %eq3A_111 : i32 to vector<1x1024xi32>
      %eq3A_113 = arith.cmpi eq, %iota3A, %eq3A_112 : vector<1x1024xi32>
      %sub3A_114 = arith.subf %max3A_105, %max3A_110 : f32
      %broadcast_in_dim3A_115 = vector.broadcast %sub3A_114 : f32 to vector<1x1024xf32>
      %select_n3A_116 = arith.select %eq3A_113, %broadcast_in_dim3A_115, %select_n3A_100 : vector<1x1024xi1>, vector<1x1024xf32>
      %swap3A_117 = arith.constant 0 : index
      %swap3A_118 = arith.constant 0 : index
      %swap3A_119 = vector.load %arg4[%swap3A_117, %swap3A_118] : memref<2x1024xf32, #tpu.memory_space<vmem>>, vector<1x1024xf32>
      tpu.vector_store %arg4[%swap3A_117, %swap3A_118], %max3A_68 {strides = array<i32>} : memref<2x1024xf32, #tpu.memory_space<vmem>>, vector<1x1024xf32>,
      %swap3A_120 = arith.constant 1 : index
      %swap3A_121 = arith.constant 0 : index
      %swap3A_122 = vector.load %arg4[%swap3A_120, %swap3A_121] : memref<2x1024xf32, #tpu.memory_space<vmem>>, vector<1x1024xf32>
      tpu.vector_store %arg4[%swap3A_120, %swap3A_121], %max3A_69 {strides = array<i32>} : memref<2x1024xf32, #tpu.memory_space<vmem>>, vector<1x1024xf32>,
      %swap3A_123 = arith.constant 0 : index
      %swap3A_124 = arith.constant 0 : index
      %swap3A_125 = vector.load %arg5[%swap3A_123, %swap3A_124] : memref<1x1024xf32, #tpu.memory_space<vmem>>, vector<1x1024xf32>
      tpu.vector_store %arg5[%swap3A_123, %swap3A_124], %select_n3A_116 {strides = array<i32>} : memref<1x1024xf32, #tpu.memory_space<vmem>>, vector<1x1024xf32>,
    } else {
    }
    return
  }
  func.func @transform_0(%arg0: i32) -> (i32, i32) {
    %c0_i32 = arith.constant 0 : i32
    %c0_i32_0 = arith.constant 0 : i32
    return %arg0, %c0_i32 : i32, i32
  }
  func.func @transform_1(%arg0: i32) -> (i32, i32) {
    %c0_i32 = arith.constant 0 : i32
    %c0_i32_0 = arith.constant 0 : i32
    %c0_i32_1 = arith.constant 0 : i32
    return %c0_i32, %c0_i32_0 : i32, i32
  }
  func.func @transform_2(%arg0: i32) -> (i32, i32) {
    %c0_i32 = arith.constant 0 : i32
    %c0_i32_0 = arith.constant 0 : i32
    %c0_i32_1 = arith.constant 0 : i32
    return %c0_i32, %c0_i32_0 : i32, i32
  }
  func.func @transform_3(%arg0: i32) -> (i32, i32) {
    %c0_i32 = arith.constant 0 : i32
    %c0_i32_0 = arith.constant 0 : i32
    %c0_i32_1 = arith.constant 0 : i32
    return %c0_i32, %c0_i32_0 : i32, i32
  }
  func.func @transform_4(%arg0: i32) -> (i32, i32) {
    %c0_i32 = arith.constant 0 : i32
    %c0_i32_0 = arith.constant 0 : i32
    %c0_i32_1 = arith.constant 0 : i32
    return %c0_i32, %c0_i32_0 : i32, i32
  }
}

module attributes {stable_mosaic.version = 14 : i64} {
  func.func @_s_body(%arg0: memref<1024x2048xf32, #tpu.memory_space<vmem>>, %arg1: memref<512x2048xf32, #tpu.memory_space<vmem>>, %arg2: memref<1x512xf32, #tpu.memory_space<vmem>>, %arg3: memref<1024x1024xf32, #tpu.memory_space<vmem>>) attributes {dimension_semantics = [], scalar_prefetch = 0 : i64, scratch_operands = 0 : i64, tpu.core_type = #tpu.core_type<tc>} {
    %get3A = arith.constant 0 : index
    %get3A_0 = arith.constant 0 : index
    %get3A_1 = vector.load %arg0[%get3A, %get3A_0] : memref<1024x2048xf32, #tpu.memory_space<vmem>>, vector<1024x2048xf32>
    %get3A_2 = arith.constant 0 : index
    %get3A_3 = arith.constant 0 : index
    %get3A_4 = vector.load %arg1[%get3A_2, %get3A_3] : memref<512x2048xf32, #tpu.memory_space<vmem>>, vector<512x2048xf32>
    %dot_general3A = arith.constant dense<0.000000e+00> : vector<1024x512xf32>
    %dot_general3A_5 = tpu.matmul %get3A_1, %get3A_4, %dot_general3A {dimension_numbers = #tpu.dot_dimension_numbers<[1], [1], [0], [0], [0, 0, 1, 0], [], []>, transpose_lhs_hint = false} : vector<1024x2048xf32>, vector<512x2048xf32>, vector<1024x512xf32> -> vector<1024x512xf32>
    %get3A_6 = arith.constant 0 : index
    %get3A_7 = arith.constant 0 : index
    %get3A_8 = vector.load %arg2[%get3A_6, %get3A_7] : memref<1x512xf32, #tpu.memory_space<vmem>>, vector<1x512xf32>
    %add3A = vector.broadcast %get3A_8 : vector<1x512xf32> to vector<1024x512xf32>
    %add3A_9 = arith.addf %dot_general3A_5, %add3A : vector<1024x512xf32>
    %max3A = arith.constant 0.000000e+00 : f32
    %max3A_10 = vector.broadcast %max3A : f32 to vector<1024x512xf32>
    %max3A_11 = arith.maximumf %add3A_9, %max3A_10 : vector<1024x512xf32>
    %dot_general3A_12 = arith.constant dense<0.000000e+00> : vector<1024x1024xf32>
    %dot_general3A_13 = tpu.matmul %max3A_11, %max3A_11, %dot_general3A_12 {dimension_numbers = #tpu.dot_dimension_numbers<[1], [1], [0], [0], [0, 0, 1, 0], [], []>, transpose_lhs_hint = false} : vector<1024x512xf32>, vector<1024x512xf32>, vector<1024x1024xf32> -> vector<1024x1024xf32>
    %mul3A = arith.mulf %max3A_11, %max3A_11 : vector<1024x512xf32>
    %reduce_sum3A = arith.constant dense<0.000000e+00> : vector<1024xf32>
    %reduce_sum3A_14 = vector.multi_reduction <add>, %mul3A, %reduce_sum3A [1] : vector<1024x512xf32> to vector<1024xf32>
    %broadcast_in_dim3A = vector.shape_cast %reduce_sum3A_14 : vector<1024xf32> to vector<1024x1xf32>
    %sqrt3A = math.sqrt %broadcast_in_dim3A : vector<1024x1xf32>
    %transpose3A = tpu.transpose %sqrt3A, [1, 0] : vector<1024x1xf32> -> vector<1x1024xf32>
    %mul3A_15 = vector.broadcast %sqrt3A : vector<1024x1xf32> to vector<1024x1024xf32>
    %mul3A_16 = vector.broadcast %transpose3A : vector<1x1024xf32> to vector<1024x1024xf32>
    %mul3A_17 = arith.mulf %mul3A_15, %mul3A_16 : vector<1024x1024xf32>
    %max3A_18 = arith.constant 9.99999993E-9 : f32
    %max3A_19 = vector.broadcast %max3A_18 : f32 to vector<1024x1024xf32>
    %max3A_20 = arith.maximumf %mul3A_17, %max3A_19 : vector<1024x1024xf32>
    %div3A = arith.divf %dot_general3A_13, %max3A_20 : vector<1024x1024xf32>
    %swap3A = arith.constant 0 : index
    %swap3A_21 = arith.constant 0 : index
    %swap3A_22 = vector.load %arg3[%swap3A, %swap3A_21] : memref<1024x1024xf32, #tpu.memory_space<vmem>>, vector<1024x1024xf32>
    tpu.vector_store %arg3[%swap3A, %swap3A_21], %div3A {strides = array<i32>} : memref<1024x1024xf32, #tpu.memory_space<vmem>>, vector<1024x1024xf32>,
    return
  }
}

</mosaic_0001>

<sc_bundles>
// kernel: branch_0_fun.4.cloned.1.call-start
scs
__scs_entry_jumppad:
0x0: {  	(pc) =	sbr.rel $0x88, $3  }
0x1: {  	(tag) =	ssettag $0x0;
	lr =	simm.s32 $0x1  }
0x2: {  	[smem:$0x3F9E] =	sst lr;
	_ =	strace $0xD0000000  }
0x3: {  	_ = 	snop  }
0x4: {  	_ = 	snop  }
0x5: {  	_ = 	snop  }
0x6: {  	_ = 	snop  }
0x7: {  	_ = 	snop  }
__scs_overlays_trampoline_lowered:
0x8: {  	[smem:$0x3FAD] =	sst s0  }
0x9: {  	[smem:$0x3FAE] =	sst s1  }
0xa: {  	[smem:$0x3FAF] =	sst s2  }
0xb: {  	[smem:$0x3FB0] =	sst s3  }
0xc: {  	[smem:$0x3FB1] =	sst s4  }
0xd: {  	[smem:$0x3FB2] =	sst s5  }
0xe: {  	[smem:$0x3FB3] =	sst s6  }
0xf: {  	[smem:$0x3FB4] =	sst s7  }
0x10: {  	[smem:$0x3FB5] =	sst s8  }
0x11: {  	[smem:$0x3FB6] =	sst s9;
	s0 =	simm.s32 @!p0 $0x0  }
0x12: {  	s1 =	sld [smem:$0x3F9C];
	s0 =	simm.s32 @p0 $0x1  }
0x13: {  	[smem:$0x3FB7] =	sst s0;
	s0 =	simm.s32 @!p1 $0x0  }
0x14: {  	s2 =	sld [smem:$0x3F9B];
	s0 =	simm.s32 @p1 $0x1  }
0x15: {  	[smem:$0x3FB8] =	sst s0;
	s0 =	simm.s32 @!p2 $0x0  }
0x16: {  	s3 =	sld [smem:$0x3FDB];
	s0 =	simm.s32 @p2 $0x1  }
0x17: {  	s4 =	simm.s32 $0x1BF5;
	[smem:$0x3FBA] =	sst s0  }
0x18: {  	s0 =	sld [smem:$0x3F9D];
	_ =	swait.ge [sflag:s4], $0x0  }
0x19: {  	s7 =	sld [smem:$0x3F9E]  }
0x1a: {  	s8 =	sadd.s32 $0xFFFFE003, lr  }
0x1b: {  	s9 =	sadd.s32 $0xFFFFFEF7, lr;
	s5 =	simm.s32 $0xFFFFFFFF;
	p2 =	slt.u32 s8, $0xFFFFF086  }
0x1c: {  	p1 =	slt.u32 s9, $0xF7A;
	s5 =	simm.s32 @!p2 $0x0  }
0x1d: {  	s5 =	simm.s32 @p1 $0x1;
	p0 =	seq.s32 s7, s2  }
0x1e: {  	s7 =	smul.u32 @!p0 $0xF7A, s2;
	p2 =	seq.s32 @!p0 s5, $0x0  }
0x1f: {  	s9 =	smul.u32 $0xF7A, s1;
	s8 =	simm.s32 @!p0 $0x1BF5;
	p2 =	por !p2, p0  }
0x20: {  	[sflag:s8] =	ssyncset.s32 @!p0 $0xFFFFF086;
	s6 =	sadd.s32 @!p0 s3, s7;
	s7 =	simm.s32 @!p0 $0x108  }
0x21: {  	s3 =	sadd.s32 s3, s9;
	s6 =	sadd.s32 @!p0 $0x88, s6;
	s7 =	simm.s32 @p2 $0x1082  }
0x22: {  	[simem:s7], [sflag:s8] =	dma.local @!p0 [hbm:s6], $0xF7A  }
0x23: {  	s9 =	sor.u32 $0xD0000000, s2;
	s6 =	simm.s32 $0x108;
	_ =	swait.ge @!p0 [sflag:s8], $0x0  }
0x24: {  	s3 =	sadd.s32 $0x88, s3;
	s6 =	simm.s32 @!p1 $0x1082;
	[sflag:s4] =	ssyncset.s32 $0xFFFFF086  }
0x25: {  	[simem:s6], [sflag:s4] =	dma.local [hbm:s3], $0xF7A  }
0x26: {  	[smem:$0x3F9E] =	sst s1;
	(tag) =	ssettag s2;
	_ =	strace s9  }
0x27: {  	s1 =	sld [smem:$0x3FAE]  }
0x28: {  	s2 =	sld [smem:$0x3FAF]  }
0x29: {  	s4 =	sld [smem:$0x3FB1]  }
0x2a: {  	p0 =	seq.s32 s5, $0x0;
	s5 =	sld [smem:$0x3FB2]  }
0x2b: {  	s6 =	sld [smem:$0x3FB3]  }
0x2c: {  	s7 =	sld [smem:$0x3FB4]  }
0x2d: {  	s3 =	simm.s32 $0x108;
	s8 =	sld [smem:$0x3FB5]  }
0x2e: {  	s3 =	simm.s32 @!p0 $0x1082;
	s9 =	sld [smem:$0x3FB6]  }
0x2f: {  	lr =	sadd.s32 s0, s3;
	s0 =	sld [smem:$0x3FAD]  }
0x30: {  	s3 =	sld [smem:$0x3FB0]  }
0x31: {  	[smem:$0x3FB9] =	sst s10  }
0x32: {  	s10 =	sld [smem:$0x3FB7];
	_ =	sdelay $0x3  }
0x33: {  	p0 =	seq.s32 s10, $0x1;
	s10 =	sld [smem:$0x3FB9];
	_ =	sdelay $0x3  }
0x34: {  	[smem:$0x3FB9] =	sst s10  }
0x35: {  	s10 =	sld [smem:$0x3FB8];
	_ =	sdelay $0x3  }
0x36: {  	p1 =	seq.s32 s10, $0x1;
	s10 =	sld [smem:$0x3FB9];
	_ =	sdelay $0x3  }
0x37: {  	[smem:$0x3FB9] =	sst s10  }
0x38: {  	s10 =	sld [smem:$0x3FBA]  }
0x39: {  	_ = 	snop;
	(pc) =	sbr.ind lr, $3  }
0x3a: {  	_ = 	snop  }
0x3b: {  	_ = 	snop  }
0x3c: {  	p2 =	seq.s32 s10, $0x1;
	s10 =	sld [smem:$0x3FB9]  }
0x3d: {  	_ =	shalt  }
0x3e: {  	_ =	shalt  }
0x3f: {  	_ =	shalt  }
0x40: {  	_ =	shalt  }
0x41: {  	_ =	shalt  }
0x42: {  	_ =	shalt  }
0x43: {  	_ =	shalt  }
0x44: {  	_ =	shalt  }
0x45: {  	_ =	shalt  }
0x46: {  	_ =	shalt  }
0x47: {  	_ =	shalt  }
0x48: {  	_ =	shalt  }
0x49: {  	_ =	shalt  }
0x4a: {  	_ =	shalt  }
0x4b: {  	_ =	shalt  }
0x4c: {  	_ =	shalt  }
0x4d: {  	_ =	shalt  }
0x4e: {  	_ =	shalt  }
0x4f: {  	_ =	shalt  }
0x50: {  	_ =	shalt  }
0x51: {  	_ =	shalt  }
0x52: {  	_ =	shalt  }
0x53: {  	_ =	shalt  }
0x54: {  	_ =	shalt  }
0x55: {  	_ =	shalt  }
0x56: {  	_ =	shalt  }
0x57: {  	_ =	shalt  }
0x58: {  	_ =	shalt  }
0x59: {  	_ =	shalt  }
0x5a: {  	_ =	shalt  }
0x5b: {  	_ =	shalt  }
0x5c: {  	_ =	shalt  }
0x5d: {  	_ =	shalt  }
0x5e: {  	_ =	shalt  }
0x5f: {  	_ =	shalt  }
0x60: {  	_ =	shalt  }
0x61: {  	_ =	shalt  }
0x62: {  	_ =	shalt  }
0x63: {  	_ =	shalt  }
0x64: {  	_ =	shalt  }
0x65: {  	_ =	shalt  }
0x66: {  	_ =	shalt  }
0x67: {  	_ =	shalt  }
0x68: {  	_ =	shalt  }
0x69: {  	_ =	shalt  }
0x6a: {  	_ =	shalt  }
0x6b: {  	_ =	shalt  }
0x6c: {  	_ =	shalt  }
0x6d: {  	_ =	shalt  }
0x6e: {  	_ =	shalt  }
0x6f: {  	_ =	shalt  }
0x70: {  	_ =	shalt  }
0x71: {  	_ =	shalt  }
0x72: {  	_ =	shalt  }
0x73: {  	_ =	shalt  }
0x74: {  	_ =	shalt  }
0x75: {  	_ =	shalt  }
0x76: {  	_ =	shalt  }
0x77: {  	_ =	shalt  }
0x78: {  	_ =	shalt  }
0x79: {  	_ =	shalt  }
0x7a: {  	_ =	shalt  }
0x7b: {  	_ =	shalt  }
0x7c: {  	_ =	shalt  }
0x7d: {  	_ =	shalt  }
0x7e: {  	_ =	shalt  }
0x7f: {  	_ =	shalt  }
0x80: {  	_ =	shalt  }
0x81: {  	_ =	shalt  }
0x82: {  	_ =	shalt  }
0x83: {  	_ =	shalt  }
0x84: {  	_ =	shalt  }
0x85: {  	_ =	shalt  }
0x86: {  	_ =	shalt  }
0x87: {  	_ =	shalt  }
.Lfunc_end0:
.L_simem_size_0:
called_computation_lowered:
.L_overlay_start_0:
0x88: {  	s0 =	sld [smem:$0x3FD9]  }
0x89: {  	s1 =	sld [smem:$0x3FFE];
	_ =	sdelay $0x3  }
0x8a: {  	s0 =	sadd.s32 s1, s0  }
0x8b: {  	[smem:$0x3FC5] =	sst s0  }
0x8c: {  	_ = 	snop  }
0x8d: {  	s0 =	sld [smem:$0x3FD0];
	(tm) =	ssettm $0x1  }
0x8e: {  	s16 =	sld [smem:$0x3FFB];
	_ =	sdelay $0x3  }
0x8f: {  	_ =	strace s16  }
0x90: {  	s1 =	sld [smem:$0x3FFC];
	_ =	sdelay $0x3  }
0x91: {  	_ =	strace s1  }
0x92: {  	s1 =	sld [smem:$0x3FFD];
	_ =	sdelay $0x3  }
0x93: {  	_ =	strace s1  }
0x94: {  	_ =	strace $0x8FFFFFFF  }
0x95: {  	s17 =	sld [smem:$0x3FDB];
	_ =	sdelay $0x1  }
0x96: {  	s2 =	simm.s32 $_scs_section_size  }
0x97: {  	s3 =	simm.s32 $_size__tile_overlayer_lowered;
	s4 =	simm.s32 $_tile_overlayer_lowered  }
0x98: {  	s20 =	simm.s32 $0x1BFF;
	s19 =	sshll.u32 s4, $0x1;
	s1 =	sadd.s32 s2, s17  }
0x99: {  	s5 =	simm.s32 $0x0;
	s18 =	sshll.u32 s3, $0x1;
	s3 =	sadd.s32 s19, s1  }
0x9a: {  	[timem:s5], [sflag:s20] =	dma.local [hbm:s3], s18  }
0x9b: {  	_ =	swait.ge [sflag:s20], s18  }
0x9c: {  	s2 =	ssub.s32 $0x0, s18;
	[sflag:s20] =	ssyncset.done $0x0  }
0x9d: {  	[sflag:s20] =	ssyncadd.s32 s2;
	_ =	sdelay $0x1  }
0x9e: {  	s21 =	simm.s32 $0x1B8B  }
0x9f: {  	_ =	swait.ge [sflag:s21], $0x1  }
0xa0: {  	[sflag:s21] =	ssyncset.done $0x0  }
0xa1: {  	s23 =	simm.s32 $0x1B8E;
	s22 =	sld [smem:$0x3FFE];
	[sflag:s21] =	ssyncadd.s32 $0xFFFFFFFF  }
0xa2: {  	s24 =	simm.s32 $execute0_lowered;
	[smem:$0x3FD2] =	sst s23  }
0xa3: {  	s3 =	sshll.u32 s24, $0x1;
	_ =	strace $0x80000046;
	[dreg:$0x1] =	wrdreg $0xFFFFFFFF  }
0xa4: {  	s25 =	simm.s32 $_size_execute0_lowered;
	s1 =	sadd.s32 s1, s3;
	[dreg:$0x0] =	wrdreg $0x0  }
0xa5: {  	s3 =	sshll.u32 s25, $0x1;
	[dreg:$0x2] =	wrdreg s1  }
0xa6: {  	[dreg:$0x3] =	wrdreg s3  }
0xa7: {  	[dreg:$0x4] =	wrdreg $0xC0  }
0xa8: {  	_ =	task [dreg:s5], $0x5FFFF  }
0xa9: {  	[dreg:$0x1] =	wrdreg $0xFFFFFFFF  }
0xaa: {  	[dreg:$0x0] =	wrdreg $0x60  }
0xab: {  	[dreg:$0x2] =	wrdreg s22  }
0xac: {  	[dreg:$0x3] =	wrdreg s0  }
0xad: {  	[dreg:$0x4] =	wrdreg $0x9  }
0xae: {  	_ =	task.clear_ibuf [dreg:s5], $0x5FFFF;
	_ =	strace $0x90000046  }
0xaf: {  	s26 =	simm.s32 $0x9;
	_ =	strace $0x80000048  }
0xb0: {  	_ =	swait.ge [sflag:s26], $0x1  }
0xb1: {  	[sflag:s26] =	ssyncadd.s32 $0xFFFFFFFF  }
0xb2: {  	_ =	strace $0x90000048  }
0xb3: {  	_ =	sfence  }
0xb4: {  	s28 =	sld [smem:$0x0];
	_ =	sdelay $0x1  }
0xb5: {  	s29 =	srdreg.scid  }
0xb6: {  	s30 =	sshll.u32 s29, $0xD;
	s31 =	sshrl.u32 s29, $0x2  }
0xb7: {  	s2 =	sand.u32 $0x4000, s30;
	s1 =	sand.u32 $0x1, s29;
	s0 =	sadd.s32 s31, s28  }
0xb8: {  	s1 =	sor.u32 s2, s1;
	s0 =	sshll.u32 s0, $0x11  }
0xb9: {  	s0 =	sor.u32 s0, s1  }
0xba: {  	s0 =	sadd.s32 $0x8F2B, s0  }
0xbb: {  	[sflag:s0] =	ssyncadd.remote.s32 $0x1  }
0xbc: {  	_ =	sfence.sel $0xFFFF  }
0xbd: {  	[dreg:$0x0] =	wrdreg $0xFFFFFFFF;
	(pc) =	sbr.abs _section_cstart, $3  }
0xbe: {  	[dreg:$0x1] =	wrdreg $0xFFFFFFFF  }
0xbf: {  	_ =	task.clear_ibuf [dreg:s5], $0x2FFFF;
	_ =	strace $0x9FFFFFFF  }
0xc0: {  	(tm) =	ssettm $0x7FFFFFFF  }
0xc1: {  	_ =	shalt  }
tec
execute0_lowered:
.L_overlay_start_1:
0x0: {  	(tag) =	ssettag $0x1  }
0x1: {  	s7 =	rddreg [dreg:$0x0]  }
0x2: {  	s1 =	rddreg [dreg:$0x1];
	s2 =	simm.s32 $0x0  }
0x3: {  	s3 =	stileid.u32;
	[smem:$0x7FF] =	sst s2  }
0x4: {  	s0 =	rddreg [dreg:$0x2];
	p0 =	sne.s32 s3, $0x0;
	_ =	strace $0x80000047  }
0x5: {  	_ =	sfence.sel @p0 $0x180000  }
0x6: {  	[bflag:$0x0] =	sbarrier.arrive @p0 $0xFFFF  }
0x7: {  	_ =	strace @p0 $0x90000047  }
0x8: {  	[bflag:$0x2] =	sbarrier.arrive @p0 $0xFFFF  }
0x9: {  	_ =	shalt @p0  }
.LBB2_1:
0xa: {  	s3 =	sadd.s32 $0x21E00, s7;
	s5 =	sadd.s32 $0x1800, s7  }
0xb: {  	[tilespmem:s2], [sflag:$0x1] =	stream.linear.gather [hbm4b:s3+s2], $0x400, $0x38;
	[tilespmem:$0x1400] =	vst v63  }
0xc: {  	s6 =	simm.s32 $0x100;
	s4 =	simm.s32 $0x400;
	s3 =	simm.s32 $0x80  }
0xd: {  	[tilespmem:s4], [sflag:$0x1] =	stream.strided.gather [hbm4b:s5+s3], $0x400, s6, s3, $0x38;
	[tilespmem:$0x1400] =	vst v63  }
0xe: {  	s8 =	sadd.s32 $0x10, s5;
	s5 =	simm.s32 $0x800  }
0xf: {  	[tilespmem:s5], [sflag:$0x1] =	stream.strided.gather [hbm4b:s8+s3], $0x400, s6, s3, $0x38;
	[tilespmem:$0x1400] =	vst v63  }
0x10: {  	s30 =	sadd.s32 $0x1A00, s7;
	s31 =	simm.s32 $0x1;
	s6 =	simm.s32 $0xC00  }
0x11: {  	[tilespmem:s6], [sflag:$0x1] =	stream.linear.gather [hbm4b:s30+s2], $0x400, $0x38;
	[tilespmem:$0x1400] =	vst v63  }
0x12: {  	_ =	swait.ge [sflag:s31], $0x400  }
0x13: {  	[sflag:s31] =	ssyncset.done $0x0  }
0x14: {  	[sflag:s31] =	ssyncadd.s32 $0xFFFFFC00  }
0x15: {  	_ =	swait.ge [sflag:s31], $0x400  }
0x16: {  	[sflag:s31] =	ssyncset.done $0x0  }
0x17: {  	[sflag:s31] =	ssyncadd.s32 $0xFFFFFC00  }
0x18: {  	_ =	swait.ge [sflag:s31], $0x400  }
.Ltmp0:
0x19: {  	[sflag:s31] =	ssyncset.done $0x0;
	(pc) =	sbr.rel .LBB2_4-.Ltmp0, $4  }
0x1a: {  	[sflag:s31] =	ssyncadd.s32 $0xFFFFFC00  }
0x1b: {  	s7 =	sadd.s32 $0x1E00, s7;
	s14 =	simm.s32 $0x4;
	_ =	swait.ge [sflag:s31], $0x400  }
0x1c: {  	s9 =	simm.s32 $0x1000;
	s10 =	simm.s32 $0x2;
	[sflag:s31] =	ssyncset.done $0x0  }
0x1d: {  	v0 =	vlaneseq.u32;
	s11 =	simm.s32 $0x2;
	s8 =	simm.s32 $0x2;
	[sflag:s31] =	ssyncadd.s32 $0xFFFFFC00  }
.LBB2_2:
0x1e: {  	v3 =	vld [tilespmem:$0x800]  }
0x1f: {  	v4 =	vld [tilespmem:$0x810]  }
0x20: {  	v5 =	vld [tilespmem:$0x1010]  }
0x21: {  	v6 =	vld [tilespmem:$0x820]  }
0x22: {  	v7 =	vld [tilespmem:$0x1020]  }
0x23: {  	v8 =	vld [tilespmem:$0x830]  }
0x24: {  	v9 =	vld [tilespmem:$0x1030]  }
0x25: {  	v10 =	vld [tilespmem:$0x840]  }
0x26: {  	v11 =	vld [tilespmem:$0x1040]  }
0x27: {  	v12 =	vld [tilespmem:$0x850]  }
0x28: {  	v13 =	vld [tilespmem:$0x1050]  }
0x29: {  	v14 =	vld [tilespmem:$0x860]  }
0x2a: {  	v15 =	vld [tilespmem:$0x1060]  }
0x2b: {  	v16 =	vld [tilespmem:$0x870]  }
0x2c: {  	v17 =	vld [tilespmem:$0x1070]  }
0x2d: {  	v18 =	vld [tilespmem:$0x880]  }
0x2e: {  	v19 =	vld [tilespmem:$0x1080]  }
0x2f: {  	v20 =	vld [tilespmem:$0x890]  }
0x30: {  	v21 =	vld [tilespmem:$0x1090]  }
0x31: {  	v22 =	vld [tilespmem:$0x8A0]  }
0x32: {  	v23 =	vld [tilespmem:$0x10A0]  }
0x33: {  	v24 =	vld [tilespmem:$0x8B0]  }
0x34: {  	v25 =	vld [tilespmem:$0x10B0]  }
0x35: {  	v26 =	vld [tilespmem:$0x8C0]  }
0x36: {  	v27 =	vld [tilespmem:$0x10C0]  }
0x37: {  	v28 =	vld [tilespmem:$0x8D0]  }
0x38: {  	v29 =	vld [tilespmem:$0x10D0]  }
0x39: {  	v30 =	vld [tilespmem:$0x8E0]  }
0x3a: {  	v31 =	vld [tilespmem:$0x10E0]  }
0x3b: {  	v32 =	vld [tilespmem:$0x8F0]  }
0x3c: {  	v33 =	vld [tilespmem:$0x10F0]  }
0x3d: {  	v34 =	vld [tilespmem:$0x900]  }
0x3e: {  	v35 =	vld [tilespmem:$0x1100]  }
0x3f: {  	v36 =	vld [tilespmem:$0x910]  }
0x40: {  	v37 =	vld [tilespmem:$0x1110]  }
0x41: {  	v38 =	vld [tilespmem:$0x920]  }
0x42: {  	v39 =	vld [tilespmem:$0x1120]  }
0x43: {  	v40 =	vld [tilespmem:$0x930]  }
0x44: {  	v41 =	vld [tilespmem:$0x1130]  }
0x45: {  	v42 =	vld [tilespmem:$0x940]  }
0x46: {  	v43 =	vld [tilespmem:$0x1140]  }
0x47: {  	v44 =	vld [tilespmem:$0x950]  }
0x48: {  	v45 =	vld [tilespmem:$0x1150]  }
0x49: {  	v62 =	vld [tilespmem:$0x9E0]  }
0x4a: {  	v46 =	vld [tilespmem:$0x960]  }
0x4b: {  	v47 =	vld [tilespmem:$0x1160]  }
0x4c: {  	v48 =	vld [tilespmem:$0x970]  }
0x4d: {  	v49 =	vld [tilespmem:$0x1170]  }
0x4e: {  	[tilespmem:$0x1FF00] =	vst v62;
	v62 =	vld [tilespmem:$0x9F0];
	v2 =	vmax.f32 v3, v2  }
0x4f: {  	v50 =	vld [tilespmem:$0x980];
	[tilespmem:$0x800] =	vst v2;
	v2 =	vmax.f32 v4, v5  }
0x50: {  	v51 =	vld [tilespmem:$0x1180];
	[tilespmem:$0x810] =	vst v2;
	v2 =	vmax.f32 v6, v7  }
0x51: {  	v52 =	vld [tilespmem:$0x990];
	[tilespmem:$0x820] =	vst v2;
	v2 =	vmax.f32 v8, v9  }
0x52: {  	v53 =	vld [tilespmem:$0x1190];
	[tilespmem:$0x830] =	vst v2  }
0x53: {  	v54 =	vld [tilespmem:$0x9A0];
	v2 =	vmax.f32 v10, v11;
	[tilespmem:$0x1FF10] =	vst v62  }
0x54: {  	v62 =	vld [tilespmem:$0x11F0];
	[tilespmem:$0x840] =	vst v2;
	v2 =	vmax.f32 v12, v13  }
0x55: {  	v55 =	vld [tilespmem:$0x11A0];
	[tilespmem:$0x850] =	vst v2;
	v2 =	vmax.f32 v14, v15  }
0x56: {  	v56 =	vld [tilespmem:$0x9B0];
	[tilespmem:$0x860] =	vst v2;
	v2 =	vmax.f32 v16, v17  }
0x57: {  	v57 =	vld [tilespmem:$0x11B0];
	[tilespmem:$0x870] =	vst v2;
	v2 =	vmax.f32 v18, v19  }
0x58: {  	v58 =	vld [tilespmem:$0x9C0];
	[tilespmem:$0x880] =	vst v2  }
0x59: {  	v59 =	vld [tilespmem:$0x11C0];
	v2 =	vmax.f32 v20, v21;
	[tilespmem:$0x1FF20] =	vst v62  }
0x5a: {  	v62 =	vld [tilespmem:$0xA00];
	[tilespmem:$0x890] =	vst v2;
	v2 =	vmax.f32 v22, v23  }
0x5b: {  	v60 =	vld [tilespmem:$0x9D0];
	[tilespmem:$0x8A0] =	vst v2;
	v2 =	vmax.f32 v24, v25  }
0x5c: {  	v61 =	vld [tilespmem:$0x11D0];
	[tilespmem:$0x8B0] =	vst v2;
	v2 =	vmax.f32 v26, v27  }
0x5d: {  	v63 =	vld [tilespmem:$0x11E0];
	[tilespmem:$0x8C0] =	vst v2;
	v2 =	vmax.f32 v28, v29  }
0x5e: {  	v3 =	vld [tilespmem:$0x1220];
	[tilespmem:$0x8D0] =	vst v2  }
0x5f: {  	v4 =	vld [tilespmem:$0xA30];
	v2 =	vmax.f32 v30, v31;
	[tilespmem:$0x1FF30] =	vst v62  }
0x60: {  	v5 =	vld [tilespmem:$0x1230];
	[tilespmem:$0x8E0] =	vst v2;
	v2 =	vmax.f32 v32, v33  }
0x61: {  	v6 =	vld [tilespmem:$0xA40];
	[tilespmem:$0x8F0] =	vst v2;
	v2 =	vmax.f32 v34, v35  }
0x62: {  	v7 =	vld [tilespmem:$0x1240];
	[tilespmem:$0x900] =	vst v2;
	v2 =	vmax.f32 v36, v37  }
0x63: {  	v8 =	vld [tilespmem:$0xA50];
	[tilespmem:$0x910] =	vst v2;
	v2 =	vmax.f32 v38, v39  }
0x64: {  	v9 =	vld [tilespmem:$0x1250];
	[tilespmem:$0x920] =	vst v2;
	v2 =	vmax.f32 v40, v41  }
0x65: {  	v10 =	vld [tilespmem:$0xA60];
	[tilespmem:$0x930] =	vst v2;
	v2 =	vmax.f32 v42, v43  }
0x66: {  	v11 =	vld [tilespmem:$0x1260];
	[tilespmem:$0x940] =	vst v2;
	v2 =	vmax.f32 v44, v45  }
0x67: {  	v12 =	vld [tilespmem:$0xA70];
	[tilespmem:$0x950] =	vst v2;
	v2 =	vmax.f32 v46, v47  }
0x68: {  	v13 =	vld [tilespmem:$0x1270];
	[tilespmem:$0x960] =	vst v2;
	v2 =	vmax.f32 v48, v49  }
0x69: {  	v14 =	vld [tilespmem:$0xA80];
	[tilespmem:$0x970] =	vst v2;
	v2 =	vmax.f32 v50, v51  }
0x6a: {  	v15 =	vld [tilespmem:$0x1280];
	[tilespmem:$0x980] =	vst v2;
	v2 =	vmax.f32 v52, v53  }
0x6b: {  	v16 =	vld [tilespmem:$0xA90];
	[tilespmem:$0x990] =	vst v2;
	v2 =	vmax.f32 v54, v55  }
0x6c: {  	v17 =	vld [tilespmem:$0x1290];
	[tilespmem:$0x9A0] =	vst v2;
	v2 =	vmax.f32 v56, v57  }
0x6d: {  	v18 =	vld [tilespmem:$0xAA0];
	[tilespmem:$0x9B0] =	vst v2;
	v2 =	vmax.f32 v58, v59  }
0x6e: {  	v62 =	vld [tilespmem:$0x1200];
	[tilespmem:$0x9C0] =	vst v2;
	v2 =	vmax.f32 v60, v61  }
0x6f: {  	[tilespmem:$0x9D0] =	vst v2;
	v2 =	vld [tilespmem:$0x1FF00]  }
0x70: {  	v19 =	vld [tilespmem:$0x12A0]  }
0x71: {  	v20 =	vld [tilespmem:$0xAB0]  }
0x72: {  	v21 =	vld [tilespmem:$0x12B0]  }
0x73: {  	[tilespmem:$0x1FF40] =	vst v62;
	v62 =	vld [tilespmem:$0xA10]  }
0x74: {  	v59 =	vld [tilespmem:$0x1FF20];
	v2 =	vmax.f32 v2, v63  }
0x75: {  	[tilespmem:$0x9E0] =	vst v2;
	v2 =	vld [tilespmem:$0x1FF10]  }
0x76: {  	v22 =	vld [tilespmem:$0xAC0]  }
0x77: {  	v23 =	vld [tilespmem:$0x12C0]  }
0x78: {  	v24 =	vld [tilespmem:$0xAD0]  }
0x79: {  	[tilespmem:$0x1FF50] =	vst v62;
	v62 =	vld [tilespmem:$0x1210]  }
0x7a: {  	v61 =	vld [tilespmem:$0x1FF40];
	v2 =	vmax.f32 v2, v59  }
0x7b: {  	[tilespmem:$0x9F0] =	vst v2;
	v2 =	vld [tilespmem:$0x1FF30]  }
0x7c: {  	v25 =	vld [tilespmem:$0x12D0]  }
0x7d: {  	v26 =	vld [tilespmem:$0xAE0]  }
0x7e: {  	v27 =	vld [tilespmem:$0x12E0]  }
0x7f: {  	[tilespmem:$0x1FF60] =	vst v62;
	v62 =	vld [tilespmem:$0xA20]  }
0x80: {  	v63 =	vld [tilespmem:$0x1FF60];
	v2 =	vmax.f32 v2, v61  }
0x81: {  	[tilespmem:$0xA00] =	vst v2;
	v2 =	vld [tilespmem:$0x1FF50]  }
0x82: {  	v40 =	vld [tilespmem:$0xB30]  }
0x83: {  	v41 =	vld [tilespmem:$0xB40]  }
0x84: {  	v42 =	vld [tilespmem:$0x1340]  }
0x85: {  	v43 =	vld [tilespmem:$0xB50]  }
0x86: {  	v44 =	vld [tilespmem:$0x1350];
	[tilespmem:$0x1FF70] =	vst v62;
	v2 =	vmax.f32 v2, v63  }
0x87: {  	[tilespmem:$0xA10] =	vst v2;
	v2 =	vld [tilespmem:$0x1FF70]  }
0x88: {  	v45 =	vld [tilespmem:$0xB60]  }
0x89: {  	v46 =	vld [tilespmem:$0x1360]  }
0x8a: {  	v47 =	vld [tilespmem:$0xB70]  }
0x8b: {  	v48 =	vld [tilespmem:$0x1370]  }
0x8c: {  	v49 =	vld [tilespmem:$0xB80];
	v2 =	vmax.f32 v2, v3  }
0x8d: {  	v50 =	vld [tilespmem:$0x1380];
	[tilespmem:$0xA20] =	vst v2;
	v2 =	vmax.f32 v4, v5  }
0x8e: {  	v51 =	vld [tilespmem:$0xB90];
	[tilespmem:$0xA30] =	vst v2;
	v2 =	vmax.f32 v6, v7  }
0x8f: {  	v53 =	vld [tilespmem:$0xAF0];
	[tilespmem:$0xA40] =	vst v2;
	v2 =	vmax.f32 v8, v9  }
0x90: {  	v52 =	vld [tilespmem:$0x1390];
	[tilespmem:$0xA50] =	vst v2;
	v2 =	vmax.f32 v10, v11  }
0x91: {  	v54 =	vld [tilespmem:$0x12F0];
	[tilespmem:$0xA60] =	vst v2;
	v2 =	vmax.f32 v12, v13  }
0x92: {  	v55 =	vld [tilespmem:$0xB00];
	[tilespmem:$0xA70] =	vst v2;
	v2 =	vmax.f32 v14, v15  }
0x93: {  	v56 =	vld [tilespmem:$0x1300];
	[tilespmem:$0xA80] =	vst v2;
	v2 =	vmax.f32 v16, v17  }
0x94: {  	v57 =	vld [tilespmem:$0xB10];
	[tilespmem:$0xA90] =	vst v2;
	v2 =	vmax.f32 v18, v19  }
0x95: {  	v58 =	vld [tilespmem:$0x1310];
	[tilespmem:$0xAA0] =	vst v2;
	v2 =	vmax.f32 v20, v21  }
0x96: {  	v60 =	vld [tilespmem:$0xB20];
	[tilespmem:$0xAB0] =	vst v2;
	v2 =	vmax.f32 v22, v23  }
0x97: {  	v62 =	vld [tilespmem:$0x1320];
	[tilespmem:$0xAC0] =	vst v2;
	v2 =	vmax.f32 v24, v25  }
0x98: {  	v3 =	vld [tilespmem:$0x1330];
	[tilespmem:$0xAD0] =	vst v2;
	v2 =	vmax.f32 v26, v27  }
0x99: {  	v59 =	vld [tilespmem:$0x13D0];
	[tilespmem:$0xAE0] =	vst v2;
	v2 =	vmax.f32 v53, v54  }
0x9a: {  	v61 =	vld [tilespmem:$0x13E0];
	[tilespmem:$0xAF0] =	vst v2;
	v2 =	vmax.f32 v55, v56  }
0x9b: {  	v63 =	vld [tilespmem:$0x13F0];
	[tilespmem:$0xB00] =	vst v2;
	v2 =	vmax.f32 v57, v58  }
0x9c: {  	v53 =	vld [tilespmem:$0xBA0];
	[tilespmem:$0xB10] =	vst v2;
	v2 =	vmax.f32 v60, v62  }
0x9d: {  	v54 =	vld [tilespmem:$0x13A0];
	[tilespmem:$0xB20] =	vst v2;
	v2 =	vmax.f32 v40, v3  }
0x9e: {  	v55 =	vld [tilespmem:$0xBB0];
	[tilespmem:$0xB30] =	vst v2;
	v2 =	vmax.f32 v41, v42  }
0x9f: {  	v56 =	vld [tilespmem:$0x13B0];
	[tilespmem:$0xB40] =	vst v2;
	v2 =	vmax.f32 v43, v44  }
0xa0: {  	v57 =	vld [tilespmem:$0x13C0];
	[tilespmem:$0xB50] =	vst v2;
	v2 =	vmax.f32 v45, v46  }
0xa1: {  	v3 =	vld [tilespmem:$0xBC0];
	[tilespmem:$0xB60] =	vst v2;
	v2 =	vmax.f32 v47, v48  }
0xa2: {  	v58 =	vld [tilespmem:$0xBD0];
	[tilespmem:$0xB70] =	vst v2;
	v2 =	vmax.f32 v49, v50  }
0xa3: {  	v60 =	vld [tilespmem:$0xBE0];
	[tilespmem:$0xB80] =	vst v2;
	v2 =	vmax.f32 v51, v52  }
0xa4: {  	v62 =	vld [tilespmem:$0xBF0];
	[tilespmem:$0xB90] =	vst v2;
	v2 =	vmax.f32 v53, v54  }
0xa5: {  	[tilespmem:$0xBA0] =	vst v2;
	v2 =	vmax.f32 v55, v56  }
0xa6: {  	[tilespmem:$0xBB0] =	vst v2;
	v2 =	vmax.f32 v3, v57  }
0xa7: {  	[tilespmem:$0xBC0] =	vst v2;
	v2 =	vmax.f32 v58, v59  }
0xa8: {  	[tilespmem:$0xBD0] =	vst v2;
	v2 =	vmax.f32 v60, v61  }
0xa9: {  	[tilespmem:$0xBE0] =	vst v2;
	v2 =	vmax.f32 v62, v63  }
0xaa: {  	[tilespmem:$0xBF0] =	vst v2  }
.LBB2_3:
0xab: {  	_ =	sdelay $0x3  }
0xac: {  	v2 =	vld.idx.msk [tilespmem:v1+s4+$0x0], $0xffff  }
0xad: {  	v3 =	vld.idx.msk [tilespmem:v1+s5+$0x0], $0xffff;
	_ =	sdelay $0x4  }
0xae: {  	p1 =	slt.u32 s13, $0x80000200;
	s13 =	simm.s32 $0x1;
	s14 =	simm.s32 $0x1;
	v2 =	vsub.f32 v2, v3  }
0xaf: {  	s13 =	simm.s32 @!p1 $0x0;
	s14 =	simm.s32 @!p0 $0x0  }
0xb0: {  	s10 =	sadd.s32 s13, s10;
	s11 =	sadd.s32 s14, s11;
	s14 =	sadd.s32 $0x80000001, s12;
	[tilespmem:v1+s6+$0x0] =	vst.idx.msk $0x1, v2  }
.LBB2_4:
0xb1: {  	v1 =	vmov s10;
	v2 =	vmov s11  }
.LBB2_5:
0xb2: {  	p0 =	sgt.s32 s14, $0x3FF  }
0xb3: {  	s2 =	simm.s32 @p0 $0x0;
	s3 =	simm.s32 @p0 $0xC00  }
0xb4: {  	[hbm4b:s1+s2] =	stream.linear.scatter @p0 [tilespmem:s3], [sflag:$0x2], $0x400, $0x38;
	[tilespmem:$0x1400] =	vst v63  }
0xb5: {  	s1 =	simm.s32 @p0 $0x2  }
0xb6: {  	_ =	swait.ge @p0 [sflag:s1], $0x400  }
0xb7: {  	[sflag:s1] =	ssyncset.done @p0 $0x0  }
0xb8: {  	[sflag:s1] =	ssyncadd.s32 @p0 $0xFFFFFC00  }
0xb9: {  	_ =	sfence.sel @p0 $0x180000  }
0xba: {  	[bflag:$0x0] =	sbarrier.arrive @p0 $0xFFFF  }
0xbb: {  	_ =	strace @p0 $0x90000047  }
0xbc: {  	s0 =	sadd.s32 @p0 $0x100000, s0;
	[bflag:$0x2] =	sbarrier.arrive @p0 $0xFFFF  }
0xbd: {  	[sflag:s0] =	ssyncadd.tile.s32 @p0 $0x1;
	_ =	shalt @p0  }
.LBB2_6:
0xbe: {  	s13 =	simm.s32 $0x0  }
0xbf: {  	v5 =	vld [tilespmem:s13+$0x0];
	_ =	sdelay $0x6  }
0xc0: {  	vm2 =	vlt.s32 v5, $0x200  }
0xc1: {  	v6 =	vsel vm2, v1, v2;
	v8 =	vld.idx.msk [tilespmem:v5+s4+$0x0], $0xffff  }
0xc2: {  	v4 =	vmov s14;
	vm0 =	vlt.s32 v6, $0x2;
	v6 =	vor.u32 s13, v0;
	v9 =	vld.idx.msk [tilespmem:v5+s5+$0x0], $0xffff  }
0xc3: {  	vm1 =	vge.s32 v6, v4;
	_ =	sdelay $0x3  }
0xc4: {  	v3 =	vimm.s32 $0x400;
	s12 =	simm.s32 $0x10;
	s14 =	simm.s32 $0x20;
	v7 =	vsel vm2, v8, v9;
	v8 =	vsub.f32 v8, v9  }
.LBB2_7:
0xc5: {  	p0 =	sne.s32 s14, $0x3F0;
	vm2 =	vlt.f32 v7, $2.000000030e-01  }
0xc6: {  	s13 =	sadd.s32 $0x10, s13;
	vm0 =	vmor vm0, vm2;
	[tilespmem:v5+s6+$0x0] =	vst.idx.msk vm1, v8  }
0xc7: {  	v5 =	vld [tilespmem:s13+$0x0];
	vm0 =	vmand vm1, vm0  }
0xc8: {  	v6 =	vnsel vm0, $0x400, v6  }
0xc9: {  	vm0 =	vlt.s32 v3, v6  }
0xca: {  	v3 =	vsel vm0, v3, v6;
	_ =	sdelay $0x1  }
0xcb: {  	vm2 =	vlt.s32 v5, $0x200  }
0xcc: {  	v6 =	vsel vm2, v1, v2  }
0xcd: {  	vm0 =	vlt.s32 v6, $0x2  }
0xce: {  	v8 =	vld.idx.msk [tilespmem:v5+s4+$0x0], $0xffff  }
0xcf: {  	v9 =	vld.idx.msk [tilespmem:v5+s5+$0x0], $0xffff  }
0xd0: {  	v6 =	vor.u32 s12, v0;
	s12 =	smov.u32 s14  }
.Ltmp1:
0xd1: {  	vm1 =	vge.s32 v6, v4;
	(pc) =	sbr.rel @p0 .LBB2_7-.Ltmp1, $2  }
0xd2: {  	_ =	sdelay $0x2  }
0xd3: {  	s14 =	sadd.s32 $0x10, s14;
	v7 =	vsel vm2, v8, v9;
	v8 =	vsub.f32 v8, v9  }
0xd4: {  	_ =	sdelay $0x4  }
0xd5: {  	s13 =	sadd.s32 $0x10, s13;
	[tilespmem:v5+s6+$0x0] =	vst.idx.msk vm1, v8  }
0xd6: {  	v5 =	vld [tilespmem:s13+$0x0];
	_ =	sdelay $0x7  }
0xd7: {  	v8 =	vld.idx.msk [tilespmem:v5+s4+$0x0], $0xffff  }
0xd8: {  	v9 =	vld.idx.msk [tilespmem:v5+s5+$0x0], $0xffff;
	_ =	sdelay $0x3  }
0xd9: {  	vm3 =	vlt.f32 v7, $2.000000030e-01;
	v62 =	vor.u32 s12, v0;
	vm2 =	vlt.s32 v5, $0x200  }
0xda: {  	vm0 =	vmor vm0, vm3;
	v61 =	vsel vm2, v1, v2;
	v10 =	vsel vm2, v8, v9  }
0xdb: {  	vm0 =	vmand vm1, vm0;
	vm12 =	vlt.s32 v61, $0x2;
	vm13 =	vlt.f32 v10, $2.000000030e-01  }
0xdc: {  	vm14 =	vge.s32 v62, v4;
	v6 =	vnsel vm0, $0x400, v6;
	vm1 =	vmor vm12, vm13  }
0xdd: {  	vm15 =	vlt.s32 v3, v6;
	vm1 =	vmand vm14, vm1  }
0xde: {  	v3 =	vsel vm15, v3, v6;
	v63 =	vnsel vm1, $0x400, v62  }
0xdf: {  	vm1 =	vlt.s32 v3, v63  }
0xe0: {  	v3 =	vsel vm1, v3, v63  }
0xe1: {  	v3 =	vxor.u32 $0x80000000, v3  }
0xe2: {  	(xrf0) =	vmin.scan.msk.u32 $0xffff, v3;
	_ =	sdelay $0x5  }
0xe3: {  	v3, _, _ =	vpop (xrf0)  }
0xe4: {  	(v2sf) =	vpush v3, $0xF;
	_ =	sdelay $0xe  }
0xe5: {  	s12 =	spop (v2sf)  }
0xe6: {  	s13 =	sxor.u32 $0x80000000, s12  }
0xe7: {  	p0 =	sgt.s32 s13, $0x3FF  }
.Ltmp2:
0xe8: {  	_ = 	snop;
	(pc) =	sbr.rel @p0 .LBB2_5-.Ltmp2, $3  }
0xe9: {  	_ = 	snop  }
0xea: {  	v3 =	vsub.f32 v8, v9;
	_ =	sdelay $0x1  }
0xeb: {  	s14 =	simm.s32 $0x400;
	[tilespmem:v5+s6+$0x0] =	vst.idx.msk vm14, v3  }
0xec: {  	v1 =	vmov s13;
	_ =	sdelay $0x4  }
0xed: {  	v1 =	vld.idx.msk [tilespmem:v1+s2+$0x0], $0xffff;
	_ =	sdelay $0x4  }
0xee: {  	v2 =	vxor.u32 $0x80000000, v1  }
0xef: {  	(xrf0) =	vmax.scan.msk.u32 $0xffff, v2;
	_ =	sdelay $0x5  }
0xf0: {  	v2, _, _ =	vpop (xrf0)  }
0xf1: {  	(v2sf) =	vpush v2, $0xF;
	_ =	sdelay $0xe  }
0xf2: {  	s13 =	spop (v2sf)  }
0xf3: {  	s14 =	sshll.u32 s13, $0xA;
	s15 =	sshll.u32 s13, $0x7  }
0xf4: {  	s14 =	sand.u32 $0xFFFFE000, s14;
	s15 =	sand.u32 $0x380, s15  }
0xf5: {  	s14 =	sor.u32 s15, s14  }
0xf6: {  	s14 =	sshrl.u32 s14, $0x3  }
0xf7: {  	p0 =	sgt.u32 s13, $0x800001FF;
	s14 =	sadd.s32 s7, s14  }
0xf8: {  	[tilespmem:s9], [sflag:$0x2] =	stream.strided.gather [hbm4b:s14+s3], $0x400, s4, s3, $0x38;
	[tilespmem:$0x1400] =	vst v63  }
.Ltmp3:
0xf9: {  	_ = 	snop;
	(pc) =	sbr.rel @p0 .LBB2_2-.Ltmp3, $4  }
0xfa: {  	_ =	swait.ge [sflag:s8], $0x400  }
0xfb: {  	[sflag:s8] =	ssyncset.done $0x0  }
0xfc: {  	[sflag:s8] =	ssyncadd.s32 $0xFFFFFC00  }
0xfd: {  	v2 =	vld [tilespmem:$0x1000]  }
0xfe: {  	v3 =	vld [tilespmem:$0x400]  }
0xff: {  	v4 =	vld [tilespmem:$0x410]  }
0x100: {  	v5 =	vld [tilespmem:$0x1010]  }
0x101: {  	v6 =	vld [tilespmem:$0x420]  }
0x102: {  	v7 =	vld [tilespmem:$0x1020]  }
0x103: {  	v8 =	vld [tilespmem:$0x430]  }
0x104: {  	v9 =	vld [tilespmem:$0x1030]  }
0x105: {  	v10 =	vld [tilespmem:$0x440]  }
0x106: {  	v11 =	vld [tilespmem:$0x1040]  }
0x107: {  	v12 =	vld [tilespmem:$0x450]  }
0x108: {  	v13 =	vld [tilespmem:$0x1050]  }
0x109: {  	v14 =	vld [tilespmem:$0x460]  }
0x10a: {  	v15 =	vld [tilespmem:$0x1060]  }
0x10b: {  	v16 =	vld [tilespmem:$0x470]  }
0x10c: {  	v17 =	vld [tilespmem:$0x1070]  }
0x10d: {  	v18 =	vld [tilespmem:$0x480]  }
0x10e: {  	v19 =	vld [tilespmem:$0x1080]  }
0x10f: {  	v20 =	vld [tilespmem:$0x490]  }
0x110: {  	v21 =	vld [tilespmem:$0x1090]  }
0x111: {  	v22 =	vld [tilespmem:$0x4A0]  }
0x112: {  	v23 =	vld [tilespmem:$0x10A0]  }
0x113: {  	v24 =	vld [tilespmem:$0x4B0]  }
0x114: {  	v25 =	vld [tilespmem:$0x10B0]  }
0x115: {  	v26 =	vld [tilespmem:$0x4C0]  }
0x116: {  	v27 =	vld [tilespmem:$0x10C0]  }
0x117: {  	v28 =	vld [tilespmem:$0x4D0]  }
0x118: {  	v29 =	vld [tilespmem:$0x10D0]  }
0x119: {  	v30 =	vld [tilespmem:$0x4E0]  }
0x11a: {  	v31 =	vld [tilespmem:$0x10E0]  }
0x11b: {  	v32 =	vld [tilespmem:$0x4F0]  }
0x11c: {  	v33 =	vld [tilespmem:$0x10F0]  }
0x11d: {  	v34 =	vld [tilespmem:$0x500]  }
0x11e: {  	v35 =	vld [tilespmem:$0x1100]  }
0x11f: {  	v36 =	vld [tilespmem:$0x510]  }
0x120: {  	v37 =	vld [tilespmem:$0x1110]  }
0x121: {  	v38 =	vld [tilespmem:$0x520]  }
0x122: {  	v39 =	vld [tilespmem:$0x1120]  }
0x123: {  	v40 =	vld [tilespmem:$0x530]  }
0x124: {  	v41 =	vld [tilespmem:$0x1130]  }
0x125: {  	v42 =	vld [tilespmem:$0x540]  }
0x126: {  	v43 =	vld [tilespmem:$0x1140]  }
0x127: {  	v44 =	vld [tilespmem:$0x550]  }
0x128: {  	v45 =	vld [tilespmem:$0x1150]  }
0x129: {  	v62 =	vld [tilespmem:$0x5E0]  }
0x12a: {  	v46 =	vld [tilespmem:$0x560]  }
0x12b: {  	v47 =	vld [tilespmem:$0x1160]  }
0x12c: {  	v48 =	vld [tilespmem:$0x570]  }
0x12d: {  	v49 =	vld [tilespmem:$0x1170]  }
0x12e: {  	[tilespmem:$0x1FF80] =	vst v62;
	v62 =	vld [tilespmem:$0x5F0];
	v2 =	vmax.f32 v3, v2  }
0x12f: {  	v50 =	vld [tilespmem:$0x580];
	[tilespmem:$0x400] =	vst v2;
	v2 =	vmax.f32 v4, v5  }
0x130: {  	v51 =	vld [tilespmem:$0x1180];
	[tilespmem:$0x410] =	vst v2;
	v2 =	vmax.f32 v6, v7  }
0x131: {  	v52 =	vld [tilespmem:$0x590];
	[tilespmem:$0x420] =	vst v2;
	v2 =	vmax.f32 v8, v9  }
0x132: {  	v53 =	vld [tilespmem:$0x1190];
	[tilespmem:$0x430] =	vst v2  }
0x133: {  	v54 =	vld [tilespmem:$0x5A0];
	v2 =	vmax.f32 v10, v11;
	[tilespmem:$0x1FF90] =	vst v62  }
0x134: {  	v62 =	vld [tilespmem:$0x11F0];
	[tilespmem:$0x440] =	vst v2;
	v2 =	vmax.f32 v12, v13  }
0x135: {  	v55 =	vld [tilespmem:$0x11A0];
	[tilespmem:$0x450] =	vst v2;
	v2 =	vmax.f32 v14, v15  }
0x136: {  	v56 =	vld [tilespmem:$0x5B0];
	[tilespmem:$0x460] =	vst v2;
	v2 =	vmax.f32 v16, v17  }
0x137: {  	v57 =	vld [tilespmem:$0x11B0];
	[tilespmem:$0x470] =	vst v2;
	v2 =	vmax.f32 v18, v19  }
0x138: {  	v58 =	vld [tilespmem:$0x5C0];
	[tilespmem:$0x480] =	vst v2  }
0x139: {  	v59 =	vld [tilespmem:$0x11C0];
	v2 =	vmax.f32 v20, v21;
	[tilespmem:$0x1FFA0] =	vst v62  }
0x13a: {  	v62 =	vld [tilespmem:$0x600];
	[tilespmem:$0x490] =	vst v2;
	v2 =	vmax.f32 v22, v23  }
0x13b: {  	v60 =	vld [tilespmem:$0x5D0];
	[tilespmem:$0x4A0] =	vst v2;
	v2 =	vmax.f32 v24, v25  }
0x13c: {  	v61 =	vld [tilespmem:$0x11D0];
	[tilespmem:$0x4B0] =	vst v2;
	v2 =	vmax.f32 v26, v27  }
0x13d: {  	v63 =	vld [tilespmem:$0x11E0];
	[tilespmem:$0x4C0] =	vst v2;
	v2 =	vmax.f32 v28, v29  }
0x13e: {  	v3 =	vld [tilespmem:$0x1220];
	[tilespmem:$0x4D0] =	vst v2  }
0x13f: {  	v4 =	vld [tilespmem:$0x630];
	v2 =	vmax.f32 v30, v31;
	[tilespmem:$0x1FFB0] =	vst v62  }
0x140: {  	v5 =	vld [tilespmem:$0x1230];
	[tilespmem:$0x4E0] =	vst v2;
	v2 =	vmax.f32 v32, v33  }
0x141: {  	v6 =	vld [tilespmem:$0x640];
	[tilespmem:$0x4F0] =	vst v2;
	v2 =	vmax.f32 v34, v35  }
0x142: {  	v7 =	vld [tilespmem:$0x1240];
	[tilespmem:$0x500] =	vst v2;
	v2 =	vmax.f32 v36, v37  }
0x143: {  	v8 =	vld [tilespmem:$0x650];
	[tilespmem:$0x510] =	vst v2;
	v2 =	vmax.f32 v38, v39  }
0x144: {  	v9 =	vld [tilespmem:$0x1250];
	[tilespmem:$0x520] =	vst v2;
	v2 =	vmax.f32 v40, v41  }
0x145: {  	v10 =	vld [tilespmem:$0x660];
	[tilespmem:$0x530] =	vst v2;
	v2 =	vmax.f32 v42, v43  }
0x146: {  	v11 =	vld [tilespmem:$0x1260];
	[tilespmem:$0x540] =	vst v2;
	v2 =	vmax.f32 v44, v45  }
0x147: {  	v12 =	vld [tilespmem:$0x670];
	[tilespmem:$0x550] =	vst v2;
	v2 =	vmax.f32 v46, v47  }
0x148: {  	v13 =	vld [tilespmem:$0x1270];
	[tilespmem:$0x560] =	vst v2;
	v2 =	vmax.f32 v48, v49  }
0x149: {  	v14 =	vld [tilespmem:$0x680];
	[tilespmem:$0x570] =	vst v2;
	v2 =	vmax.f32 v50, v51  }
0x14a: {  	v15 =	vld [tilespmem:$0x1280];
	[tilespmem:$0x580] =	vst v2;
	v2 =	vmax.f32 v52, v53  }
0x14b: {  	v16 =	vld [tilespmem:$0x690];
	[tilespmem:$0x590] =	vst v2;
	v2 =	vmax.f32 v54, v55  }
0x14c: {  	v17 =	vld [tilespmem:$0x1290];
	[tilespmem:$0x5A0] =	vst v2;
	v2 =	vmax.f32 v56, v57  }
0x14d: {  	v18 =	vld [tilespmem:$0x6A0];
	[tilespmem:$0x5B0] =	vst v2;
	v2 =	vmax.f32 v58, v59  }
0x14e: {  	v62 =	vld [tilespmem:$0x1200];
	[tilespmem:$0x5C0] =	vst v2;
	v2 =	vmax.f32 v60, v61  }
0x14f: {  	[tilespmem:$0x5D0] =	vst v2;
	v2 =	vld [tilespmem:$0x1FF80]  }
0x150: {  	v19 =	vld [tilespmem:$0x12A0]  }
0x151: {  	v20 =	vld [tilespmem:$0x6B0]  }
0x152: {  	v21 =	vld [tilespmem:$0x12B0]  }
0x153: {  	[tilespmem:$0x1FFC0] =	vst v62;
	v62 =	vld [tilespmem:$0x610]  }
0x154: {  	v59 =	vld [tilespmem:$0x1FFA0];
	v2 =	vmax.f32 v2, v63  }
0x155: {  	[tilespmem:$0x5E0] =	vst v2;
	v2 =	vld [tilespmem:$0x1FF90]  }
0x156: {  	v22 =	vld [tilespmem:$0x6C0]  }
0x157: {  	v23 =	vld [tilespmem:$0x12C0]  }
0x158: {  	v24 =	vld [tilespmem:$0x6D0]  }
0x159: {  	[tilespmem:$0x1FFD0] =	vst v62;
	v62 =	vld [tilespmem:$0x1210]  }
0x15a: {  	v61 =	vld [tilespmem:$0x1FFC0];
	v2 =	vmax.f32 v2, v59  }
0x15b: {  	[tilespmem:$0x5F0] =	vst v2;
	v2 =	vld [tilespmem:$0x1FFB0]  }
0x15c: {  	v25 =	vld [tilespmem:$0x12D0]  }
0x15d: {  	v26 =	vld [tilespmem:$0x6E0]  }
0x15e: {  	v27 =	vld [tilespmem:$0x12E0]  }
0x15f: {  	[tilespmem:$0x1FFE0] =	vst v62;
	v62 =	vld [tilespmem:$0x620]  }
0x160: {  	v63 =	vld [tilespmem:$0x1FFE0];
	v2 =	vmax.f32 v2, v61  }
0x161: {  	[tilespmem:$0x600] =	vst v2;
	v2 =	vld [tilespmem:$0x1FFD0]  }
0x162: {  	v40 =	vld [tilespmem:$0x730]  }
0x163: {  	v41 =	vld [tilespmem:$0x740]  }
0x164: {  	v42 =	vld [tilespmem:$0x1340]  }
0x165: {  	v43 =	vld [tilespmem:$0x750]  }
0x166: {  	v44 =	vld [tilespmem:$0x1350];
	[tilespmem:$0x1FFF0] =	vst v62;
	v2 =	vmax.f32 v2, v63  }
0x167: {  	[tilespmem:$0x610] =	vst v2;
	v2 =	vld [tilespmem:$0x1FFF0]  }
0x168: {  	v45 =	vld [tilespmem:$0x760]  }
0x169: {  	v46 =	vld [tilespmem:$0x1360]  }
0x16a: {  	v47 =	vld [tilespmem:$0x770]  }
0x16b: {  	v48 =	vld [tilespmem:$0x1370]  }
0x16c: {  	v49 =	vld [tilespmem:$0x780];
	v2 =	vmax.f32 v2, v3  }
0x16d: {  	v50 =	vld [tilespmem:$0x1380];
	[tilespmem:$0x620] =	vst v2;
	v2 =	vmax.f32 v4, v5  }
0x16e: {  	v51 =	vld [tilespmem:$0x790];
	[tilespmem:$0x630] =	vst v2;
	v2 =	vmax.f32 v6, v7  }
0x16f: {  	v53 =	vld [tilespmem:$0x6F0];
	[tilespmem:$0x640] =	vst v2;
	v2 =	vmax.f32 v8, v9  }
0x170: {  	v52 =	vld [tilespmem:$0x1390];
	[tilespmem:$0x650] =	vst v2;
	v2 =	vmax.f32 v10, v11  }
0x171: {  	v54 =	vld [tilespmem:$0x12F0];
	[tilespmem:$0x660] =	vst v2;
	v2 =	vmax.f32 v12, v13  }
0x172: {  	v55 =	vld [tilespmem:$0x700];
	[tilespmem:$0x670] =	vst v2;
	v2 =	vmax.f32 v14, v15  }
0x173: {  	v56 =	vld [tilespmem:$0x1300];
	[tilespmem:$0x680] =	vst v2;
	v2 =	vmax.f32 v16, v17  }
0x174: {  	v57 =	vld [tilespmem:$0x710];
	[tilespmem:$0x690] =	vst v2;
	v2 =	vmax.f32 v18, v19  }
0x175: {  	v58 =	vld [tilespmem:$0x1310];
	[tilespmem:$0x6A0] =	vst v2;
	v2 =	vmax.f32 v20, v21  }
0x176: {  	v60 =	vld [tilespmem:$0x720];
	[tilespmem:$0x6B0] =	vst v2;
	v2 =	vmax.f32 v22, v23  }
0x177: {  	v62 =	vld [tilespmem:$0x1320];
	[tilespmem:$0x6C0] =	vst v2;
	v2 =	vmax.f32 v24, v25  }
0x178: {  	v3 =	vld [tilespmem:$0x1330];
	[tilespmem:$0x6D0] =	vst v2;
	v2 =	vmax.f32 v26, v27  }
0x179: {  	v59 =	vld [tilespmem:$0x13D0];
	[tilespmem:$0x6E0] =	vst v2;
	v2 =	vmax.f32 v53, v54  }
0x17a: {  	v61 =	vld [tilespmem:$0x13E0];
	[tilespmem:$0x6F0] =	vst v2;
	v2 =	vmax.f32 v55, v56  }
0x17b: {  	v63 =	vld [tilespmem:$0x13F0];
	[tilespmem:$0x700] =	vst v2;
	v2 =	vmax.f32 v57, v58  }
0x17c: {  	v53 =	vld [tilespmem:$0x7A0];
	[tilespmem:$0x710] =	vst v2;
	v2 =	vmax.f32 v60, v62  }
0x17d: {  	v54 =	vld [tilespmem:$0x13A0];
	[tilespmem:$0x720] =	vst v2;
	v2 =	vmax.f32 v40, v3  }
0x17e: {  	v55 =	vld [tilespmem:$0x7B0];
	[tilespmem:$0x730] =	vst v2;
	v2 =	vmax.f32 v41, v42  }
0x17f: {  	v56 =	vld [tilespmem:$0x13B0];
	[tilespmem:$0x740] =	vst v2;
	v2 =	vmax.f32 v43, v44  }
0x180: {  	v57 =	vld [tilespmem:$0x13C0];
	[tilespmem:$0x750] =	vst v2;
	v2 =	vmax.f32 v45, v46  }
0x181: {  	v3 =	vld [tilespmem:$0x7C0];
	[tilespmem:$0x760] =	vst v2;
	v2 =	vmax.f32 v47, v48  }
0x182: {  	v58 =	vld [tilespmem:$0x7D0];
	[tilespmem:$0x770] =	vst v2;
	v2 =	vmax.f32 v49, v50  }
0x183: {  	v60 =	vld [tilespmem:$0x7E0];
	[tilespmem:$0x780] =	vst v2;
	v2 =	vmax.f32 v51, v52  }
0x184: {  	v62 =	vld [tilespmem:$0x7F0];
	[tilespmem:$0x790] =	vst v2;
	v2 =	vmax.f32 v53, v54  }
0x185: {  	[tilespmem:$0x7A0] =	vst v2;
	v2 =	vmax.f32 v55, v56  }
.Ltmp4:
0x186: {  	[tilespmem:$0x7B0] =	vst v2;
	v2 =	vmax.f32 v3, v57;
	(pc) =	sbr.rel .LBB2_3-.Ltmp4, $4  }
0x187: {  	[tilespmem:$0x7C0] =	vst v2;
	v2 =	vmax.f32 v58, v59  }
0x188: {  	[tilespmem:$0x7D0] =	vst v2;
	v2 =	vmax.f32 v60, v61  }
0x189: {  	[tilespmem:$0x7E0] =	vst v2;
	v2 =	vmax.f32 v62, v63  }
0x18a: {  	[tilespmem:$0x7F0] =	vst v2  }
.Lfunc_end2:
_tile_overlayer_lowered:
.L_overlay_start_2:
0x18b: {  	(tag) =	ssettag $0x2  }
0x18c: {  	s0 =	rddreg [dreg:$0x0];
	s2 =	stileid.u32  }
0x18d: {  	s1 =	rddreg [dreg:$0x1];
	p0 =	sne.s32 s2, $0x0  }
0x18e: {  	s3 =	rddreg [dreg:$0x2];
	[bflag:$0x3] =	sbarrier.arrive $0xFFFF;
	s2 =	simm.s32 @!p0 $0x1C02  }
0x18f: {  	[timem:s3], [sflag:s2] =	dma.local @!p0 [hbm:s0], s1  }
0x190: {  	s0 =	simm.s32 @!p0 $0x2  }
0x191: {  	_ =	swait.ge @!p0 [sflag:s0], s1  }
0x192: {  	s1 =	ssub.s32 @!p0 $0x0, s1;
	[sflag:s0] =	ssyncset.done @!p0 $0x0  }
0x193: {  	[sflag:s0] =	ssyncadd.s32 @!p0 s1  }
0x194: {  	[bflag:$0x3] =	sbarrier.arrive $0xFFFF  }
0x195: {  	_ =	shalt  }

// kernel: kernel.4.cloned.1.call-start
scs
__scs_entry_jumppad:
0x0: {  	(pc) =	sbr.rel $0x88, $3  }
0x1: {  	(tag) =	ssettag $0x0;
	lr =	simm.s32 $0x1  }
0x2: {  	[smem:$0x3F9E] =	sst lr;
	_ =	strace $0xD0000000  }
0x3: {  	_ = 	snop  }
0x4: {  	_ = 	snop  }
0x5: {  	_ = 	snop  }
0x6: {  	_ = 	snop  }
0x7: {  	_ = 	snop  }
__scs_overlays_trampoline_lowered:
0x8: {  	[smem:$0x3FAD] =	sst s0  }
0x9: {  	[smem:$0x3FAE] =	sst s1  }
0xa: {  	[smem:$0x3FAF] =	sst s2  }
0xb: {  	[smem:$0x3FB0] =	sst s3  }
0xc: {  	[smem:$0x3FB1] =	sst s4  }
0xd: {  	[smem:$0x3FB2] =	sst s5  }
0xe: {  	[smem:$0x3FB3] =	sst s6  }
0xf: {  	[smem:$0x3FB4] =	sst s7  }
0x10: {  	[smem:$0x3FB5] =	sst s8  }
0x11: {  	[smem:$0x3FB6] =	sst s9;
	s0 =	simm.s32 @!p0 $0x0  }
0x12: {  	s1 =	sld [smem:$0x3F9C];
	s0 =	simm.s32 @p0 $0x1  }
0x13: {  	[smem:$0x3FB7] =	sst s0;
	s0 =	simm.s32 @!p1 $0x0  }
0x14: {  	s2 =	sld [smem:$0x3F9B];
	s0 =	simm.s32 @p1 $0x1  }
0x15: {  	[smem:$0x3FB8] =	sst s0;
	s0 =	simm.s32 @!p2 $0x0  }
0x16: {  	s3 =	sld [smem:$0x3FDB];
	s0 =	simm.s32 @p2 $0x1  }
0x17: {  	s4 =	simm.s32 $0x1BF5;
	[smem:$0x3FBA] =	sst s0  }
0x18: {  	s0 =	sld [smem:$0x3F9D];
	_ =	swait.ge [sflag:s4], $0x0  }
0x19: {  	s7 =	sld [smem:$0x3F9E]  }
0x1a: {  	s8 =	sadd.s32 $0xFFFFE003, lr  }
0x1b: {  	s9 =	sadd.s32 $0xFFFFFEF7, lr;
	s5 =	simm.s32 $0xFFFFFFFF;
	p2 =	slt.u32 s8, $0xFFFFF086  }
0x1c: {  	p1 =	slt.u32 s9, $0xF7A;
	s5 =	simm.s32 @!p2 $0x0  }
0x1d: {  	s5 =	simm.s32 @p1 $0x1;
	p0 =	seq.s32 s7, s2  }
0x1e: {  	s7 =	smul.u32 @!p0 $0xF7A, s2;
	p2 =	seq.s32 @!p0 s5, $0x0  }
0x1f: {  	s9 =	smul.u32 $0xF7A, s1;
	s8 =	simm.s32 @!p0 $0x1BF5;
	p2 =	por !p2, p0  }
0x20: {  	[sflag:s8] =	ssyncset.s32 @!p0 $0xFFFFF086;
	s6 =	sadd.s32 @!p0 s3, s7;
	s7 =	simm.s32 @!p0 $0x108  }
0x21: {  	s3 =	sadd.s32 s3, s9;
	s6 =	sadd.s32 @!p0 $0x88, s6;
	s7 =	simm.s32 @p2 $0x1082  }
0x22: {  	[simem:s7], [sflag:s8] =	dma.local @!p0 [hbm:s6], $0xF7A  }
0x23: {  	s9 =	sor.u32 $0xD0000000, s2;
	s6 =	simm.s32 $0x108;
	_ =	swait.ge @!p0 [sflag:s8], $0x0  }
0x24: {  	s3 =	sadd.s32 $0x88, s3;
	s6 =	simm.s32 @!p1 $0x1082;
	[sflag:s4] =	ssyncset.s32 $0xFFFFF086  }
0x25: {  	[simem:s6], [sflag:s4] =	dma.local [hbm:s3], $0xF7A  }
0x26: {  	[smem:$0x3F9E] =	sst s1;
	(tag) =	ssettag s2;
	_ =	strace s9  }
0x27: {  	s1 =	sld [smem:$0x3FAE]  }
0x28: {  	s2 =	sld [smem:$0x3FAF]  }
0x29: {  	s4 =	sld [smem:$0x3FB1]  }
0x2a: {  	p0 =	seq.s32 s5, $0x0;
	s5 =	sld [smem:$0x3FB2]  }
0x2b: {  	s6 =	sld [smem:$0x3FB3]  }
0x2c: {  	s7 =	sld [smem:$0x3FB4]  }
0x2d: {  	s3 =	simm.s32 $0x108;
	s8 =	sld [smem:$0x3FB5]  }
0x2e: {  	s3 =	simm.s32 @!p0 $0x1082;
	s9 =	sld [smem:$0x3FB6]  }
0x2f: {  	lr =	sadd.s32 s0, s3;
	s0 =	sld [smem:$0x3FAD]  }
0x30: {  	s3 =	sld [smem:$0x3FB0]  }
0x31: {  	[smem:$0x3FB9] =	sst s10  }
0x32: {  	s10 =	sld [smem:$0x3FB7];
	_ =	sdelay $0x3  }
0x33: {  	p0 =	seq.s32 s10, $0x1;
	s10 =	sld [smem:$0x3FB9];
	_ =	sdelay $0x3  }
0x34: {  	[smem:$0x3FB9] =	sst s10  }
0x35: {  	s10 =	sld [smem:$0x3FB8];
	_ =	sdelay $0x3  }
0x36: {  	p1 =	seq.s32 s10, $0x1;
	s10 =	sld [smem:$0x3FB9];
	_ =	sdelay $0x3  }
0x37: {  	[smem:$0x3FB9] =	sst s10  }
0x38: {  	s10 =	sld [smem:$0x3FBA]  }
0x39: {  	_ = 	snop;
	(pc) =	sbr.ind lr, $3  }
0x3a: {  	_ = 	snop  }
0x3b: {  	_ = 	snop  }
0x3c: {  	p2 =	seq.s32 s10, $0x1;
	s10 =	sld [smem:$0x3FB9]  }
0x3d: {  	_ =	shalt  }
0x3e: {  	_ =	shalt  }
0x3f: {  	_ =	shalt  }
0x40: {  	_ =	shalt  }
0x41: {  	_ =	shalt  }
0x42: {  	_ =	shalt  }
0x43: {  	_ =	shalt  }
0x44: {  	_ =	shalt  }
0x45: {  	_ =	shalt  }
0x46: {  	_ =	shalt  }
0x47: {  	_ =	shalt  }
0x48: {  	_ =	shalt  }
0x49: {  	_ =	shalt  }
0x4a: {  	_ =	shalt  }
0x4b: {  	_ =	shalt  }
0x4c: {  	_ =	shalt  }
0x4d: {  	_ =	shalt  }
0x4e: {  	_ =	shalt  }
0x4f: {  	_ =	shalt  }
0x50: {  	_ =	shalt  }
0x51: {  	_ =	shalt  }
0x52: {  	_ =	shalt  }
0x53: {  	_ =	shalt  }
0x54: {  	_ =	shalt  }
0x55: {  	_ =	shalt  }
0x56: {  	_ =	shalt  }
0x57: {  	_ =	shalt  }
0x58: {  	_ =	shalt  }
0x59: {  	_ =	shalt  }
0x5a: {  	_ =	shalt  }
0x5b: {  	_ =	shalt  }
0x5c: {  	_ =	shalt  }
0x5d: {  	_ =	shalt  }
0x5e: {  	_ =	shalt  }
0x5f: {  	_ =	shalt  }
0x60: {  	_ =	shalt  }
0x61: {  	_ =	shalt  }
0x62: {  	_ =	shalt  }
0x63: {  	_ =	shalt  }
0x64: {  	_ =	shalt  }
0x65: {  	_ =	shalt  }
0x66: {  	_ =	shalt  }
0x67: {  	_ =	shalt  }
0x68: {  	_ =	shalt  }
0x69: {  	_ =	shalt  }
0x6a: {  	_ =	shalt  }
0x6b: {  	_ =	shalt  }
0x6c: {  	_ =	shalt  }
0x6d: {  	_ =	shalt  }
0x6e: {  	_ =	shalt  }
0x6f: {  	_ =	shalt  }
0x70: {  	_ =	shalt  }
0x71: {  	_ =	shalt  }
0x72: {  	_ =	shalt  }
0x73: {  	_ =	shalt  }
0x74: {  	_ =	shalt  }
0x75: {  	_ =	shalt  }
0x76: {  	_ =	shalt  }
0x77: {  	_ =	shalt  }
0x78: {  	_ =	shalt  }
0x79: {  	_ =	shalt  }
0x7a: {  	_ =	shalt  }
0x7b: {  	_ =	shalt  }
0x7c: {  	_ =	shalt  }
0x7d: {  	_ =	shalt  }
0x7e: {  	_ =	shalt  }
0x7f: {  	_ =	shalt  }
0x80: {  	_ =	shalt  }
0x81: {  	_ =	shalt  }
0x82: {  	_ =	shalt  }
0x83: {  	_ =	shalt  }
0x84: {  	_ =	shalt  }
0x85: {  	_ =	shalt  }
0x86: {  	_ =	shalt  }
0x87: {  	_ =	shalt  }
.Lfunc_end0:
.L_simem_size_0:
called_computation.1_lowered:
.L_overlay_start_0:
0x88: {  	s0 =	sld [smem:$0x3FD9]  }
0x89: {  	s1 =	sld [smem:$0x3FFE];
	_ =	sdelay $0x3  }
0x8a: {  	s0 =	sadd.s32 s1, s0  }
0x8b: {  	[smem:$0x3FC5] =	sst s0  }
0x8c: {  	_ = 	snop  }
0x8d: {  	s0 =	sld [smem:$0x3FD0];
	(tm) =	ssettm $0x1  }
0x8e: {  	s16 =	sld [smem:$0x3FFB];
	_ =	sdelay $0x3  }
0x8f: {  	_ =	strace s16  }
0x90: {  	s1 =	sld [smem:$0x3FFC];
	_ =	sdelay $0x3  }
0x91: {  	_ =	strace s1  }
0x92: {  	s1 =	sld [smem:$0x3FFD];
	_ =	sdelay $0x3  }
0x93: {  	_ =	strace s1  }
0x94: {  	_ =	strace $0x8FFFFFFF  }
0x95: {  	s17 =	sld [smem:$0x3FDB];
	_ =	sdelay $0x1  }
0x96: {  	s2 =	simm.s32 $_scs_section_size  }
0x97: {  	s3 =	simm.s32 $_size__tile_overlayer_lowered;
	s4 =	simm.s32 $_tile_overlayer_lowered  }
0x98: {  	s20 =	simm.s32 $0x1BFF;
	s19 =	sshll.u32 s4, $0x1;
	s1 =	sadd.s32 s2, s17  }
0x99: {  	s5 =	simm.s32 $0x0;
	s18 =	sshll.u32 s3, $0x1;
	s3 =	sadd.s32 s19, s1  }
0x9a: {  	[timem:s5], [sflag:s20] =	dma.local [hbm:s3], s18  }
0x9b: {  	_ =	swait.ge [sflag:s20], s18  }
0x9c: {  	s2 =	ssub.s32 $0x0, s18;
	[sflag:s20] =	ssyncset.done $0x0  }
0x9d: {  	[sflag:s20] =	ssyncadd.s32 s2;
	_ =	sdelay $0x1  }
0x9e: {  	s21 =	simm.s32 $0x1B8B  }
0x9f: {  	_ =	swait.ge [sflag:s21], $0x1  }
0xa0: {  	[sflag:s21] =	ssyncset.done $0x0  }
0xa1: {  	s23 =	simm.s32 $0x1B8E;
	s22 =	sld [smem:$0x3FFE];
	[sflag:s21] =	ssyncadd.s32 $0xFFFFFFFF  }
0xa2: {  	s24 =	simm.s32 $execute0_lowered;
	[smem:$0x3FD2] =	sst s23  }
0xa3: {  	s3 =	sshll.u32 s24, $0x1;
	_ =	strace $0x80000049;
	[dreg:$0x1] =	wrdreg $0xFFFFFFFF  }
0xa4: {  	s25 =	simm.s32 $_size_execute0_lowered;
	s1 =	sadd.s32 s1, s3;
	[dreg:$0x0] =	wrdreg $0x0  }
0xa5: {  	s3 =	sshll.u32 s25, $0x1;
	[dreg:$0x2] =	wrdreg s1  }
0xa6: {  	[dreg:$0x3] =	wrdreg s3  }
0xa7: {  	[dreg:$0x4] =	wrdreg $0xC0  }
0xa8: {  	_ =	task [dreg:s5], $0x5FFFF  }
0xa9: {  	[dreg:$0x1] =	wrdreg $0xFFFFFFFF  }
0xaa: {  	[dreg:$0x0] =	wrdreg $0x60  }
0xab: {  	[dreg:$0x2] =	wrdreg s22  }
0xac: {  	[dreg:$0x3] =	wrdreg s0  }
0xad: {  	[dreg:$0x4] =	wrdreg $0x9  }
0xae: {  	_ =	task.clear_ibuf [dreg:s5], $0x5FFFF;
	_ =	strace $0x90000049  }
0xaf: {  	s26 =	simm.s32 $0x9;
	_ =	strace $0x8000004B  }
0xb0: {  	_ =	swait.ge [sflag:s26], $0x1  }
0xb1: {  	[sflag:s26] =	ssyncadd.s32 $0xFFFFFFFF  }
0xb2: {  	_ =	strace $0x9000004B  }
0xb3: {  	_ =	sfence  }
0xb4: {  	s28 =	sld [smem:$0x0];
	_ =	sdelay $0x1  }
0xb5: {  	s29 =	srdreg.scid  }
0xb6: {  	s30 =	sshll.u32 s29, $0xD;
	s31 =	sshrl.u32 s29, $0x2  }
0xb7: {  	s2 =	sand.u32 $0x4000, s30;
	s1 =	sand.u32 $0x1, s29;
	s0 =	sadd.s32 s31, s28  }
0xb8: {  	s1 =	sor.u32 s2, s1;
	s0 =	sshll.u32 s0, $0x11  }
0xb9: {  	s0 =	sor.u32 s0, s1  }
0xba: {  	s0 =	sadd.s32 $0x8F2B, s0  }
0xbb: {  	[sflag:s0] =	ssyncadd.remote.s32 $0x1  }
0xbc: {  	_ =	sfence.sel $0xFFFF  }
0xbd: {  	[dreg:$0x0] =	wrdreg $0xFFFFFFFF;
	(pc) =	sbr.abs _section_cstart, $3  }
0xbe: {  	[dreg:$0x1] =	wrdreg $0xFFFFFFFF  }
0xbf: {  	_ =	task.clear_ibuf [dreg:s5], $0x2FFFF;
	_ =	strace $0x9FFFFFFF  }
0xc0: {  	(tm) =	ssettm $0x7FFFFFFF  }
0xc1: {  	_ =	shalt  }
tec
execute0_lowered:
.L_overlay_start_1:
0x0: {  	(tag) =	ssettag $0x1  }
0x1: {  	s6 =	rddreg [dreg:$0x0]  }
0x2: {  	s1 =	rddreg [dreg:$0x1];
	s3 =	simm.s32 $0x0  }
0x3: {  	s2 =	stileid.u32;
	[smem:$0x7FF] =	sst s3  }
0x4: {  	s0 =	rddreg [dreg:$0x2];
	p0 =	sne.s32 s2, $0x0;
	_ =	strace $0x8000004A  }
0x5: {  	_ =	sfence.sel @p0 $0x180000  }
0x6: {  	[bflag:$0x0] =	sbarrier.arrive @p0 $0xFFFF  }
0x7: {  	_ =	strace @p0 $0x9000004A  }
0x8: {  	[bflag:$0x2] =	sbarrier.arrive @p0 $0xFFFF  }
0x9: {  	_ =	shalt @p0  }
.LBB2_1:
0xa: {  	s2 =	sadd.s32 $0x1C00, s6;
	s4 =	sadd.s32 $0x1800, s6  }
0xb: {  	[tilespmem:s3], [sflag:$0x1] =	stream.linear.gather [hbm4b:s2+s3], $0x400, $0x38;
	[tilespmem:$0x1080] =	vst v63  }
0xc: {  	s25 =	simm.s32 $0x80;
	s7 =	simm.s32 $0x100;
	s5 =	simm.s32 $0x400  }
0xd: {  	[tilespmem:s5], [sflag:$0x1] =	stream.strided.gather [hbm4b:s4+s25], $0x400, s7, s25, $0x38;
	[tilespmem:$0x1080] =	vst v63  }
0xe: {  	s8 =	sadd.s32 $0x10, s4;
	s4 =	simm.s32 $0x800  }
0xf: {  	[tilespmem:s4], [sflag:$0x1] =	stream.strided.gather [hbm4b:s8+s25], $0x400, s7, s25, $0x38;
	[tilespmem:$0x1080] =	vst v63  }
0x10: {  	s26 =	sadd.s32 $0x1A00, s6;
	s28 =	simm.s32 $0x1;
	s2 =	simm.s32 $0xC00  }
0x11: {  	[tilespmem:s2], [sflag:$0x1] =	stream.linear.gather [hbm4b:s26+s3], $0x400, $0x38;
	[tilespmem:$0x1080] =	vst v63  }
0x12: {  	_ =	swait.ge [sflag:s28], $0x400  }
0x13: {  	[sflag:s28] =	ssyncset.done $0x0  }
0x14: {  	[sflag:s28] =	ssyncadd.s32 $0xFFFFFC00  }
0x15: {  	_ =	swait.ge [sflag:s28], $0x400  }
0x16: {  	[sflag:s28] =	ssyncset.done $0x0  }
0x17: {  	[sflag:s28] =	ssyncadd.s32 $0xFFFFFC00  }
0x18: {  	_ =	swait.ge [sflag:s28], $0x400  }
0x19: {  	[sflag:s28] =	ssyncset.done $0x0  }
0x1a: {  	[sflag:s28] =	ssyncadd.s32 $0xFFFFFC00  }
0x1b: {  	_ =	swait.ge [sflag:s28], $0x400  }
0x1c: {  	[sflag:s28] =	ssyncset.done $0x0  }
0x1d: {  	s29 =	simm.s32 $0x20;
	[sflag:s28] =	ssyncadd.s32 $0xFFFFFC00  }
0x1e: {  	v7 =	vld [tilespmem:s29+$0xFFFFFFE0];
	_ =	sdelay $0x3  }
0x1f: {  	v5 =	vld [tilespmem:s29+$0xFFFFFFF0];
	_ =	sdelay $0x1  }
0x20: {  	v3 =	vld [tilespmem:s29+$0x0]  }
0x21: {  	v2 =	vld [tilespmem:s29+$0x10]  }
0x22: {  	v4 =	vld.idx.msk [tilespmem:v7+s5+$0x0], $0xffff  }
0x23: {  	s30 =	simm.s32 $0x60;
	v6 =	vld.idx.msk [tilespmem:v7+s4+$0x0], $0xffff  }
0x24: {  	v0 =	vld [tilespmem:s30+$0xFFFFFFF0]  }
0x25: {  	v14 =	vld [tilespmem:s30+$0xFFFFFFE0]  }
0x26: {  	v16 =	vld.idx.msk [tilespmem:v5+s5+$0x0], $0xffff  }
0x27: {  	v1 =	vlaneseq.u32;
	vm0 =	vlt.s32 v7, $0x200;
	v9 =	vld.idx.msk [tilespmem:v5+s4+$0x0], $0xffff  }
0x28: {  	v11 =	vor.u32 s3, v1;
	v8 =	vld.idx.msk [tilespmem:v3+s5+$0x0], $0xffff;
	v15 =	vsel vm0, v4, v6  }
0x29: {  	v10 =	vld.idx.msk [tilespmem:v3+s4+$0x0], $0xffff;
	vm0 =	vgt.u32 v11, $0x3;
	vm1 =	vlt.f32 v15, $2.000000030e-01  }
0x2a: {  	v12 =	vld.idx.msk [tilespmem:v2+s5+$0x0], $0xffff;
	vm1 =	vmand vm0, vm1  }
0x2b: {  	v13 =	vsub.f32 v4, v6;
	v4 =	vld [tilespmem:s30+$0x0];
	v19 =	vnsel vm1, $0x400, v11;
	v11 =	vmov v14  }
0x2c: {  	v17 =	vimm.s32 $0x400;
	s31 =	simm.s32 $0x20;
	s9 =	simm.s32 $0x10;
	vm2 =	vlt.s32 v5, $0x200;
	v15 =	vld.idx.msk [tilespmem:v2+s4+$0x0], $0xffff  }
0x2d: {  	s6 =	sadd.s32 $0x1E00, s6;
	v18 =	vor.u32 s31, v1;
	v20 =	vor.u32 s9, v1;
	s7 =	simm.s32 $0x4;
	s8 =	simm.s32 $0xA0;
	v6 =	vld [tilespmem:s30+$0x10];
	v21 =	vsel vm2, v16, v9  }
.LBB2_2:
0x2e: {  	v22 =	vld [tilespmem:s8+$0xFFFFFFF0];
	vm1 =	vlt.s32 v17, v19;
	vm2 =	vlt.f32 v21, $2.000000030e-01;
	vm3 =	vlt.s32 v3, $0x200  }
0x2f: {  	v21 =	vld.idx.msk [tilespmem:v14+s5+$0x0], $0xffff;
	v17 =	vsel vm1, v17, v19;
	v19 =	vnsel vm2, $0x400, v20;
	v14 =	vsel vm3, v8, v10  }
0x30: {  	vm3 =	vlt.s32 v2, $0x200;
	v20 =	vld.idx.msk [tilespmem:v11+s4+$0x0], $0xffff;
	vm1 =	vlt.s32 v17, v19;
	vm2 =	vlt.f32 v14, $2.000000030e-01  }
0x31: {  	s9 =	sadd.s32 $0x30, s3;
	v23 =	vsel vm3, v12, v15;
	v14 =	vld [tilespmem:s8+$0xFFFFFFE0];
	[tilespmem:v7+s2+$0x0] =	vst.idx.msk vm0, v13;
	v13 =	vsel vm1, v17, v19;
	v17 =	vnsel vm2, $0x400, v18  }
0x32: {  	v18 =	vor.u32 s9, v1;
	vm1 =	vlt.f32 v23, $2.000000030e-01;
	v7 =	vmovc v11;
	v19 =	vld.idx.msk [tilespmem:v0+s5+$0x0], $0xffff;
	vm0 =	vlt.s32 v13, v17  }
0x33: {  	s7 =	sadd.s32 $0x4, s7;
	v11 =	vsub.f32 v16, v9;
	v16 =	vnsel vm1, $0x400, v18;
	v9 =	vld.idx.msk [tilespmem:v0+s4+$0x0], $0xffff;
	v13 =	vsel vm0, v13, v17  }
0x34: {  	p0 =	slt.u32 s7, $0x3C;
	v23 =	vsub.f32 v12, v15;
	v18 =	vsub.f32 v8, v10;
	v8 =	vld.idx.msk [tilespmem:v4+s5+$0x0], $0xffff;
	vm0 =	vlt.s32 v13, v16  }
.Ltmp0:
0x35: {  	s3 =	sadd.s32 $0x40, s3;
	vm1 =	vlt.s32 v7, $0x200;
	v10 =	vld.idx.msk [tilespmem:v4+s4+$0x0], $0xffff;
	[tilespmem:v5+s2+$0x0] =	vst.idx.msk $0xffff, v11;
	v17 =	vsel vm0, v13, v16;
	v5 =	vmov v0;
	(pc) =	sbr.rel @p0 .LBB2_2-.Ltmp0, $4  }
0x36: {  	v24 =	vor.u32 s3, v1;
	v25 =	vsel vm1, v21, v20;
	v13 =	vsub.f32 v21, v20;
	v0 =	vmovc v22;
	v12 =	vld.idx.msk [tilespmem:v6+s5+$0x0], $0xffff  }
0x37: {  	s9 =	sadd.s32 $0x20, s3;
	vm0 =	vgt.u32 v24, $0x3;
	vm1 =	vlt.f32 v25, $2.000000030e-01;
	v11 =	vmovc v14;
	v15 =	vld.idx.msk [tilespmem:v6+s4+$0x0], $0xffff;
	[tilespmem:v3+s2+$0x0] =	vst.idx.msk $0xffff, v18;
	v3 =	vmov v4  }
0x38: {  	s10 =	sadd.s32 $0x10, s3;
	vm2 =	vlt.s32 v5, $0x200;
	vm1 =	vmand vm0, vm1;
	v18 =	vor.u32 s9, v1;
	v16 =	vmovc v19;
	v4 =	vld [tilespmem:s8+$0x0];
	[tilespmem:v2+s2+$0x0] =	vst.idx.msk $0xffff, v23;
	v2 =	vmovc v6  }
0x39: {  	v20 =	vor.u32 s10, v1;
	v19 =	vnsel vm1, $0x400, v24;
	v21 =	vsel vm2, v16, v9;
	v6 =	vld [tilespmem:s8+$0x10];
	s8 =	sadd.s32 $0x40, s8  }
0x3a: {  	_ =	sdelay $0x1  }
0x3b: {  	vm1 =	vlt.s32 v17, v19;
	vm2 =	vlt.f32 v21, $2.000000030e-01;
	vm3 =	vlt.s32 v3, $0x200  }
0x3c: {  	vm15 =	vlt.s32 v2, $0x200;
	v9 =	vsub.f32 v16, v9;
	v45 =	vsub.f32 v8, v10  }
0x3d: {  	v14 =	vld.idx.msk [tilespmem:v14+s5+$0x0], $0xffff;
	s7 =	sadd.s32 $0x30, s3;
	vm6 =	vlt.s32 v11, $0x200;
	vm9 =	vlt.s32 v0, $0x200;
	v17 =	vsel vm1, v17, v19  }
0x3e: {  	v38 =	vld.idx.msk [tilespmem:v11+s4+$0x0], $0xffff;
	s24 =	sadd.s32 $0x40, s3;
	v36 =	vnsel vm2, $0x400, v20;
	v37 =	vsel vm3, v8, v10;
	v22 =	vor.u32 s7, v1  }
0x3f: {  	v48 =	vor.u32 s24, v1;
	vm1 =	vlt.s32 v17, v36;
	vm14 =	vlt.f32 v37, $2.000000030e-01  }
0x40: {  	v40 =	vld.idx.msk [tilespmem:v0+s5+$0x0], $0xffff;
	s25 =	sadd.s32 $0x10, s24;
	v39 =	vsel vm15, v12, v15;
	v46 =	vsub.f32 v12, v15;
	vm7 =	vgt.u32 v48, $0x3  }
0x41: {  	v41 =	vld.idx.msk [tilespmem:v0+s4+$0x0], $0xffff;
	s26 =	sadd.s32 $0x20, s24;
	v52 =	vor.u32 s25, v1;
	v17 =	vsel vm1, v17, v36;
	v18 =	vnsel vm14, $0x400, v18  }
0x42: {  	v56 =	vor.u32 s26, v1;
	vm5 =	vlt.f32 v39, $2.000000030e-01;
	v44 =	vld.idx.msk [tilespmem:v4+s5+$0x0], $0xffff;
	vm1 =	vlt.s32 v17, v18  }
0x43: {  	s3 =	sadd.s32 $0x30, s24;
	v47 =	vld.idx.msk [tilespmem:v4+s4+$0x0], $0xffff;
	v43 =	vnsel vm5, $0x400, v22;
	v42 =	vsel vm1, v17, v18;
	v49 =	vsel vm6, v14, v38  }
0x44: {  	v60 =	vor.u32 s3, v1;
	v50 =	vld.idx.msk [tilespmem:v6+s5+$0x0], $0xffff;
	vm2 =	vlt.s32 v42, v43;
	vm8 =	vlt.f32 v49, $2.000000030e-01  }
0x45: {  	vm12 =	vlt.s32 v4, $0x200;
	v51 =	vld.idx.msk [tilespmem:v6+s4+$0x0], $0xffff;
	v16 =	vsel vm2, v42, v43;
	vm2 =	vmand vm7, vm8  }
0x46: {  	vm14 =	vlt.s32 v6, $0x200;
	v23 =	vsel vm9, v40, v41;
	v15 =	vnsel vm2, $0x400, v48  }
0x47: {  	[tilespmem:v7+s2+$0x0] =	vst.idx.msk vm0, v13;
	v14 =	vsub.f32 v14, v38;
	vm11 =	vlt.f32 v23, $2.000000030e-01;
	vm10 =	vlt.s32 v16, v15  }
0x48: {  	[tilespmem:v5+s2+$0x0] =	vst.idx.msk $0xffff, v9;
	v54 =	vnsel vm11, $0x400, v52;
	v55 =	vsel vm12, v44, v47;
	v53 =	vsel vm10, v16, v15  }
0x49: {  	[tilespmem:v3+s2+$0x0] =	vst.idx.msk $0xffff, v45;
	v59 =	vsub.f32 v40, v41;
	vm13 =	vlt.f32 v55, $2.000000030e-01;
	vm0 =	vlt.s32 v53, v54  }
0x4a: {  	[tilespmem:v2+s2+$0x0] =	vst.idx.msk $0xffff, v46;
	v58 =	vsel vm14, v50, v51;
	v3 =	vnsel vm13, $0x400, v56;
	v57 =	vsel vm0, v53, v54  }
0x4b: {  	[tilespmem:v0+s2+$0x0] =	vst.idx.msk $0xffff, v59;
	v61 =	vsub.f32 v44, v47;
	vm15 =	vlt.f32 v58, $2.000000030e-01;
	vm0 =	vlt.s32 v57, v3  }
0x4c: {  	[tilespmem:v11+s2+$0x0] =	vst.idx.msk vm7, v14;
	v62 =	vsub.f32 v50, v51;
	v1 =	vnsel vm15, $0x400, v60;
	v2 =	vsel vm0, v57, v3  }
0x4d: {  	[tilespmem:v4+s2+$0x0] =	vst.idx.msk $0xffff, v61;
	vm0 =	vlt.s32 v2, v1  }
0x4e: {  	[tilespmem:v6+s2+$0x0] =	vst.idx.msk $0xffff, v62;
	v63 =	vsel vm0, v2, v1  }
0x4f: {  	s28 =	simm.s32 $0x0;
	s29 =	simm.s32 $0xC00;
	s30 =	simm.s32 $0x2;
	[tilespmem:$0x1000] =	vst v63  }
0x50: {  	[hbm4b:s1+s28] =	stream.linear.scatter [tilespmem:s29], [sflag:$0x2], $0x400, $0x38;
	[tilespmem:$0x1080] =	vst v63  }
0x51: {  	_ =	swait.ge [sflag:s30], $0x400  }
0x52: {  	[sflag:s30] =	ssyncset.done $0x0  }
0x53: {  	s31 =	simm.s32 $0x1000;
	[sflag:s30] =	ssyncadd.s32 $0xFFFFFC00  }
0x54: {  	[hbm4b:s6+s28] =	stream.linear.scatter [tilespmem:s31], [sflag:$0x2], $0x80, $0x38;
	[tilespmem:$0x1080] =	vst v63  }
0x55: {  	_ =	swait.ge [sflag:s30], $0x80  }
0x56: {  	[sflag:s30] =	ssyncset.done $0x0  }
0x57: {  	[sflag:s30] =	ssyncadd.s32 $0xFFFFFF80  }
0x58: {  	_ =	sfence.sel $0x180000  }
0x59: {  	[bflag:$0x0] =	sbarrier.arrive $0xFFFF  }
0x5a: {  	_ =	strace $0x9000004A  }
0x5b: {  	s0 =	sadd.s32 $0x100000, s0;
	[bflag:$0x2] =	sbarrier.arrive $0xFFFF  }
0x5c: {  	[sflag:s0] =	ssyncadd.tile.s32 $0x1;
	_ =	shalt  }
.Lfunc_end2:
_tile_overlayer_lowered:
.L_overlay_start_2:
0x5d: {  	(tag) =	ssettag $0x2  }
0x5e: {  	s0 =	rddreg [dreg:$0x0];
	s2 =	stileid.u32  }
0x5f: {  	s1 =	rddreg [dreg:$0x1];
	p0 =	sne.s32 s2, $0x0  }
0x60: {  	s3 =	rddreg [dreg:$0x2];
	[bflag:$0x3] =	sbarrier.arrive $0xFFFF;
	s2 =	simm.s32 @!p0 $0x1C02  }
0x61: {  	[timem:s3], [sflag:s2] =	dma.local @!p0 [hbm:s0], s1  }
0x62: {  	s0 =	simm.s32 @!p0 $0x2  }
0x63: {  	_ =	swait.ge @!p0 [sflag:s0], s1  }
0x64: {  	s1 =	ssub.s32 @!p0 $0x0, s1;
	[sflag:s0] =	ssyncset.done @!p0 $0x0  }
0x65: {  	[sflag:s0] =	ssyncadd.s32 @!p0 s1  }
0x66: {  	[bflag:$0x3] =	sbarrier.arrive $0xFFFF  }
0x67: {  	_ =	shalt  }

</sc_bundles>
